<compile_context>
chip_gen: v7x
topology: tpu7x:2x2x1
jax: 0.10.2.dev20260603
libtpu: 0.0.44.dev20260713+nightly
codegen_flags: <defaults>
</compile_context>

<pallas_src>
import functools

import jax
import jax.numpy as jnp
from jax import lax
from jax.experimental import pallas as pl
from jax.experimental.pallas import tpu as pltpu
from jax.experimental.pallas import tpu_sc as plsc

VOCAB = 1000000
HID = 64
B = 4096
L = 200
C0 = 128
C1 = L - C0

NC = 2
NS = 16
NW = NC * NS
BPW = B // NW
NVR = HID // 16
NCHUNK = 2 * BPW

BT = 32768
BH = BT // 2
TGRID = (VOCAB + BT - 1) // BT
VROWS = TGRID * BT


def _transpose_body(in_ref, out_ref):
    x = in_ref[...]
    z = jnp.concatenate([x[:, :BH], x[:, BH:]], axis=0)
    out_ref[...] = z.T


def _linearize(table_t):
    return pl.pallas_call(
        _transpose_body,
        grid=(TGRID,),
        in_specs=[pl.BlockSpec((HID, BT), lambda i: (0, i))],
        out_specs=pl.BlockSpec((BH, 128), lambda i: (i, 0)),
        out_shape=jax.ShapeDtypeStruct((TGRID * BH, 128), jnp.float32),
    )(table_t)


NBUF = 8


def _pool_body(inp_hbm, table_hbm, out_hbm, idx_v,
               rb0, rb1, rb2, rb3, rb4, rb5, rb6, rb7, bow_v,
               sem0, sem1, sem2, sem3, sem4, sem5, sem6, sem7):
    wid = lax.axis_index("s") * NC + lax.axis_index("c")
    base = wid * BPW
    pltpu.sync_copy(inp_hbm.at[pl.ds(base, BPW)], idx_v)

    rbufs = (rb0, rb1, rb2, rb3, rb4, rb5, rb6, rb7)
    sems = (sem0, sem1, sem2, sem3, sem4, sem5, sem6, sem7)
    sizes = tuple(C0 if b % 2 == 0 else C1 for b in range(NBUF))
    offs = tuple(0 if b % 2 == 0 else C0 for b in range(NBUF))

    def start(b, chunk):
        bag = chunk // 2
        return pltpu.async_copy(
            table_hbm.at[idx_v.at[bag, pl.ds(offs[b], sizes[b])]],
            rbufs[b], sems[b])

    def wait(b):
        pltpu.make_async_copy(
            table_hbm.at[idx_v.at[0, pl.ds(offs[b], sizes[b])]],
            rbufs[b], sems[b]).wait()

    def acc_chunk(rows_ref, n, accs):
        def row(i, accs):
            return tuple(a + rows_ref[i, pl.ds(16 * c, 16)]
                         for c, a in enumerate(accs))
        return lax.fori_loop(0, n, row, accs, unroll=8)

    for b in range(NBUF):
        start(b, b)

    scale = jnp.float32(1.0 / L)

    def bags(j, carry):
        c0 = NBUF * j
        for h in range(NBUF // 2):
            accs = tuple(jnp.zeros((16,), jnp.float32) for _ in range(NVR))
            wait(2 * h)
            accs = acc_chunk(rbufs[2 * h], C0, accs)
            start(2 * h, jnp.minimum(c0 + NBUF + 2 * h, NCHUNK - 2))
            wait(2 * h + 1)
            accs = acc_chunk(rbufs[2 * h + 1], C1, accs)
            bag = (NBUF // 2) * j + h
            for c in range(NVR):
                bow_v[bag, pl.ds(16 * c, 16)] = accs[c] * scale
            start(2 * h + 1, jnp.minimum(c0 + NBUF + 2 * h + 1, NCHUNK - 1))
        return carry

    lax.fori_loop(0, BPW // (NBUF // 2), bags, 0)
    for b in range(NBUF):
        wait(b)
    pltpu.sync_copy(bow_v, out_hbm.at[pl.ds(base, BPW)])


_pool = functools.partial(
    pl.kernel,
    mesh=plsc.VectorSubcoreMesh(core_axis_name="c", subcore_axis_name="s"),
    out_type=jax.ShapeDtypeStruct((B, HID), jnp.float32),
    compiler_params=pltpu.CompilerParams(use_tc_tiling_on_sc=False),
    scratch_types=(
        [pltpu.VMEM((BPW, L), jnp.int32)]
        + [pltpu.VMEM((C0 if b % 2 == 0 else C1, HID), jnp.float32)
           for b in range(NBUF)]
        + [pltpu.VMEM((BPW, HID), jnp.float32)]
        + [pltpu.SemaphoreType.DMA] * NBUF
    ),
)(_pool_body)


def _head_body(bow_ref, labels_ref, w1_ref, b1_ref, gamma_ref, beta_ref,
               w2_ref, b2_ref, logits_ref, loss_ref):
    bow = bow_ref[...]
    h = jnp.dot(bow, w1_ref[...], preferred_element_type=jnp.float32)
    h = h + b1_ref[...]
    mean = jnp.mean(h, axis=0, keepdims=True)
    d = h - mean
    var = jnp.mean(d * d, axis=0, keepdims=True)
    hn = d * lax.rsqrt(var + 1e-5) * gamma_ref[...] + beta_ref[...]
    x = jnp.maximum(hn, 0.0)
    logits = jnp.dot(x, w2_ref[...], preferred_element_type=jnp.float32)
    logits = logits + b2_ref[...]
    logits_ref[...] = logits
    lab = labels_ref[...]
    per = (jnp.maximum(logits, 0.0) - logits * lab
           + jnp.log1p(jnp.exp(-jnp.abs(logits))))
    loss_ref[...] = (jnp.sum(per) * (1.0 / B))[None, None]


def kernel(inp, labels, table, W1, b1, gamma, beta, W2, b2):
    inp32 = inp.astype(jnp.int32)
    idx = ((inp32 & ~jnp.int32(BT - 1))
           | ((inp32 & (BH - 1)) << 1)
           | ((inp32 >> (BH.bit_length() - 1)) & 1))
    table_lin = _linearize(table.T).reshape(VROWS, HID)
    bow = _pool(idx, table_lin)
    logits2, loss2 = pl.pallas_call(
        _head_body,
        out_shape=(
            jax.ShapeDtypeStruct((B, 1), jnp.float32),
            jax.ShapeDtypeStruct((1, 1), jnp.float32),
        ),
    )(bow, labels.reshape(B, 1), W1, b1.reshape(1, HID),
      gamma.reshape(1, HID), beta.reshape(1, HID), W2, b2.reshape(1, 1))
    return (loss2[0, 0], logits2[:, 0])

# --- scband reference (transcript-rebuilt; emitter-appended) ---
"""Pipeline reference for scband-bow-model-9474697855288 (READ-ONLY COPY).

The authoritative reference and input builder live on the scoring server;
editing this copy changes nothing except your own understanding.
"""

import jax, jax.numpy as jnp
import numpy as np

VOCAB = 1000000
HID = 64
B = 4096
L = 200


def setup_inputs(seed: int = 0) -> dict:
    key = jax.random.key(seed)
    ks = jax.random.split(key, 8)
    inp = jax.random.randint(ks[0], (B, L), 0, VOCAB, dtype=jnp.int64 if jax.config.jax_enable_x64 else jnp.int32)
    labels = jax.random.uniform(ks[1], (B,), dtype=jnp.float32)
    table = jax.random.normal(ks[2], (VOCAB, HID), dtype=jnp.float32)
    W1 = jax.random.normal(ks[3], (HID, HID), dtype=jnp.float32) * (1.0 / np.sqrt(HID))
    b1 = jnp.zeros((HID,), dtype=jnp.float32)
    gamma = jnp.ones((HID,), dtype=jnp.float32)
    beta = jnp.zeros((HID,), dtype=jnp.float32)
    W2 = jax.random.normal(ks[4], (HID, 1), dtype=jnp.float32) * (1.0 / np.sqrt(HID))
    b2 = jnp.zeros((1,), dtype=jnp.float32)
    return {"inp": inp, "labels": labels, "table": table, "W1": W1, "b1": b1,
            "gamma": gamma, "beta": beta, "W2": W2, "b2": b2}


def reference(inp, labels, table, W1, b1, gamma, beta, W2, b2):
    # Bag-of-words embedding: gather per-token embeddings then mean over the bag.
    embed = jnp.take(table, inp, axis=0)          # [B, L, HID]
    bow = embed.mean(axis=1)                      # [B, HID]
    # Linear -> BatchNorm1d (training-mode batch stats, biased var, eps=1e-5) -> ReLU
    h = bow @ W1 + b1
    mean = h.mean(axis=0)
    var = h.var(axis=0)
    hn = (h - mean) / jnp.sqrt(var + 1e-5) * gamma + beta
    x = jax.nn.relu(hn)
    # Dropout(p=0.5) treated as identity (eval-mode determinism)
    logits = (x @ W2 + b2)[:, 0]                  # [B]
    # BCEWithLogitsLoss (mean reduction), numerically stable form
    loss = jnp.mean(jnp.maximum(logits, 0.0) - logits * labels + jnp.log1p(jnp.exp(-jnp.abs(logits))))
    return (loss, logits)

if __name__ == "__main__":
    import jax
    _d = setup_inputs()
    print(jax.jit(kernel)(*tuple(_d.values())))

</pallas_src>

<mosaic_0001>
#map = affine_map<(d0, d1) -> (0, 0)>
module attributes {stable_mosaic.version = 14 : i64} {
  func.func @_pool_body(%arg0: i32, %arg1: i32, %arg2: memref<4096x200xi32, #tpu.memory_space<hbm>>, %arg3: memref<1015808x64xf32, #tpu.memory_space<hbm>>, %arg4: memref<4096x64xf32, #tpu.memory_space<hbm>>, %arg5: memref<128x200xi32, #tpu.memory_space<vmem>>, %arg6: memref<128x64xf32, #tpu.memory_space<vmem>>, %arg7: memref<72x64xf32, #tpu.memory_space<vmem>>, %arg8: memref<128x64xf32, #tpu.memory_space<vmem>>, %arg9: memref<72x64xf32, #tpu.memory_space<vmem>>, %arg10: memref<128x64xf32, #tpu.memory_space<vmem>>, %arg11: memref<72x64xf32, #tpu.memory_space<vmem>>, %arg12: memref<128x64xf32, #tpu.memory_space<vmem>>, %arg13: memref<72x64xf32, #tpu.memory_space<vmem>>, %arg14: memref<128x64xf32, #tpu.memory_space<vmem>>, %arg15: memref<!tpu.dma_semaphore, #tpu.memory_space<semaphore_mem>>, %arg16: memref<!tpu.dma_semaphore, #tpu.memory_space<semaphore_mem>>, %arg17: memref<!tpu.dma_semaphore, #tpu.memory_space<semaphore_mem>>, %arg18: memref<!tpu.dma_semaphore, #tpu.memory_space<semaphore_mem>>, %arg19: memref<!tpu.dma_semaphore, #tpu.memory_space<semaphore_mem>>, %arg20: memref<!tpu.dma_semaphore, #tpu.memory_space<semaphore_mem>>, %arg21: memref<!tpu.dma_semaphore, #tpu.memory_space<semaphore_mem>>, %arg22: memref<!tpu.dma_semaphore, #tpu.memory_space<semaphore_mem>>) attributes {dimension_semantics = [#tpu.dimension_semantics<core_parallel>, #tpu.dimension_semantics<subcore_parallel>], iteration_bounds = array<i64: 2, 16>, scalar_prefetch = 0 : i64, scratch_operands = 18 : i64, tpu.core_type = #tpu.core_type<sc_vector_subcore>, window_params = [{transform_indices = #map}, {transform_indices = #map}, {transform_indices = #map}]} {
    %mul3A = arith.constant 2 : i32
    %mul3A_0 = arith.muli %arg1, %mul3A : i32
    %add3A = arith.addi %mul3A_0, %arg0 : i32
    %mul3A_1 = arith.constant 128 : i32
    %mul3A_2 = arith.muli %add3A, %mul3A_1 : i32
    "tpu.region"() ({
      %run_scoped3A = tpu.sem_alloc : memref<!tpu.dma_semaphore, #tpu.memory_space<semaphore_mem>>
      %dma_start3A_119 = arith.constant 0 : i32
      %dma_start3A_120 = tpu.memref_slice %arg2[%mul3A_2, %dma_start3A_119] : memref<4096x200xi32, #tpu.memory_space<hbm>> -> memref<128x200xi32, #tpu.memory_space<hbm>>
      %dma_start3A_121 = arith.constant 0 : i32
      %dma_start3A_122 = tpu.memref_slice %arg2[%mul3A_2, %dma_start3A_121] : memref<4096x200xi32, #tpu.memory_space<hbm>> -> memref<128x200xi32, #tpu.memory_space<hbm>>
      tpu.enqueue_dma source(%dma_start3A_122 : memref<128x200xi32, #tpu.memory_space<hbm>>) target(%arg5 : memref<128x200xi32, #tpu.memory_space<vmem>>) target_semaphore(%run_scoped3A : memref<!tpu.dma_semaphore, #tpu.memory_space<semaphore_mem>>)
      %dma_wait3A_123 = arith.constant 0 : i32
      %dma_wait3A_124 = tpu.memref_slice %arg2[%mul3A_2, %dma_wait3A_123] : memref<4096x200xi32, #tpu.memory_space<hbm>> -> memref<128x200xi32, #tpu.memory_space<hbm>>
      %dma_wait3A_125 = arith.constant 0 : i32
      %dma_wait3A_126 = tpu.memref_slice %arg2[%mul3A_2, %dma_wait3A_125] : memref<4096x200xi32, #tpu.memory_space<hbm>> -> memref<128x200xi32, #tpu.memory_space<hbm>>
      tpu.wait_dma2 semaphore(%run_scoped3A : memref<!tpu.dma_semaphore, #tpu.memory_space<semaphore_mem>>) src(%dma_wait3A_126 : memref<128x200xi32, #tpu.memory_space<hbm>>) dst(%arg5 : memref<128x200xi32, #tpu.memory_space<vmem>>)
      tpu.yield
    }) : () -> ()
    %dma_start3A = arith.constant 0 : i32
    %dma_start3A_3 = arith.constant 0 : i32
    %dma_start3A_4 = tpu.memref_slice %arg5[%dma_start3A, %dma_start3A_3] : memref<128x200xi32, #tpu.memory_space<vmem>> -> memref<1x128xi32, #tpu.memory_space<vmem>>
    %dma_start3A_5 = tpu.memref_squeeze %dma_start3A_4 : memref<1x128xi32, #tpu.memory_space<vmem>> -> memref<128xi32, #tpu.memory_space<vmem>>
    %dma_start3A_6 = arith.constant 0 : i32
    %dma_start3A_7 = arith.constant 0 : i32
    %dma_start3A_8 = tpu.memref_slice %arg3[%dma_start3A_6, %dma_start3A_7] : memref<1015808x64xf32, #tpu.memory_space<hbm>> -> memref<1015808x64xf32, #tpu.memory_space<hbm>>
    tpu.enqueue_indirect_dma source(%dma_start3A_8 : memref<1015808x64xf32, #tpu.memory_space<hbm>>) target(%arg6 : memref<128x64xf32, #tpu.memory_space<vmem>>) offsets(%dma_start3A_5 : memref<128xi32, #tpu.memory_space<vmem>>) semaphore(%arg15 : memref<!tpu.dma_semaphore, #tpu.memory_space<semaphore_mem>>)
    %dma_start3A_9 = arith.constant 0 : i32
    %dma_start3A_10 = arith.constant 128 : i32
    %dma_start3A_11 = tpu.memref_slice %arg5[%dma_start3A_9, %dma_start3A_10] : memref<128x200xi32, #tpu.memory_space<vmem>> -> memref<1x72xi32, #tpu.memory_space<vmem>>
    %dma_start3A_12 = tpu.memref_squeeze %dma_start3A_11 : memref<1x72xi32, #tpu.memory_space<vmem>> -> memref<72xi32, #tpu.memory_space<vmem>>
    %dma_start3A_13 = arith.constant 0 : i32
    %dma_start3A_14 = arith.constant 0 : i32
    %dma_start3A_15 = tpu.memref_slice %arg3[%dma_start3A_13, %dma_start3A_14] : memref<1015808x64xf32, #tpu.memory_space<hbm>> -> memref<1015808x64xf32, #tpu.memory_space<hbm>>
    tpu.enqueue_indirect_dma source(%dma_start3A_15 : memref<1015808x64xf32, #tpu.memory_space<hbm>>) target(%arg7 : memref<72x64xf32, #tpu.memory_space<vmem>>) offsets(%dma_start3A_12 : memref<72xi32, #tpu.memory_space<vmem>>) semaphore(%arg16 : memref<!tpu.dma_semaphore, #tpu.memory_space<semaphore_mem>>)
    %dma_start3A_16 = arith.constant 1 : i32
    %dma_start3A_17 = arith.constant 0 : i32
    %dma_start3A_18 = tpu.memref_slice %arg5[%dma_start3A_16, %dma_start3A_17] : memref<128x200xi32, #tpu.memory_space<vmem>> -> memref<1x128xi32, #tpu.memory_space<vmem>>
    %dma_start3A_19 = tpu.memref_squeeze %dma_start3A_18 : memref<1x128xi32, #tpu.memory_space<vmem>> -> memref<128xi32, #tpu.memory_space<vmem>>
    %dma_start3A_20 = arith.constant 0 : i32
    %dma_start3A_21 = arith.constant 0 : i32
    %dma_start3A_22 = tpu.memref_slice %arg3[%dma_start3A_20, %dma_start3A_21] : memref<1015808x64xf32, #tpu.memory_space<hbm>> -> memref<1015808x64xf32, #tpu.memory_space<hbm>>
    tpu.enqueue_indirect_dma source(%dma_start3A_22 : memref<1015808x64xf32, #tpu.memory_space<hbm>>) target(%arg8 : memref<128x64xf32, #tpu.memory_space<vmem>>) offsets(%dma_start3A_19 : memref<128xi32, #tpu.memory_space<vmem>>) semaphore(%arg17 : memref<!tpu.dma_semaphore, #tpu.memory_space<semaphore_mem>>)
    %dma_start3A_23 = arith.constant 1 : i32
    %dma_start3A_24 = arith.constant 128 : i32
    %dma_start3A_25 = tpu.memref_slice %arg5[%dma_start3A_23, %dma_start3A_24] : memref<128x200xi32, #tpu.memory_space<vmem>> -> memref<1x72xi32, #tpu.memory_space<vmem>>
    %dma_start3A_26 = tpu.memref_squeeze %dma_start3A_25 : memref<1x72xi32, #tpu.memory_space<vmem>> -> memref<72xi32, #tpu.memory_space<vmem>>
    %dma_start3A_27 = arith.constant 0 : i32
    %dma_start3A_28 = arith.constant 0 : i32
    %dma_start3A_29 = tpu.memref_slice %arg3[%dma_start3A_27, %dma_start3A_28] : memref<1015808x64xf32, #tpu.memory_space<hbm>> -> memref<1015808x64xf32, #tpu.memory_space<hbm>>
    tpu.enqueue_indirect_dma source(%dma_start3A_29 : memref<1015808x64xf32, #tpu.memory_space<hbm>>) target(%arg9 : memref<72x64xf32, #tpu.memory_space<vmem>>) offsets(%dma_start3A_26 : memref<72xi32, #tpu.memory_space<vmem>>) semaphore(%arg18 : memref<!tpu.dma_semaphore, #tpu.memory_space<semaphore_mem>>)
    %dma_start3A_30 = arith.constant 2 : i32
    %dma_start3A_31 = arith.constant 0 : i32
    %dma_start3A_32 = tpu.memref_slice %arg5[%dma_start3A_30, %dma_start3A_31] : memref<128x200xi32, #tpu.memory_space<vmem>> -> memref<1x128xi32, #tpu.memory_space<vmem>>
    %dma_start3A_33 = tpu.memref_squeeze %dma_start3A_32 : memref<1x128xi32, #tpu.memory_space<vmem>> -> memref<128xi32, #tpu.memory_space<vmem>>
    %dma_start3A_34 = arith.constant 0 : i32
    %dma_start3A_35 = arith.constant 0 : i32
    %dma_start3A_36 = tpu.memref_slice %arg3[%dma_start3A_34, %dma_start3A_35] : memref<1015808x64xf32, #tpu.memory_space<hbm>> -> memref<1015808x64xf32, #tpu.memory_space<hbm>>
    tpu.enqueue_indirect_dma source(%dma_start3A_36 : memref<1015808x64xf32, #tpu.memory_space<hbm>>) target(%arg10 : memref<128x64xf32, #tpu.memory_space<vmem>>) offsets(%dma_start3A_33 : memref<128xi32, #tpu.memory_space<vmem>>) semaphore(%arg19 : memref<!tpu.dma_semaphore, #tpu.memory_space<semaphore_mem>>)
    %dma_start3A_37 = arith.constant 2 : i32
    %dma_start3A_38 = arith.constant 128 : i32
    %dma_start3A_39 = tpu.memref_slice %arg5[%dma_start3A_37, %dma_start3A_38] : memref<128x200xi32, #tpu.memory_space<vmem>> -> memref<1x72xi32, #tpu.memory_space<vmem>>
    %dma_start3A_40 = tpu.memref_squeeze %dma_start3A_39 : memref<1x72xi32, #tpu.memory_space<vmem>> -> memref<72xi32, #tpu.memory_space<vmem>>
    %dma_start3A_41 = arith.constant 0 : i32
    %dma_start3A_42 = arith.constant 0 : i32
    %dma_start3A_43 = tpu.memref_slice %arg3[%dma_start3A_41, %dma_start3A_42] : memref<1015808x64xf32, #tpu.memory_space<hbm>> -> memref<1015808x64xf32, #tpu.memory_space<hbm>>
    tpu.enqueue_indirect_dma source(%dma_start3A_43 : memref<1015808x64xf32, #tpu.memory_space<hbm>>) target(%arg11 : memref<72x64xf32, #tpu.memory_space<vmem>>) offsets(%dma_start3A_40 : memref<72xi32, #tpu.memory_space<vmem>>) semaphore(%arg20 : memref<!tpu.dma_semaphore, #tpu.memory_space<semaphore_mem>>)
    %dma_start3A_44 = arith.constant 3 : i32
    %dma_start3A_45 = arith.constant 0 : i32
    %dma_start3A_46 = tpu.memref_slice %arg5[%dma_start3A_44, %dma_start3A_45] : memref<128x200xi32, #tpu.memory_space<vmem>> -> memref<1x128xi32, #tpu.memory_space<vmem>>
    %dma_start3A_47 = tpu.memref_squeeze %dma_start3A_46 : memref<1x128xi32, #tpu.memory_space<vmem>> -> memref<128xi32, #tpu.memory_space<vmem>>
    %dma_start3A_48 = arith.constant 0 : i32
    %dma_start3A_49 = arith.constant 0 : i32
    %dma_start3A_50 = tpu.memref_slice %arg3[%dma_start3A_48, %dma_start3A_49] : memref<1015808x64xf32, #tpu.memory_space<hbm>> -> memref<1015808x64xf32, #tpu.memory_space<hbm>>
    tpu.enqueue_indirect_dma source(%dma_start3A_50 : memref<1015808x64xf32, #tpu.memory_space<hbm>>) target(%arg12 : memref<128x64xf32, #tpu.memory_space<vmem>>) offsets(%dma_start3A_47 : memref<128xi32, #tpu.memory_space<vmem>>) semaphore(%arg21 : memref<!tpu.dma_semaphore, #tpu.memory_space<semaphore_mem>>)
    %dma_start3A_51 = arith.constant 3 : i32
    %dma_start3A_52 = arith.constant 128 : i32
    %dma_start3A_53 = tpu.memref_slice %arg5[%dma_start3A_51, %dma_start3A_52] : memref<128x200xi32, #tpu.memory_space<vmem>> -> memref<1x72xi32, #tpu.memory_space<vmem>>
    %dma_start3A_54 = tpu.memref_squeeze %dma_start3A_53 : memref<1x72xi32, #tpu.memory_space<vmem>> -> memref<72xi32, #tpu.memory_space<vmem>>
    %dma_start3A_55 = arith.constant 0 : i32
    %dma_start3A_56 = arith.constant 0 : i32
    %dma_start3A_57 = tpu.memref_slice %arg3[%dma_start3A_55, %dma_start3A_56] : memref<1015808x64xf32, #tpu.memory_space<hbm>> -> memref<1015808x64xf32, #tpu.memory_space<hbm>>
    tpu.enqueue_indirect_dma source(%dma_start3A_57 : memref<1015808x64xf32, #tpu.memory_space<hbm>>) target(%arg13 : memref<72x64xf32, #tpu.memory_space<vmem>>) offsets(%dma_start3A_54 : memref<72xi32, #tpu.memory_space<vmem>>) semaphore(%arg22 : memref<!tpu.dma_semaphore, #tpu.memory_space<semaphore_mem>>)
    %scan3A = arith.constant 0 : i32
    %scan3A_58 = arith.constant 5.000000e-03 : f32
    %scan3A_59 = arith.constant 0 : i32
    %scan3A_60 = arith.constant 32 : i32
    %scan3A_61 = arith.addi %scan3A_59, %scan3A_60 : i32
    %scan3A_62 = arith.constant 1 : i32
    scf.for %scan3A_119 = %scan3A_59 to %scan3A_61 step %scan3A_62  : i32 {
      %mul3A_120 = arith.constant 8 : i32
      %mul3A_121 = arith.muli %mul3A_120, %scan3A_119 : i32
      %broadcast_in_dim3A = arith.constant 0.000000e+00 : f32
      %broadcast_in_dim3A_122 = vector.broadcast %broadcast_in_dim3A : f32 to vector<16xf32>
      %broadcast_in_dim3A_123 = arith.constant 0.000000e+00 : f32
      %broadcast_in_dim3A_124 = vector.broadcast %broadcast_in_dim3A_123 : f32 to vector<16xf32>
      %broadcast_in_dim3A_125 = arith.constant 0.000000e+00 : f32
      %broadcast_in_dim3A_126 = vector.broadcast %broadcast_in_dim3A_125 : f32 to vector<16xf32>
      %broadcast_in_dim3A_127 = arith.constant 0.000000e+00 : f32
      %broadcast_in_dim3A_128 = vector.broadcast %broadcast_in_dim3A_127 : f32 to vector<16xf32>
      %dma_wait3A_129 = arith.constant 0 : i32
      %dma_wait3A_130 = arith.constant 0 : i32
      %dma_wait3A_131 = tpu.memref_slice %arg5[%dma_wait3A_129, %dma_wait3A_130] : memref<128x200xi32, #tpu.memory_space<vmem>> -> memref<1x128xi32, #tpu.memory_space<vmem>>
      %dma_wait3A_132 = tpu.memref_squeeze %dma_wait3A_131 : memref<1x128xi32, #tpu.memory_space<vmem>> -> memref<128xi32, #tpu.memory_space<vmem>>
      %dma_wait3A_133 = arith.constant 0 : i32
      %dma_wait3A_134 = arith.constant 0 : i32
      %dma_wait3A_135 = tpu.memref_slice %arg3[%dma_wait3A_133, %dma_wait3A_134] : memref<1015808x64xf32, #tpu.memory_space<hbm>> -> memref<1015808x64xf32, #tpu.memory_space<hbm>>
      tpu.wait_indirect_dma semaphore(%arg15 : memref<!tpu.dma_semaphore, #tpu.memory_space<semaphore_mem>>) src(%dma_wait3A_135 : memref<1015808x64xf32, #tpu.memory_space<hbm>>) dst(%arg6 : memref<128x64xf32, #tpu.memory_space<vmem>>)
      %scan3A_136 = arith.constant 0 : i32
      %scan3A_137 = arith.constant 128 : i32
      %scan3A_138 = arith.addi %scan3A_136, %scan3A_137 : i32
      %scan3A_139 = arith.constant 8 : i32
      %scan3A_140:4 = scf.for %scan3A_671 = %scan3A_136 to %scan3A_138 step %scan3A_139 iter_args(%scan3A_672 = %broadcast_in_dim3A_122, %scan3A_673 = %broadcast_in_dim3A_124, %scan3A_674 = %broadcast_in_dim3A_126, %scan3A_675 = %broadcast_in_dim3A_128) -> (vector<16xf32>, vector<16xf32>, vector<16xf32>, vector<16xf32>)  : i32 {
        %get3A = arith.index_cast %scan3A_671 : i32 to index
        %get3A_676 = arith.constant 0 : index
        %get3A_677 = tpu.vector_load %arg6[%get3A, %get3A_676] {strides = array<i32>} : memref<128x64xf32, #tpu.memory_space<vmem>>, vector<1x16xf32>,
        %get3A_678 = vector.shape_cast %get3A_677 : vector<1x16xf32> to vector<16xf32>
        %add3A_679 = arith.addf %scan3A_672, %get3A_678 : vector<16xf32>
        %get3A_680 = arith.index_cast %scan3A_671 : i32 to index
        %get3A_681 = arith.constant 16 : index
        %get3A_682 = tpu.vector_load %arg6[%get3A_680, %get3A_681] {strides = array<i32>} : memref<128x64xf32, #tpu.memory_space<vmem>>, vector<1x16xf32>,
        %get3A_683 = vector.shape_cast %get3A_682 : vector<1x16xf32> to vector<16xf32>
        %add3A_684 = arith.addf %scan3A_673, %get3A_683 : vector<16xf32>
        %get3A_685 = arith.index_cast %scan3A_671 : i32 to index
        %get3A_686 = arith.constant 32 : index
        %get3A_687 = tpu.vector_load %arg6[%get3A_685, %get3A_686] {strides = array<i32>} : memref<128x64xf32, #tpu.memory_space<vmem>>, vector<1x16xf32>,
        %get3A_688 = vector.shape_cast %get3A_687 : vector<1x16xf32> to vector<16xf32>
        %add3A_689 = arith.addf %scan3A_674, %get3A_688 : vector<16xf32>
        %get3A_690 = arith.index_cast %scan3A_671 : i32 to index
        %get3A_691 = arith.constant 48 : index
        %get3A_692 = tpu.vector_load %arg6[%get3A_690, %get3A_691] {strides = array<i32>} : memref<128x64xf32, #tpu.memory_space<vmem>>, vector<1x16xf32>,
        %get3A_693 = vector.shape_cast %get3A_692 : vector<1x16xf32> to vector<16xf32>
        %add3A_694 = arith.addf %scan3A_675, %get3A_693 : vector<16xf32>
        %scan3A_695 = arith.constant 1 : i32
        %scan3A_696 = arith.addi %scan3A_671, %scan3A_695 : i32
        %get3A_697 = arith.index_cast %scan3A_696 : i32 to index
        %get3A_698 = arith.constant 0 : index
        %get3A_699 = tpu.vector_load %arg6[%get3A_697, %get3A_698] {strides = array<i32>} : memref<128x64xf32, #tpu.memory_space<vmem>>, vector<1x16xf32>,
        %get3A_700 = vector.shape_cast %get3A_699 : vector<1x16xf32> to vector<16xf32>
        %add3A_701 = arith.addf %add3A_679, %get3A_700 : vector<16xf32>
        %get3A_702 = arith.index_cast %scan3A_696 : i32 to index
        %get3A_703 = arith.constant 16 : index
        %get3A_704 = tpu.vector_load %arg6[%get3A_702, %get3A_703] {strides = array<i32>} : memref<128x64xf32, #tpu.memory_space<vmem>>, vector<1x16xf32>,
        %get3A_705 = vector.shape_cast %get3A_704 : vector<1x16xf32> to vector<16xf32>
        %add3A_706 = arith.addf %add3A_684, %get3A_705 : vector<16xf32>
        %get3A_707 = arith.index_cast %scan3A_696 : i32 to index
        %get3A_708 = arith.constant 32 : index
        %get3A_709 = tpu.vector_load %arg6[%get3A_707, %get3A_708] {strides = array<i32>} : memref<128x64xf32, #tpu.memory_space<vmem>>, vector<1x16xf32>,
        %get3A_710 = vector.shape_cast %get3A_709 : vector<1x16xf32> to vector<16xf32>
        %add3A_711 = arith.addf %add3A_689, %get3A_710 : vector<16xf32>
        %get3A_712 = arith.index_cast %scan3A_696 : i32 to index
        %get3A_713 = arith.constant 48 : index
        %get3A_714 = tpu.vector_load %arg6[%get3A_712, %get3A_713] {strides = array<i32>} : memref<128x64xf32, #tpu.memory_space<vmem>>, vector<1x16xf32>,
        %get3A_715 = vector.shape_cast %get3A_714 : vector<1x16xf32> to vector<16xf32>
        %add3A_716 = arith.addf %add3A_694, %get3A_715 : vector<16xf32>
        %scan3A_717 = arith.constant 2 : i32
        %scan3A_718 = arith.addi %scan3A_671, %scan3A_717 : i32
        %get3A_719 = arith.index_cast %scan3A_718 : i32 to index
        %get3A_720 = arith.constant 0 : index
        %get3A_721 = tpu.vector_load %arg6[%get3A_719, %get3A_720] {strides = array<i32>} : memref<128x64xf32, #tpu.memory_space<vmem>>, vector<1x16xf32>,
        %get3A_722 = vector.shape_cast %get3A_721 : vector<1x16xf32> to vector<16xf32>
        %add3A_723 = arith.addf %add3A_701, %get3A_722 : vector<16xf32>
        %get3A_724 = arith.index_cast %scan3A_718 : i32 to index
        %get3A_725 = arith.constant 16 : index
        %get3A_726 = tpu.vector_load %arg6[%get3A_724, %get3A_725] {strides = array<i32>} : memref<128x64xf32, #tpu.memory_space<vmem>>, vector<1x16xf32>,
        %get3A_727 = vector.shape_cast %get3A_726 : vector<1x16xf32> to vector<16xf32>
        %add3A_728 = arith.addf %add3A_706, %get3A_727 : vector<16xf32>
        %get3A_729 = arith.index_cast %scan3A_718 : i32 to index
        %get3A_730 = arith.constant 32 : index
        %get3A_731 = tpu.vector_load %arg6[%get3A_729, %get3A_730] {strides = array<i32>} : memref<128x64xf32, #tpu.memory_space<vmem>>, vector<1x16xf32>,
        %get3A_732 = vector.shape_cast %get3A_731 : vector<1x16xf32> to vector<16xf32>
        %add3A_733 = arith.addf %add3A_711, %get3A_732 : vector<16xf32>
        %get3A_734 = arith.index_cast %scan3A_718 : i32 to index
        %get3A_735 = arith.constant 48 : index
        %get3A_736 = tpu.vector_load %arg6[%get3A_734, %get3A_735] {strides = array<i32>} : memref<128x64xf32, #tpu.memory_space<vmem>>, vector<1x16xf32>,
        %get3A_737 = vector.shape_cast %get3A_736 : vector<1x16xf32> to vector<16xf32>
        %add3A_738 = arith.addf %add3A_716, %get3A_737 : vector<16xf32>
        %scan3A_739 = arith.constant 3 : i32
        %scan3A_740 = arith.addi %scan3A_671, %scan3A_739 : i32
        %get3A_741 = arith.index_cast %scan3A_740 : i32 to index
        %get3A_742 = arith.constant 0 : index
        %get3A_743 = tpu.vector_load %arg6[%get3A_741, %get3A_742] {strides = array<i32>} : memref<128x64xf32, #tpu.memory_space<vmem>>, vector<1x16xf32>,
        %get3A_744 = vector.shape_cast %get3A_743 : vector<1x16xf32> to vector<16xf32>
        %add3A_745 = arith.addf %add3A_723, %get3A_744 : vector<16xf32>
        %get3A_746 = arith.index_cast %scan3A_740 : i32 to index
        %get3A_747 = arith.constant 16 : index
        %get3A_748 = tpu.vector_load %arg6[%get3A_746, %get3A_747] {strides = array<i32>} : memref<128x64xf32, #tpu.memory_space<vmem>>, vector<1x16xf32>,
        %get3A_749 = vector.shape_cast %get3A_748 : vector<1x16xf32> to vector<16xf32>
        %add3A_750 = arith.addf %add3A_728, %get3A_749 : vector<16xf32>
        %get3A_751 = arith.index_cast %scan3A_740 : i32 to index
        %get3A_752 = arith.constant 32 : index
        %get3A_753 = tpu.vector_load %arg6[%get3A_751, %get3A_752] {strides = array<i32>} : memref<128x64xf32, #tpu.memory_space<vmem>>, vector<1x16xf32>,
        %get3A_754 = vector.shape_cast %get3A_753 : vector<1x16xf32> to vector<16xf32>
        %add3A_755 = arith.addf %add3A_733, %get3A_754 : vector<16xf32>
        %get3A_756 = arith.index_cast %scan3A_740 : i32 to index
        %get3A_757 = arith.constant 48 : index
        %get3A_758 = tpu.vector_load %arg6[%get3A_756, %get3A_757] {strides = array<i32>} : memref<128x64xf32, #tpu.memory_space<vmem>>, vector<1x16xf32>,
        %get3A_759 = vector.shape_cast %get3A_758 : vector<1x16xf32> to vector<16xf32>
        %add3A_760 = arith.addf %add3A_738, %get3A_759 : vector<16xf32>
        %scan3A_761 = arith.constant 4 : i32
        %scan3A_762 = arith.addi %scan3A_671, %scan3A_761 : i32
        %get3A_763 = arith.index_cast %scan3A_762 : i32 to index
        %get3A_764 = arith.constant 0 : index
        %get3A_765 = tpu.vector_load %arg6[%get3A_763, %get3A_764] {strides = array<i32>} : memref<128x64xf32, #tpu.memory_space<vmem>>, vector<1x16xf32>,
        %get3A_766 = vector.shape_cast %get3A_765 : vector<1x16xf32> to vector<16xf32>
        %add3A_767 = arith.addf %add3A_745, %get3A_766 : vector<16xf32>
        %get3A_768 = arith.index_cast %scan3A_762 : i32 to index
        %get3A_769 = arith.constant 16 : index
        %get3A_770 = tpu.vector_load %arg6[%get3A_768, %get3A_769] {strides = array<i32>} : memref<128x64xf32, #tpu.memory_space<vmem>>, vector<1x16xf32>,
        %get3A_771 = vector.shape_cast %get3A_770 : vector<1x16xf32> to vector<16xf32>
        %add3A_772 = arith.addf %add3A_750, %get3A_771 : vector<16xf32>
        %get3A_773 = arith.index_cast %scan3A_762 : i32 to index
        %get3A_774 = arith.constant 32 : index
        %get3A_775 = tpu.vector_load %arg6[%get3A_773, %get3A_774] {strides = array<i32>} : memref<128x64xf32, #tpu.memory_space<vmem>>, vector<1x16xf32>,
        %get3A_776 = vector.shape_cast %get3A_775 : vector<1x16xf32> to vector<16xf32>
        %add3A_777 = arith.addf %add3A_755, %get3A_776 : vector<16xf32>
        %get3A_778 = arith.index_cast %scan3A_762 : i32 to index
        %get3A_779 = arith.constant 48 : index
        %get3A_780 = tpu.vector_load %arg6[%get3A_778, %get3A_779] {strides = array<i32>} : memref<128x64xf32, #tpu.memory_space<vmem>>, vector<1x16xf32>,
        %get3A_781 = vector.shape_cast %get3A_780 : vector<1x16xf32> to vector<16xf32>
        %add3A_782 = arith.addf %add3A_760, %get3A_781 : vector<16xf32>
        %scan3A_783 = arith.constant 5 : i32
        %scan3A_784 = arith.addi %scan3A_671, %scan3A_783 : i32
        %get3A_785 = arith.index_cast %scan3A_784 : i32 to index
        %get3A_786 = arith.constant 0 : index
        %get3A_787 = tpu.vector_load %arg6[%get3A_785, %get3A_786] {strides = array<i32>} : memref<128x64xf32, #tpu.memory_space<vmem>>, vector<1x16xf32>,
        %get3A_788 = vector.shape_cast %get3A_787 : vector<1x16xf32> to vector<16xf32>
        %add3A_789 = arith.addf %add3A_767, %get3A_788 : vector<16xf32>
        %get3A_790 = arith.index_cast %scan3A_784 : i32 to index
        %get3A_791 = arith.constant 16 : index
        %get3A_792 = tpu.vector_load %arg6[%get3A_790, %get3A_791] {strides = array<i32>} : memref<128x64xf32, #tpu.memory_space<vmem>>, vector<1x16xf32>,
        %get3A_793 = vector.shape_cast %get3A_792 : vector<1x16xf32> to vector<16xf32>
        %add3A_794 = arith.addf %add3A_772, %get3A_793 : vector<16xf32>
        %get3A_795 = arith.index_cast %scan3A_784 : i32 to index
        %get3A_796 = arith.constant 32 : index
        %get3A_797 = tpu.vector_load %arg6[%get3A_795, %get3A_796] {strides = array<i32>} : memref<128x64xf32, #tpu.memory_space<vmem>>, vector<1x16xf32>,
        %get3A_798 = vector.shape_cast %get3A_797 : vector<1x16xf32> to vector<16xf32>
        %add3A_799 = arith.addf %add3A_777, %get3A_798 : vector<16xf32>
        %get3A_800 = arith.index_cast %scan3A_784 : i32 to index
        %get3A_801 = arith.constant 48 : index
        %get3A_802 = tpu.vector_load %arg6[%get3A_800, %get3A_801] {strides = array<i32>} : memref<128x64xf32, #tpu.memory_space<vmem>>, vector<1x16xf32>,
        %get3A_803 = vector.shape_cast %get3A_802 : vector<1x16xf32> to vector<16xf32>
        %add3A_804 = arith.addf %add3A_782, %get3A_803 : vector<16xf32>
        %scan3A_805 = arith.constant 6 : i32
        %scan3A_806 = arith.addi %scan3A_671, %scan3A_805 : i32
        %get3A_807 = arith.index_cast %scan3A_806 : i32 to index
        %get3A_808 = arith.constant 0 : index
        %get3A_809 = tpu.vector_load %arg6[%get3A_807, %get3A_808] {strides = array<i32>} : memref<128x64xf32, #tpu.memory_space<vmem>>, vector<1x16xf32>,
        %get3A_810 = vector.shape_cast %get3A_809 : vector<1x16xf32> to vector<16xf32>
        %add3A_811 = arith.addf %add3A_789, %get3A_810 : vector<16xf32>
        %get3A_812 = arith.index_cast %scan3A_806 : i32 to index
        %get3A_813 = arith.constant 16 : index
        %get3A_814 = tpu.vector_load %arg6[%get3A_812, %get3A_813] {strides = array<i32>} : memref<128x64xf32, #tpu.memory_space<vmem>>, vector<1x16xf32>,
        %get3A_815 = vector.shape_cast %get3A_814 : vector<1x16xf32> to vector<16xf32>
        %add3A_816 = arith.addf %add3A_794, %get3A_815 : vector<16xf32>
        %get3A_817 = arith.index_cast %scan3A_806 : i32 to index
        %get3A_818 = arith.constant 32 : index
        %get3A_819 = tpu.vector_load %arg6[%get3A_817, %get3A_818] {strides = array<i32>} : memref<128x64xf32, #tpu.memory_space<vmem>>, vector<1x16xf32>,
        %get3A_820 = vector.shape_cast %get3A_819 : vector<1x16xf32> to vector<16xf32>
        %add3A_821 = arith.addf %add3A_799, %get3A_820 : vector<16xf32>
        %get3A_822 = arith.index_cast %scan3A_806 : i32 to index
        %get3A_823 = arith.constant 48 : index
        %get3A_824 = tpu.vector_load %arg6[%get3A_822, %get3A_823] {strides = array<i32>} : memref<128x64xf32, #tpu.memory_space<vmem>>, vector<1x16xf32>,
        %get3A_825 = vector.shape_cast %get3A_824 : vector<1x16xf32> to vector<16xf32>
        %add3A_826 = arith.addf %add3A_804, %get3A_825 : vector<16xf32>
        %scan3A_827 = arith.constant 7 : i32
        %scan3A_828 = arith.addi %scan3A_671, %scan3A_827 : i32
        %get3A_829 = arith.index_cast %scan3A_828 : i32 to index
        %get3A_830 = arith.constant 0 : index
        %get3A_831 = tpu.vector_load %arg6[%get3A_829, %get3A_830] {strides = array<i32>} : memref<128x64xf32, #tpu.memory_space<vmem>>, vector<1x16xf32>,
        %get3A_832 = vector.shape_cast %get3A_831 : vector<1x16xf32> to vector<16xf32>
        %add3A_833 = arith.addf %add3A_811, %get3A_832 : vector<16xf32>
        %get3A_834 = arith.index_cast %scan3A_828 : i32 to index
        %get3A_835 = arith.constant 16 : index
        %get3A_836 = tpu.vector_load %arg6[%get3A_834, %get3A_835] {strides = array<i32>} : memref<128x64xf32, #tpu.memory_space<vmem>>, vector<1x16xf32>,
        %get3A_837 = vector.shape_cast %get3A_836 : vector<1x16xf32> to vector<16xf32>
        %add3A_838 = arith.addf %add3A_816, %get3A_837 : vector<16xf32>
        %get3A_839 = arith.index_cast %scan3A_828 : i32 to index
        %get3A_840 = arith.constant 32 : index
        %get3A_841 = tpu.vector_load %arg6[%get3A_839, %get3A_840] {strides = array<i32>} : memref<128x64xf32, #tpu.memory_space<vmem>>, vector<1x16xf32>,
        %get3A_842 = vector.shape_cast %get3A_841 : vector<1x16xf32> to vector<16xf32>
        %add3A_843 = arith.addf %add3A_821, %get3A_842 : vector<16xf32>
        %get3A_844 = arith.index_cast %scan3A_828 : i32 to index
        %get3A_845 = arith.constant 48 : index
        %get3A_846 = tpu.vector_load %arg6[%get3A_844, %get3A_845] {strides = array<i32>} : memref<128x64xf32, #tpu.memory_space<vmem>>, vector<1x16xf32>,
        %get3A_847 = vector.shape_cast %get3A_846 : vector<1x16xf32> to vector<16xf32>
        %add3A_848 = arith.addf %add3A_826, %get3A_847 : vector<16xf32>
        scf.yield %add3A_833, %add3A_838, %add3A_843, %add3A_848 : vector<16xf32>, vector<16xf32>, vector<16xf32>, vector<16xf32>
      }
      %scan3A_141 = arith.constant 128 : i32
      %add3A_142 = arith.constant 8 : i32
      %add3A_143 = arith.addi %mul3A_121, %add3A_142 : i32
      %add3A_144 = arith.constant 0 : i32
      %add3A_145 = arith.addi %add3A_143, %add3A_144 : i32
      %min3A = arith.constant 254 : i32
      %min3A_146 = arith.minsi %add3A_145, %min3A : i32
      %jit3A = arith.constant 2 : i32
      %div3A = arith.divsi %min3A_146, %jit3A : i32
      %sign3A = arith.constant 0 : i32
      %sign3A_147 = arith.cmpi sgt, %min3A_146, %sign3A : i32
      %sign3A_148 = arith.extui %sign3A_147 : i1 to i32
      %sign3A_149 = arith.constant 0 : i32
      %sign3A_150 = arith.cmpi slt, %min3A_146, %sign3A_149 : i32
      %sign3A_151 = arith.extui %sign3A_150 : i1 to i32
      %sign3A_152 = arith.subi %sign3A_148, %sign3A_151 : i32
      %sign3A_153 = arith.constant 0 : i32
      %sign3A_154 = arith.cmpi sgt, %jit3A, %sign3A_153 : i32
      %sign3A_155 = arith.extui %sign3A_154 : i1 to i32
      %sign3A_156 = arith.constant 0 : i32
      %sign3A_157 = arith.cmpi slt, %jit3A, %sign3A_156 : i32
      %sign3A_158 = arith.extui %sign3A_157 : i1 to i32
      %sign3A_159 = arith.subi %sign3A_155, %sign3A_158 : i32
      %ne3A = arith.cmpi ne, %sign3A_152, %sign3A_159 : i32
      %rem3A = arith.remsi %min3A_146, %jit3A : i32
      %ne3A_160 = arith.constant 0 : i32
      %ne3A_161 = arith.cmpi ne, %rem3A, %ne3A_160 : i32
      %and3A = arith.andi %ne3A, %ne3A_161 : i1
      %sub3A = arith.constant 1 : i32
      %sub3A_162 = arith.subi %div3A, %sub3A : i32
      %select_n3A = arith.select %and3A, %sub3A_162, %div3A : i32
      %dma_start3A_163 = arith.constant 0 : i32
      %dma_start3A_164 = tpu.memref_slice %arg5[%select_n3A, %dma_start3A_163] : memref<128x200xi32, #tpu.memory_space<vmem>> -> memref<1x128xi32, #tpu.memory_space<vmem>>
      %dma_start3A_165 = tpu.memref_squeeze %dma_start3A_164 : memref<1x128xi32, #tpu.memory_space<vmem>> -> memref<128xi32, #tpu.memory_space<vmem>>
      %dma_start3A_166 = arith.constant 0 : i32
      %dma_start3A_167 = arith.constant 0 : i32
      %dma_start3A_168 = tpu.memref_slice %arg3[%dma_start3A_166, %dma_start3A_167] : memref<1015808x64xf32, #tpu.memory_space<hbm>> -> memref<1015808x64xf32, #tpu.memory_space<hbm>>
      tpu.enqueue_indirect_dma source(%dma_start3A_168 : memref<1015808x64xf32, #tpu.memory_space<hbm>>) target(%arg6 : memref<128x64xf32, #tpu.memory_space<vmem>>) offsets(%dma_start3A_165 : memref<128xi32, #tpu.memory_space<vmem>>) semaphore(%arg15 : memref<!tpu.dma_semaphore, #tpu.memory_space<semaphore_mem>>)
      %dma_wait3A_169 = arith.constant 0 : i32
      %dma_wait3A_170 = arith.constant 128 : i32
      %dma_wait3A_171 = tpu.memref_slice %arg5[%dma_wait3A_169, %dma_wait3A_170] : memref<128x200xi32, #tpu.memory_space<vmem>> -> memref<1x72xi32, #tpu.memory_space<vmem>>
      %dma_wait3A_172 = tpu.memref_squeeze %dma_wait3A_171 : memref<1x72xi32, #tpu.memory_space<vmem>> -> memref<72xi32, #tpu.memory_space<vmem>>
      %dma_wait3A_173 = arith.constant 0 : i32
      %dma_wait3A_174 = arith.constant 0 : i32
      %dma_wait3A_175 = tpu.memref_slice %arg3[%dma_wait3A_173, %dma_wait3A_174] : memref<1015808x64xf32, #tpu.memory_space<hbm>> -> memref<1015808x64xf32, #tpu.memory_space<hbm>>
      tpu.wait_indirect_dma semaphore(%arg16 : memref<!tpu.dma_semaphore, #tpu.memory_space<semaphore_mem>>) src(%dma_wait3A_175 : memref<1015808x64xf32, #tpu.memory_space<hbm>>) dst(%arg7 : memref<72x64xf32, #tpu.memory_space<vmem>>)
      %scan3A_176 = arith.constant 0 : i32
      %scan3A_177 = arith.constant 72 : i32
      %scan3A_178 = arith.addi %scan3A_176, %scan3A_177 : i32
      %scan3A_179 = arith.constant 8 : i32
      %scan3A_180:4 = scf.for %scan3A_671 = %scan3A_176 to %scan3A_178 step %scan3A_179 iter_args(%scan3A_672 = %scan3A_140#0, %scan3A_673 = %scan3A_140#1, %scan3A_674 = %scan3A_140#2, %scan3A_675 = %scan3A_140#3) -> (vector<16xf32>, vector<16xf32>, vector<16xf32>, vector<16xf32>)  : i32 {
        %get3A = arith.index_cast %scan3A_671 : i32 to index
        %get3A_676 = arith.constant 0 : index
        %get3A_677 = tpu.vector_load %arg7[%get3A, %get3A_676] {strides = array<i32>} : memref<72x64xf32, #tpu.memory_space<vmem>>, vector<1x16xf32>,
        %get3A_678 = vector.shape_cast %get3A_677 : vector<1x16xf32> to vector<16xf32>
        %add3A_679 = arith.addf %scan3A_672, %get3A_678 : vector<16xf32>
        %get3A_680 = arith.index_cast %scan3A_671 : i32 to index
        %get3A_681 = arith.constant 16 : index
        %get3A_682 = tpu.vector_load %arg7[%get3A_680, %get3A_681] {strides = array<i32>} : memref<72x64xf32, #tpu.memory_space<vmem>>, vector<1x16xf32>,
        %get3A_683 = vector.shape_cast %get3A_682 : vector<1x16xf32> to vector<16xf32>
        %add3A_684 = arith.addf %scan3A_673, %get3A_683 : vector<16xf32>
        %get3A_685 = arith.index_cast %scan3A_671 : i32 to index
        %get3A_686 = arith.constant 32 : index
        %get3A_687 = tpu.vector_load %arg7[%get3A_685, %get3A_686] {strides = array<i32>} : memref<72x64xf32, #tpu.memory_space<vmem>>, vector<1x16xf32>,
        %get3A_688 = vector.shape_cast %get3A_687 : vector<1x16xf32> to vector<16xf32>
        %add3A_689 = arith.addf %scan3A_674, %get3A_688 : vector<16xf32>
        %get3A_690 = arith.index_cast %scan3A_671 : i32 to index
        %get3A_691 = arith.constant 48 : index
        %get3A_692 = tpu.vector_load %arg7[%get3A_690, %get3A_691] {strides = array<i32>} : memref<72x64xf32, #tpu.memory_space<vmem>>, vector<1x16xf32>,
        %get3A_693 = vector.shape_cast %get3A_692 : vector<1x16xf32> to vector<16xf32>
        %add3A_694 = arith.addf %scan3A_675, %get3A_693 : vector<16xf32>
        %scan3A_695 = arith.constant 1 : i32
        %scan3A_696 = arith.addi %scan3A_671, %scan3A_695 : i32
        %get3A_697 = arith.index_cast %scan3A_696 : i32 to index
        %get3A_698 = arith.constant 0 : index
        %get3A_699 = tpu.vector_load %arg7[%get3A_697, %get3A_698] {strides = array<i32>} : memref<72x64xf32, #tpu.memory_space<vmem>>, vector<1x16xf32>,
        %get3A_700 = vector.shape_cast %get3A_699 : vector<1x16xf32> to vector<16xf32>
        %add3A_701 = arith.addf %add3A_679, %get3A_700 : vector<16xf32>
        %get3A_702 = arith.index_cast %scan3A_696 : i32 to index
        %get3A_703 = arith.constant 16 : index
        %get3A_704 = tpu.vector_load %arg7[%get3A_702, %get3A_703] {strides = array<i32>} : memref<72x64xf32, #tpu.memory_space<vmem>>, vector<1x16xf32>,
        %get3A_705 = vector.shape_cast %get3A_704 : vector<1x16xf32> to vector<16xf32>
        %add3A_706 = arith.addf %add3A_684, %get3A_705 : vector<16xf32>
        %get3A_707 = arith.index_cast %scan3A_696 : i32 to index
        %get3A_708 = arith.constant 32 : index
        %get3A_709 = tpu.vector_load %arg7[%get3A_707, %get3A_708] {strides = array<i32>} : memref<72x64xf32, #tpu.memory_space<vmem>>, vector<1x16xf32>,
        %get3A_710 = vector.shape_cast %get3A_709 : vector<1x16xf32> to vector<16xf32>
        %add3A_711 = arith.addf %add3A_689, %get3A_710 : vector<16xf32>
        %get3A_712 = arith.index_cast %scan3A_696 : i32 to index
        %get3A_713 = arith.constant 48 : index
        %get3A_714 = tpu.vector_load %arg7[%get3A_712, %get3A_713] {strides = array<i32>} : memref<72x64xf32, #tpu.memory_space<vmem>>, vector<1x16xf32>,
        %get3A_715 = vector.shape_cast %get3A_714 : vector<1x16xf32> to vector<16xf32>
        %add3A_716 = arith.addf %add3A_694, %get3A_715 : vector<16xf32>
        %scan3A_717 = arith.constant 2 : i32
        %scan3A_718 = arith.addi %scan3A_671, %scan3A_717 : i32
        %get3A_719 = arith.index_cast %scan3A_718 : i32 to index
        %get3A_720 = arith.constant 0 : index
        %get3A_721 = tpu.vector_load %arg7[%get3A_719, %get3A_720] {strides = array<i32>} : memref<72x64xf32, #tpu.memory_space<vmem>>, vector<1x16xf32>,
        %get3A_722 = vector.shape_cast %get3A_721 : vector<1x16xf32> to vector<16xf32>
        %add3A_723 = arith.addf %add3A_701, %get3A_722 : vector<16xf32>
        %get3A_724 = arith.index_cast %scan3A_718 : i32 to index
        %get3A_725 = arith.constant 16 : index
        %get3A_726 = tpu.vector_load %arg7[%get3A_724, %get3A_725] {strides = array<i32>} : memref<72x64xf32, #tpu.memory_space<vmem>>, vector<1x16xf32>,
        %get3A_727 = vector.shape_cast %get3A_726 : vector<1x16xf32> to vector<16xf32>
        %add3A_728 = arith.addf %add3A_706, %get3A_727 : vector<16xf32>
        %get3A_729 = arith.index_cast %scan3A_718 : i32 to index
        %get3A_730 = arith.constant 32 : index
        %get3A_731 = tpu.vector_load %arg7[%get3A_729, %get3A_730] {strides = array<i32>} : memref<72x64xf32, #tpu.memory_space<vmem>>, vector<1x16xf32>,
        %get3A_732 = vector.shape_cast %get3A_731 : vector<1x16xf32> to vector<16xf32>
        %add3A_733 = arith.addf %add3A_711, %get3A_732 : vector<16xf32>
        %get3A_734 = arith.index_cast %scan3A_718 : i32 to index
        %get3A_735 = arith.constant 48 : index
        %get3A_736 = tpu.vector_load %arg7[%get3A_734, %get3A_735] {strides = array<i32>} : memref<72x64xf32, #tpu.memory_space<vmem>>, vector<1x16xf32>,
        %get3A_737 = vector.shape_cast %get3A_736 : vector<1x16xf32> to vector<16xf32>
        %add3A_738 = arith.addf %add3A_716, %get3A_737 : vector<16xf32>
        %scan3A_739 = arith.constant 3 : i32
        %scan3A_740 = arith.addi %scan3A_671, %scan3A_739 : i32
        %get3A_741 = arith.index_cast %scan3A_740 : i32 to index
        %get3A_742 = arith.constant 0 : index
        %get3A_743 = tpu.vector_load %arg7[%get3A_741, %get3A_742] {strides = array<i32>} : memref<72x64xf32, #tpu.memory_space<vmem>>, vector<1x16xf32>,
        %get3A_744 = vector.shape_cast %get3A_743 : vector<1x16xf32> to vector<16xf32>
        %add3A_745 = arith.addf %add3A_723, %get3A_744 : vector<16xf32>
        %get3A_746 = arith.index_cast %scan3A_740 : i32 to index
        %get3A_747 = arith.constant 16 : index
        %get3A_748 = tpu.vector_load %arg7[%get3A_746, %get3A_747] {strides = array<i32>} : memref<72x64xf32, #tpu.memory_space<vmem>>, vector<1x16xf32>,
        %get3A_749 = vector.shape_cast %get3A_748 : vector<1x16xf32> to vector<16xf32>
        %add3A_750 = arith.addf %add3A_728, %get3A_749 : vector<16xf32>
        %get3A_751 = arith.index_cast %scan3A_740 : i32 to index
        %get3A_752 = arith.constant 32 : index
        %get3A_753 = tpu.vector_load %arg7[%get3A_751, %get3A_752] {strides = array<i32>} : memref<72x64xf32, #tpu.memory_space<vmem>>, vector<1x16xf32>,
        %get3A_754 = vector.shape_cast %get3A_753 : vector<1x16xf32> to vector<16xf32>
        %add3A_755 = arith.addf %add3A_733, %get3A_754 : vector<16xf32>
        %get3A_756 = arith.index_cast %scan3A_740 : i32 to index
        %get3A_757 = arith.constant 48 : index
        %get3A_758 = tpu.vector_load %arg7[%get3A_756, %get3A_757] {strides = array<i32>} : memref<72x64xf32, #tpu.memory_space<vmem>>, vector<1x16xf32>,
        %get3A_759 = vector.shape_cast %get3A_758 : vector<1x16xf32> to vector<16xf32>
        %add3A_760 = arith.addf %add3A_738, %get3A_759 : vector<16xf32>
        %scan3A_761 = arith.constant 4 : i32
        %scan3A_762 = arith.addi %scan3A_671, %scan3A_761 : i32
        %get3A_763 = arith.index_cast %scan3A_762 : i32 to index
        %get3A_764 = arith.constant 0 : index
        %get3A_765 = tpu.vector_load %arg7[%get3A_763, %get3A_764] {strides = array<i32>} : memref<72x64xf32, #tpu.memory_space<vmem>>, vector<1x16xf32>,
        %get3A_766 = vector.shape_cast %get3A_765 : vector<1x16xf32> to vector<16xf32>
        %add3A_767 = arith.addf %add3A_745, %get3A_766 : vector<16xf32>
        %get3A_768 = arith.index_cast %scan3A_762 : i32 to index
        %get3A_769 = arith.constant 16 : index
        %get3A_770 = tpu.vector_load %arg7[%get3A_768, %get3A_769] {strides = array<i32>} : memref<72x64xf32, #tpu.memory_space<vmem>>, vector<1x16xf32>,
        %get3A_771 = vector.shape_cast %get3A_770 : vector<1x16xf32> to vector<16xf32>
        %add3A_772 = arith.addf %add3A_750, %get3A_771 : vector<16xf32>
        %get3A_773 = arith.index_cast %scan3A_762 : i32 to index
        %get3A_774 = arith.constant 32 : index
        %get3A_775 = tpu.vector_load %arg7[%get3A_773, %get3A_774] {strides = array<i32>} : memref<72x64xf32, #tpu.memory_space<vmem>>, vector<1x16xf32>,
        %get3A_776 = vector.shape_cast %get3A_775 : vector<1x16xf32> to vector<16xf32>
        %add3A_777 = arith.addf %add3A_755, %get3A_776 : vector<16xf32>
        %get3A_778 = arith.index_cast %scan3A_762 : i32 to index
        %get3A_779 = arith.constant 48 : index
        %get3A_780 = tpu.vector_load %arg7[%get3A_778, %get3A_779] {strides = array<i32>} : memref<72x64xf32, #tpu.memory_space<vmem>>, vector<1x16xf32>,
        %get3A_781 = vector.shape_cast %get3A_780 : vector<1x16xf32> to vector<16xf32>
        %add3A_782 = arith.addf %add3A_760, %get3A_781 : vector<16xf32>
        %scan3A_783 = arith.constant 5 : i32
        %scan3A_784 = arith.addi %scan3A_671, %scan3A_783 : i32
        %get3A_785 = arith.index_cast %scan3A_784 : i32 to index
        %get3A_786 = arith.constant 0 : index
        %get3A_787 = tpu.vector_load %arg7[%get3A_785, %get3A_786] {strides = array<i32>} : memref<72x64xf32, #tpu.memory_space<vmem>>, vector<1x16xf32>,
        %get3A_788 = vector.shape_cast %get3A_787 : vector<1x16xf32> to vector<16xf32>
        %add3A_789 = arith.addf %add3A_767, %get3A_788 : vector<16xf32>
        %get3A_790 = arith.index_cast %scan3A_784 : i32 to index
        %get3A_791 = arith.constant 16 : index
        %get3A_792 = tpu.vector_load %arg7[%get3A_790, %get3A_791] {strides = array<i32>} : memref<72x64xf32, #tpu.memory_space<vmem>>, vector<1x16xf32>,
        %get3A_793 = vector.shape_cast %get3A_792 : vector<1x16xf32> to vector<16xf32>
        %add3A_794 = arith.addf %add3A_772, %get3A_793 : vector<16xf32>
        %get3A_795 = arith.index_cast %scan3A_784 : i32 to index
        %get3A_796 = arith.constant 32 : index
        %get3A_797 = tpu.vector_load %arg7[%get3A_795, %get3A_796] {strides = array<i32>} : memref<72x64xf32, #tpu.memory_space<vmem>>, vector<1x16xf32>,
        %get3A_798 = vector.shape_cast %get3A_797 : vector<1x16xf32> to vector<16xf32>
        %add3A_799 = arith.addf %add3A_777, %get3A_798 : vector<16xf32>
        %get3A_800 = arith.index_cast %scan3A_784 : i32 to index
        %get3A_801 = arith.constant 48 : index
        %get3A_802 = tpu.vector_load %arg7[%get3A_800, %get3A_801] {strides = array<i32>} : memref<72x64xf32, #tpu.memory_space<vmem>>, vector<1x16xf32>,
        %get3A_803 = vector.shape_cast %get3A_802 : vector<1x16xf32> to vector<16xf32>
        %add3A_804 = arith.addf %add3A_782, %get3A_803 : vector<16xf32>
        %scan3A_805 = arith.constant 6 : i32
        %scan3A_806 = arith.addi %scan3A_671, %scan3A_805 : i32
        %get3A_807 = arith.index_cast %scan3A_806 : i32 to index
        %get3A_808 = arith.constant 0 : index
        %get3A_809 = tpu.vector_load %arg7[%get3A_807, %get3A_808] {strides = array<i32>} : memref<72x64xf32, #tpu.memory_space<vmem>>, vector<1x16xf32>,
        %get3A_810 = vector.shape_cast %get3A_809 : vector<1x16xf32> to vector<16xf32>
        %add3A_811 = arith.addf %add3A_789, %get3A_810 : vector<16xf32>
        %get3A_812 = arith.index_cast %scan3A_806 : i32 to index
        %get3A_813 = arith.constant 16 : index
        %get3A_814 = tpu.vector_load %arg7[%get3A_812, %get3A_813] {strides = array<i32>} : memref<72x64xf32, #tpu.memory_space<vmem>>, vector<1x16xf32>,
        %get3A_815 = vector.shape_cast %get3A_814 : vector<1x16xf32> to vector<16xf32>
        %add3A_816 = arith.addf %add3A_794, %get3A_815 : vector<16xf32>
        %get3A_817 = arith.index_cast %scan3A_806 : i32 to index
        %get3A_818 = arith.constant 32 : index
        %get3A_819 = tpu.vector_load %arg7[%get3A_817, %get3A_818] {strides = array<i32>} : memref<72x64xf32, #tpu.memory_space<vmem>>, vector<1x16xf32>,
        %get3A_820 = vector.shape_cast %get3A_819 : vector<1x16xf32> to vector<16xf32>
        %add3A_821 = arith.addf %add3A_799, %get3A_820 : vector<16xf32>
        %get3A_822 = arith.index_cast %scan3A_806 : i32 to index
        %get3A_823 = arith.constant 48 : index
        %get3A_824 = tpu.vector_load %arg7[%get3A_822, %get3A_823] {strides = array<i32>} : memref<72x64xf32, #tpu.memory_space<vmem>>, vector<1x16xf32>,
        %get3A_825 = vector.shape_cast %get3A_824 : vector<1x16xf32> to vector<16xf32>
        %add3A_826 = arith.addf %add3A_804, %get3A_825 : vector<16xf32>
        %scan3A_827 = arith.constant 7 : i32
        %scan3A_828 = arith.addi %scan3A_671, %scan3A_827 : i32
        %get3A_829 = arith.index_cast %scan3A_828 : i32 to index
        %get3A_830 = arith.constant 0 : index
        %get3A_831 = tpu.vector_load %arg7[%get3A_829, %get3A_830] {strides = array<i32>} : memref<72x64xf32, #tpu.memory_space<vmem>>, vector<1x16xf32>,
        %get3A_832 = vector.shape_cast %get3A_831 : vector<1x16xf32> to vector<16xf32>
        %add3A_833 = arith.addf %add3A_811, %get3A_832 : vector<16xf32>
        %get3A_834 = arith.index_cast %scan3A_828 : i32 to index
        %get3A_835 = arith.constant 16 : index
        %get3A_836 = tpu.vector_load %arg7[%get3A_834, %get3A_835] {strides = array<i32>} : memref<72x64xf32, #tpu.memory_space<vmem>>, vector<1x16xf32>,
        %get3A_837 = vector.shape_cast %get3A_836 : vector<1x16xf32> to vector<16xf32>
        %add3A_838 = arith.addf %add3A_816, %get3A_837 : vector<16xf32>
        %get3A_839 = arith.index_cast %scan3A_828 : i32 to index
        %get3A_840 = arith.constant 32 : index
        %get3A_841 = tpu.vector_load %arg7[%get3A_839, %get3A_840] {strides = array<i32>} : memref<72x64xf32, #tpu.memory_space<vmem>>, vector<1x16xf32>,
        %get3A_842 = vector.shape_cast %get3A_841 : vector<1x16xf32> to vector<16xf32>
        %add3A_843 = arith.addf %add3A_821, %get3A_842 : vector<16xf32>
        %get3A_844 = arith.index_cast %scan3A_828 : i32 to index
        %get3A_845 = arith.constant 48 : index
        %get3A_846 = tpu.vector_load %arg7[%get3A_844, %get3A_845] {strides = array<i32>} : memref<72x64xf32, #tpu.memory_space<vmem>>, vector<1x16xf32>,
        %get3A_847 = vector.shape_cast %get3A_846 : vector<1x16xf32> to vector<16xf32>
        %add3A_848 = arith.addf %add3A_826, %get3A_847 : vector<16xf32>
        scf.yield %add3A_833, %add3A_838, %add3A_843, %add3A_848 : vector<16xf32>, vector<16xf32>, vector<16xf32>, vector<16xf32>
      }
      %scan3A_181 = arith.constant 72 : i32
      %mul3A_182 = arith.constant 4 : i32
      %mul3A_183 = arith.muli %mul3A_182, %scan3A_119 : i32
      %add3A_184 = arith.constant 0 : i32
      %add3A_185 = arith.addi %mul3A_183, %add3A_184 : i32
      %mul3A_186 = vector.broadcast %scan3A_58 : f32 to vector<16xf32>
      %mul3A_187 = arith.mulf %scan3A_180#0, %mul3A_186 : vector<16xf32>
      %swap3A = arith.index_cast %add3A_185 : i32 to index
      %swap3A_188 = arith.constant 0 : index
      %swap3A_189 = tpu.vector_load %arg14[%swap3A, %swap3A_188] {strides = array<i32>} : memref<128x64xf32, #tpu.memory_space<vmem>>, vector<1x16xf32>,
      %swap3A_190 = vector.shape_cast %swap3A_189 : vector<1x16xf32> to vector<16xf32>
      %swap3A_191 = vector.shape_cast %mul3A_187 : vector<16xf32> to vector<1x16xf32>
      tpu.vector_store %arg14[%swap3A, %swap3A_188], %swap3A_191 {strides = array<i32>} : memref<128x64xf32, #tpu.memory_space<vmem>>, vector<1x16xf32>,
      %mul3A_192 = vector.broadcast %scan3A_58 : f32 to vector<16xf32>
      %mul3A_193 = arith.mulf %scan3A_180#1, %mul3A_192 : vector<16xf32>
      %swap3A_194 = arith.index_cast %add3A_185 : i32 to index
      %swap3A_195 = arith.constant 16 : index
      %swap3A_196 = tpu.vector_load %arg14[%swap3A_194, %swap3A_195] {strides = array<i32>} : memref<128x64xf32, #tpu.memory_space<vmem>>, vector<1x16xf32>,
      %swap3A_197 = vector.shape_cast %swap3A_196 : vector<1x16xf32> to vector<16xf32>
      %swap3A_198 = vector.shape_cast %mul3A_193 : vector<16xf32> to vector<1x16xf32>
      tpu.vector_store %arg14[%swap3A_194, %swap3A_195], %swap3A_198 {strides = array<i32>} : memref<128x64xf32, #tpu.memory_space<vmem>>, vector<1x16xf32>,
      %mul3A_199 = vector.broadcast %scan3A_58 : f32 to vector<16xf32>
      %mul3A_200 = arith.mulf %scan3A_180#2, %mul3A_199 : vector<16xf32>
      %swap3A_201 = arith.index_cast %add3A_185 : i32 to index
      %swap3A_202 = arith.constant 32 : index
      %swap3A_203 = tpu.vector_load %arg14[%swap3A_201, %swap3A_202] {strides = array<i32>} : memref<128x64xf32, #tpu.memory_space<vmem>>, vector<1x16xf32>,
      %swap3A_204 = vector.shape_cast %swap3A_203 : vector<1x16xf32> to vector<16xf32>
      %swap3A_205 = vector.shape_cast %mul3A_200 : vector<16xf32> to vector<1x16xf32>
      tpu.vector_store %arg14[%swap3A_201, %swap3A_202], %swap3A_205 {strides = array<i32>} : memref<128x64xf32, #tpu.memory_space<vmem>>, vector<1x16xf32>,
      %mul3A_206 = vector.broadcast %scan3A_58 : f32 to vector<16xf32>
      %mul3A_207 = arith.mulf %scan3A_180#3, %mul3A_206 : vector<16xf32>
      %swap3A_208 = arith.index_cast %add3A_185 : i32 to index
      %swap3A_209 = arith.constant 48 : index
      %swap3A_210 = tpu.vector_load %arg14[%swap3A_208, %swap3A_209] {strides = array<i32>} : memref<128x64xf32, #tpu.memory_space<vmem>>, vector<1x16xf32>,
      %swap3A_211 = vector.shape_cast %swap3A_210 : vector<1x16xf32> to vector<16xf32>
      %swap3A_212 = vector.shape_cast %mul3A_207 : vector<16xf32> to vector<1x16xf32>
      tpu.vector_store %arg14[%swap3A_208, %swap3A_209], %swap3A_212 {strides = array<i32>} : memref<128x64xf32, #tpu.memory_space<vmem>>, vector<1x16xf32>,
      %add3A_213 = arith.constant 8 : i32
      %add3A_214 = arith.addi %mul3A_121, %add3A_213 : i32
      %add3A_215 = arith.constant 0 : i32
      %add3A_216 = arith.addi %add3A_214, %add3A_215 : i32
      %add3A_217 = arith.constant 1 : i32
      %add3A_218 = arith.addi %add3A_216, %add3A_217 : i32
      %min3A_219 = arith.constant 255 : i32
      %min3A_220 = arith.minsi %add3A_218, %min3A_219 : i32
      %jit3A_221 = arith.constant 2 : i32
      %div3A_222 = arith.divsi %min3A_220, %jit3A_221 : i32
      %sign3A_223 = arith.constant 0 : i32
      %sign3A_224 = arith.cmpi sgt, %min3A_220, %sign3A_223 : i32
      %sign3A_225 = arith.extui %sign3A_224 : i1 to i32
      %sign3A_226 = arith.constant 0 : i32
      %sign3A_227 = arith.cmpi slt, %min3A_220, %sign3A_226 : i32
      %sign3A_228 = arith.extui %sign3A_227 : i1 to i32
      %sign3A_229 = arith.subi %sign3A_225, %sign3A_228 : i32
      %sign3A_230 = arith.constant 0 : i32
      %sign3A_231 = arith.cmpi sgt, %jit3A_221, %sign3A_230 : i32
      %sign3A_232 = arith.extui %sign3A_231 : i1 to i32
      %sign3A_233 = arith.constant 0 : i32
      %sign3A_234 = arith.cmpi slt, %jit3A_221, %sign3A_233 : i32
      %sign3A_235 = arith.extui %sign3A_234 : i1 to i32
      %sign3A_236 = arith.subi %sign3A_232, %sign3A_235 : i32
      %ne3A_237 = arith.cmpi ne, %sign3A_229, %sign3A_236 : i32
      %rem3A_238 = arith.remsi %min3A_220, %jit3A_221 : i32
      %ne3A_239 = arith.constant 0 : i32
      %ne3A_240 = arith.cmpi ne, %rem3A_238, %ne3A_239 : i32
      %and3A_241 = arith.andi %ne3A_237, %ne3A_240 : i1
      %sub3A_242 = arith.constant 1 : i32
      %sub3A_243 = arith.subi %div3A_222, %sub3A_242 : i32
      %select_n3A_244 = arith.select %and3A_241, %sub3A_243, %div3A_222 : i32
      %dma_start3A_245 = arith.constant 128 : i32
      %dma_start3A_246 = tpu.memref_slice %arg5[%select_n3A_244, %dma_start3A_245] : memref<128x200xi32, #tpu.memory_space<vmem>> -> memref<1x72xi32, #tpu.memory_space<vmem>>
      %dma_start3A_247 = tpu.memref_squeeze %dma_start3A_246 : memref<1x72xi32, #tpu.memory_space<vmem>> -> memref<72xi32, #tpu.memory_space<vmem>>
      %dma_start3A_248 = arith.constant 0 : i32
      %dma_start3A_249 = arith.constant 0 : i32
      %dma_start3A_250 = tpu.memref_slice %arg3[%dma_start3A_248, %dma_start3A_249] : memref<1015808x64xf32, #tpu.memory_space<hbm>> -> memref<1015808x64xf32, #tpu.memory_space<hbm>>
      tpu.enqueue_indirect_dma source(%dma_start3A_250 : memref<1015808x64xf32, #tpu.memory_space<hbm>>) target(%arg7 : memref<72x64xf32, #tpu.memory_space<vmem>>) offsets(%dma_start3A_247 : memref<72xi32, #tpu.memory_space<vmem>>) semaphore(%arg16 : memref<!tpu.dma_semaphore, #tpu.memory_space<semaphore_mem>>)
      %broadcast_in_dim3A_251 = arith.constant 0.000000e+00 : f32
      %broadcast_in_dim3A_252 = vector.broadcast %broadcast_in_dim3A_251 : f32 to vector<16xf32>
      %broadcast_in_dim3A_253 = arith.constant 0.000000e+00 : f32
      %broadcast_in_dim3A_254 = vector.broadcast %broadcast_in_dim3A_253 : f32 to vector<16xf32>
      %broadcast_in_dim3A_255 = arith.constant 0.000000e+00 : f32
      %broadcast_in_dim3A_256 = vector.broadcast %broadcast_in_dim3A_255 : f32 to vector<16xf32>
      %broadcast_in_dim3A_257 = arith.constant 0.000000e+00 : f32
      %broadcast_in_dim3A_258 = vector.broadcast %broadcast_in_dim3A_257 : f32 to vector<16xf32>
      %dma_wait3A_259 = arith.constant 0 : i32
      %dma_wait3A_260 = arith.constant 0 : i32
      %dma_wait3A_261 = tpu.memref_slice %arg5[%dma_wait3A_259, %dma_wait3A_260] : memref<128x200xi32, #tpu.memory_space<vmem>> -> memref<1x128xi32, #tpu.memory_space<vmem>>
      %dma_wait3A_262 = tpu.memref_squeeze %dma_wait3A_261 : memref<1x128xi32, #tpu.memory_space<vmem>> -> memref<128xi32, #tpu.memory_space<vmem>>
      %dma_wait3A_263 = arith.constant 0 : i32
      %dma_wait3A_264 = arith.constant 0 : i32
      %dma_wait3A_265 = tpu.memref_slice %arg3[%dma_wait3A_263, %dma_wait3A_264] : memref<1015808x64xf32, #tpu.memory_space<hbm>> -> memref<1015808x64xf32, #tpu.memory_space<hbm>>
      tpu.wait_indirect_dma semaphore(%arg17 : memref<!tpu.dma_semaphore, #tpu.memory_space<semaphore_mem>>) src(%dma_wait3A_265 : memref<1015808x64xf32, #tpu.memory_space<hbm>>) dst(%arg8 : memref<128x64xf32, #tpu.memory_space<vmem>>)
      %scan3A_266 = arith.constant 0 : i32
      %scan3A_267 = arith.constant 128 : i32
      %scan3A_268 = arith.addi %scan3A_266, %scan3A_267 : i32
      %scan3A_269 = arith.constant 8 : i32
      %scan3A_270:4 = scf.for %scan3A_671 = %scan3A_266 to %scan3A_268 step %scan3A_269 iter_args(%scan3A_672 = %broadcast_in_dim3A_252, %scan3A_673 = %broadcast_in_dim3A_254, %scan3A_674 = %broadcast_in_dim3A_256, %scan3A_675 = %broadcast_in_dim3A_258) -> (vector<16xf32>, vector<16xf32>, vector<16xf32>, vector<16xf32>)  : i32 {
        %get3A = arith.index_cast %scan3A_671 : i32 to index
        %get3A_676 = arith.constant 0 : index
        %get3A_677 = tpu.vector_load %arg8[%get3A, %get3A_676] {strides = array<i32>} : memref<128x64xf32, #tpu.memory_space<vmem>>, vector<1x16xf32>,
        %get3A_678 = vector.shape_cast %get3A_677 : vector<1x16xf32> to vector<16xf32>
        %add3A_679 = arith.addf %scan3A_672, %get3A_678 : vector<16xf32>
        %get3A_680 = arith.index_cast %scan3A_671 : i32 to index
        %get3A_681 = arith.constant 16 : index
        %get3A_682 = tpu.vector_load %arg8[%get3A_680, %get3A_681] {strides = array<i32>} : memref<128x64xf32, #tpu.memory_space<vmem>>, vector<1x16xf32>,
        %get3A_683 = vector.shape_cast %get3A_682 : vector<1x16xf32> to vector<16xf32>
        %add3A_684 = arith.addf %scan3A_673, %get3A_683 : vector<16xf32>
        %get3A_685 = arith.index_cast %scan3A_671 : i32 to index
        %get3A_686 = arith.constant 32 : index
        %get3A_687 = tpu.vector_load %arg8[%get3A_685, %get3A_686] {strides = array<i32>} : memref<128x64xf32, #tpu.memory_space<vmem>>, vector<1x16xf32>,
        %get3A_688 = vector.shape_cast %get3A_687 : vector<1x16xf32> to vector<16xf32>
        %add3A_689 = arith.addf %scan3A_674, %get3A_688 : vector<16xf32>
        %get3A_690 = arith.index_cast %scan3A_671 : i32 to index
        %get3A_691 = arith.constant 48 : index
        %get3A_692 = tpu.vector_load %arg8[%get3A_690, %get3A_691] {strides = array<i32>} : memref<128x64xf32, #tpu.memory_space<vmem>>, vector<1x16xf32>,
        %get3A_693 = vector.shape_cast %get3A_692 : vector<1x16xf32> to vector<16xf32>
        %add3A_694 = arith.addf %scan3A_675, %get3A_693 : vector<16xf32>
        %scan3A_695 = arith.constant 1 : i32
        %scan3A_696 = arith.addi %scan3A_671, %scan3A_695 : i32
        %get3A_697 = arith.index_cast %scan3A_696 : i32 to index
        %get3A_698 = arith.constant 0 : index
        %get3A_699 = tpu.vector_load %arg8[%get3A_697, %get3A_698] {strides = array<i32>} : memref<128x64xf32, #tpu.memory_space<vmem>>, vector<1x16xf32>,
        %get3A_700 = vector.shape_cast %get3A_699 : vector<1x16xf32> to vector<16xf32>
        %add3A_701 = arith.addf %add3A_679, %get3A_700 : vector<16xf32>
        %get3A_702 = arith.index_cast %scan3A_696 : i32 to index
        %get3A_703 = arith.constant 16 : index
        %get3A_704 = tpu.vector_load %arg8[%get3A_702, %get3A_703] {strides = array<i32>} : memref<128x64xf32, #tpu.memory_space<vmem>>, vector<1x16xf32>,
        %get3A_705 = vector.shape_cast %get3A_704 : vector<1x16xf32> to vector<16xf32>
        %add3A_706 = arith.addf %add3A_684, %get3A_705 : vector<16xf32>
        %get3A_707 = arith.index_cast %scan3A_696 : i32 to index
        %get3A_708 = arith.constant 32 : index
        %get3A_709 = tpu.vector_load %arg8[%get3A_707, %get3A_708] {strides = array<i32>} : memref<128x64xf32, #tpu.memory_space<vmem>>, vector<1x16xf32>,
        %get3A_710 = vector.shape_cast %get3A_709 : vector<1x16xf32> to vector<16xf32>
        %add3A_711 = arith.addf %add3A_689, %get3A_710 : vector<16xf32>
        %get3A_712 = arith.index_cast %scan3A_696 : i32 to index
        %get3A_713 = arith.constant 48 : index
        %get3A_714 = tpu.vector_load %arg8[%get3A_712, %get3A_713] {strides = array<i32>} : memref<128x64xf32, #tpu.memory_space<vmem>>, vector<1x16xf32>,
        %get3A_715 = vector.shape_cast %get3A_714 : vector<1x16xf32> to vector<16xf32>
        %add3A_716 = arith.addf %add3A_694, %get3A_715 : vector<16xf32>
        %scan3A_717 = arith.constant 2 : i32
        %scan3A_718 = arith.addi %scan3A_671, %scan3A_717 : i32
        %get3A_719 = arith.index_cast %scan3A_718 : i32 to index
        %get3A_720 = arith.constant 0 : index
        %get3A_721 = tpu.vector_load %arg8[%get3A_719, %get3A_720] {strides = array<i32>} : memref<128x64xf32, #tpu.memory_space<vmem>>, vector<1x16xf32>,
        %get3A_722 = vector.shape_cast %get3A_721 : vector<1x16xf32> to vector<16xf32>
        %add3A_723 = arith.addf %add3A_701, %get3A_722 : vector<16xf32>
        %get3A_724 = arith.index_cast %scan3A_718 : i32 to index
        %get3A_725 = arith.constant 16 : index
        %get3A_726 = tpu.vector_load %arg8[%get3A_724, %get3A_725] {strides = array<i32>} : memref<128x64xf32, #tpu.memory_space<vmem>>, vector<1x16xf32>,
        %get3A_727 = vector.shape_cast %get3A_726 : vector<1x16xf32> to vector<16xf32>
        %add3A_728 = arith.addf %add3A_706, %get3A_727 : vector<16xf32>
        %get3A_729 = arith.index_cast %scan3A_718 : i32 to index
        %get3A_730 = arith.constant 32 : index
        %get3A_731 = tpu.vector_load %arg8[%get3A_729, %get3A_730] {strides = array<i32>} : memref<128x64xf32, #tpu.memory_space<vmem>>, vector<1x16xf32>,
        %get3A_732 = vector.shape_cast %get3A_731 : vector<1x16xf32> to vector<16xf32>
        %add3A_733 = arith.addf %add3A_711, %get3A_732 : vector<16xf32>
        %get3A_734 = arith.index_cast %scan3A_718 : i32 to index
        %get3A_735 = arith.constant 48 : index
        %get3A_736 = tpu.vector_load %arg8[%get3A_734, %get3A_735] {strides = array<i32>} : memref<128x64xf32, #tpu.memory_space<vmem>>, vector<1x16xf32>,
        %get3A_737 = vector.shape_cast %get3A_736 : vector<1x16xf32> to vector<16xf32>
        %add3A_738 = arith.addf %add3A_716, %get3A_737 : vector<16xf32>
        %scan3A_739 = arith.constant 3 : i32
        %scan3A_740 = arith.addi %scan3A_671, %scan3A_739 : i32
        %get3A_741 = arith.index_cast %scan3A_740 : i32 to index
        %get3A_742 = arith.constant 0 : index
        %get3A_743 = tpu.vector_load %arg8[%get3A_741, %get3A_742] {strides = array<i32>} : memref<128x64xf32, #tpu.memory_space<vmem>>, vector<1x16xf32>,
        %get3A_744 = vector.shape_cast %get3A_743 : vector<1x16xf32> to vector<16xf32>
        %add3A_745 = arith.addf %add3A_723, %get3A_744 : vector<16xf32>
        %get3A_746 = arith.index_cast %scan3A_740 : i32 to index
        %get3A_747 = arith.constant 16 : index
        %get3A_748 = tpu.vector_load %arg8[%get3A_746, %get3A_747] {strides = array<i32>} : memref<128x64xf32, #tpu.memory_space<vmem>>, vector<1x16xf32>,
        %get3A_749 = vector.shape_cast %get3A_748 : vector<1x16xf32> to vector<16xf32>
        %add3A_750 = arith.addf %add3A_728, %get3A_749 : vector<16xf32>
        %get3A_751 = arith.index_cast %scan3A_740 : i32 to index
        %get3A_752 = arith.constant 32 : index
        %get3A_753 = tpu.vector_load %arg8[%get3A_751, %get3A_752] {strides = array<i32>} : memref<128x64xf32, #tpu.memory_space<vmem>>, vector<1x16xf32>,
        %get3A_754 = vector.shape_cast %get3A_753 : vector<1x16xf32> to vector<16xf32>
        %add3A_755 = arith.addf %add3A_733, %get3A_754 : vector<16xf32>
        %get3A_756 = arith.index_cast %scan3A_740 : i32 to index
        %get3A_757 = arith.constant 48 : index
        %get3A_758 = tpu.vector_load %arg8[%get3A_756, %get3A_757] {strides = array<i32>} : memref<128x64xf32, #tpu.memory_space<vmem>>, vector<1x16xf32>,
        %get3A_759 = vector.shape_cast %get3A_758 : vector<1x16xf32> to vector<16xf32>
        %add3A_760 = arith.addf %add3A_738, %get3A_759 : vector<16xf32>
        %scan3A_761 = arith.constant 4 : i32
        %scan3A_762 = arith.addi %scan3A_671, %scan3A_761 : i32
        %get3A_763 = arith.index_cast %scan3A_762 : i32 to index
        %get3A_764 = arith.constant 0 : index
        %get3A_765 = tpu.vector_load %arg8[%get3A_763, %get3A_764] {strides = array<i32>} : memref<128x64xf32, #tpu.memory_space<vmem>>, vector<1x16xf32>,
        %get3A_766 = vector.shape_cast %get3A_765 : vector<1x16xf32> to vector<16xf32>
        %add3A_767 = arith.addf %add3A_745, %get3A_766 : vector<16xf32>
        %get3A_768 = arith.index_cast %scan3A_762 : i32 to index
        %get3A_769 = arith.constant 16 : index
        %get3A_770 = tpu.vector_load %arg8[%get3A_768, %get3A_769] {strides = array<i32>} : memref<128x64xf32, #tpu.memory_space<vmem>>, vector<1x16xf32>,
        %get3A_771 = vector.shape_cast %get3A_770 : vector<1x16xf32> to vector<16xf32>
        %add3A_772 = arith.addf %add3A_750, %get3A_771 : vector<16xf32>
        %get3A_773 = arith.index_cast %scan3A_762 : i32 to index
        %get3A_774 = arith.constant 32 : index
        %get3A_775 = tpu.vector_load %arg8[%get3A_773, %get3A_774] {strides = array<i32>} : memref<128x64xf32, #tpu.memory_space<vmem>>, vector<1x16xf32>,
        %get3A_776 = vector.shape_cast %get3A_775 : vector<1x16xf32> to vector<16xf32>
        %add3A_777 = arith.addf %add3A_755, %get3A_776 : vector<16xf32>
        %get3A_778 = arith.index_cast %scan3A_762 : i32 to index
        %get3A_779 = arith.constant 48 : index
        %get3A_780 = tpu.vector_load %arg8[%get3A_778, %get3A_779] {strides = array<i32>} : memref<128x64xf32, #tpu.memory_space<vmem>>, vector<1x16xf32>,
        %get3A_781 = vector.shape_cast %get3A_780 : vector<1x16xf32> to vector<16xf32>
        %add3A_782 = arith.addf %add3A_760, %get3A_781 : vector<16xf32>
        %scan3A_783 = arith.constant 5 : i32
        %scan3A_784 = arith.addi %scan3A_671, %scan3A_783 : i32
        %get3A_785 = arith.index_cast %scan3A_784 : i32 to index
        %get3A_786 = arith.constant 0 : index
        %get3A_787 = tpu.vector_load %arg8[%get3A_785, %get3A_786] {strides = array<i32>} : memref<128x64xf32, #tpu.memory_space<vmem>>, vector<1x16xf32>,
        %get3A_788 = vector.shape_cast %get3A_787 : vector<1x16xf32> to vector<16xf32>
        %add3A_789 = arith.addf %add3A_767, %get3A_788 : vector<16xf32>
        %get3A_790 = arith.index_cast %scan3A_784 : i32 to index
        %get3A_791 = arith.constant 16 : index
        %get3A_792 = tpu.vector_load %arg8[%get3A_790, %get3A_791] {strides = array<i32>} : memref<128x64xf32, #tpu.memory_space<vmem>>, vector<1x16xf32>,
        %get3A_793 = vector.shape_cast %get3A_792 : vector<1x16xf32> to vector<16xf32>
        %add3A_794 = arith.addf %add3A_772, %get3A_793 : vector<16xf32>
        %get3A_795 = arith.index_cast %scan3A_784 : i32 to index
        %get3A_796 = arith.constant 32 : index
        %get3A_797 = tpu.vector_load %arg8[%get3A_795, %get3A_796] {strides = array<i32>} : memref<128x64xf32, #tpu.memory_space<vmem>>, vector<1x16xf32>,
        %get3A_798 = vector.shape_cast %get3A_797 : vector<1x16xf32> to vector<16xf32>
        %add3A_799 = arith.addf %add3A_777, %get3A_798 : vector<16xf32>
        %get3A_800 = arith.index_cast %scan3A_784 : i32 to index
        %get3A_801 = arith.constant 48 : index
        %get3A_802 = tpu.vector_load %arg8[%get3A_800, %get3A_801] {strides = array<i32>} : memref<128x64xf32, #tpu.memory_space<vmem>>, vector<1x16xf32>,
        %get3A_803 = vector.shape_cast %get3A_802 : vector<1x16xf32> to vector<16xf32>
        %add3A_804 = arith.addf %add3A_782, %get3A_803 : vector<16xf32>
        %scan3A_805 = arith.constant 6 : i32
        %scan3A_806 = arith.addi %scan3A_671, %scan3A_805 : i32
        %get3A_807 = arith.index_cast %scan3A_806 : i32 to index
        %get3A_808 = arith.constant 0 : index
        %get3A_809 = tpu.vector_load %arg8[%get3A_807, %get3A_808] {strides = array<i32>} : memref<128x64xf32, #tpu.memory_space<vmem>>, vector<1x16xf32>,
        %get3A_810 = vector.shape_cast %get3A_809 : vector<1x16xf32> to vector<16xf32>
        %add3A_811 = arith.addf %add3A_789, %get3A_810 : vector<16xf32>
        %get3A_812 = arith.index_cast %scan3A_806 : i32 to index
        %get3A_813 = arith.constant 16 : index
        %get3A_814 = tpu.vector_load %arg8[%get3A_812, %get3A_813] {strides = array<i32>} : memref<128x64xf32, #tpu.memory_space<vmem>>, vector<1x16xf32>,
        %get3A_815 = vector.shape_cast %get3A_814 : vector<1x16xf32> to vector<16xf32>
        %add3A_816 = arith.addf %add3A_794, %get3A_815 : vector<16xf32>
        %get3A_817 = arith.index_cast %scan3A_806 : i32 to index
        %get3A_818 = arith.constant 32 : index
        %get3A_819 = tpu.vector_load %arg8[%get3A_817, %get3A_818] {strides = array<i32>} : memref<128x64xf32, #tpu.memory_space<vmem>>, vector<1x16xf32>,
        %get3A_820 = vector.shape_cast %get3A_819 : vector<1x16xf32> to vector<16xf32>
        %add3A_821 = arith.addf %add3A_799, %get3A_820 : vector<16xf32>
        %get3A_822 = arith.index_cast %scan3A_806 : i32 to index
        %get3A_823 = arith.constant 48 : index
        %get3A_824 = tpu.vector_load %arg8[%get3A_822, %get3A_823] {strides = array<i32>} : memref<128x64xf32, #tpu.memory_space<vmem>>, vector<1x16xf32>,
        %get3A_825 = vector.shape_cast %get3A_824 : vector<1x16xf32> to vector<16xf32>
        %add3A_826 = arith.addf %add3A_804, %get3A_825 : vector<16xf32>
        %scan3A_827 = arith.constant 7 : i32
        %scan3A_828 = arith.addi %scan3A_671, %scan3A_827 : i32
        %get3A_829 = arith.index_cast %scan3A_828 : i32 to index
        %get3A_830 = arith.constant 0 : index
        %get3A_831 = tpu.vector_load %arg8[%get3A_829, %get3A_830] {strides = array<i32>} : memref<128x64xf32, #tpu.memory_space<vmem>>, vector<1x16xf32>,
        %get3A_832 = vector.shape_cast %get3A_831 : vector<1x16xf32> to vector<16xf32>
        %add3A_833 = arith.addf %add3A_811, %get3A_832 : vector<16xf32>
        %get3A_834 = arith.index_cast %scan3A_828 : i32 to index
        %get3A_835 = arith.constant 16 : index
        %get3A_836 = tpu.vector_load %arg8[%get3A_834, %get3A_835] {strides = array<i32>} : memref<128x64xf32, #tpu.memory_space<vmem>>, vector<1x16xf32>,
        %get3A_837 = vector.shape_cast %get3A_836 : vector<1x16xf32> to vector<16xf32>
        %add3A_838 = arith.addf %add3A_816, %get3A_837 : vector<16xf32>
        %get3A_839 = arith.index_cast %scan3A_828 : i32 to index
        %get3A_840 = arith.constant 32 : index
        %get3A_841 = tpu.vector_load %arg8[%get3A_839, %get3A_840] {strides = array<i32>} : memref<128x64xf32, #tpu.memory_space<vmem>>, vector<1x16xf32>,
        %get3A_842 = vector.shape_cast %get3A_841 : vector<1x16xf32> to vector<16xf32>
        %add3A_843 = arith.addf %add3A_821, %get3A_842 : vector<16xf32>
        %get3A_844 = arith.index_cast %scan3A_828 : i32 to index
        %get3A_845 = arith.constant 48 : index
        %get3A_846 = tpu.vector_load %arg8[%get3A_844, %get3A_845] {strides = array<i32>} : memref<128x64xf32, #tpu.memory_space<vmem>>, vector<1x16xf32>,
        %get3A_847 = vector.shape_cast %get3A_846 : vector<1x16xf32> to vector<16xf32>
        %add3A_848 = arith.addf %add3A_826, %get3A_847 : vector<16xf32>
        scf.yield %add3A_833, %add3A_838, %add3A_843, %add3A_848 : vector<16xf32>, vector<16xf32>, vector<16xf32>, vector<16xf32>
      }
      %scan3A_271 = arith.constant 128 : i32
      %add3A_272 = arith.constant 8 : i32
      %add3A_273 = arith.addi %mul3A_121, %add3A_272 : i32
      %add3A_274 = arith.constant 2 : i32
      %add3A_275 = arith.addi %add3A_273, %add3A_274 : i32
      %min3A_276 = arith.constant 254 : i32
      %min3A_277 = arith.minsi %add3A_275, %min3A_276 : i32
      %jit3A_278 = arith.constant 2 : i32
      %div3A_279 = arith.divsi %min3A_277, %jit3A_278 : i32
      %sign3A_280 = arith.constant 0 : i32
      %sign3A_281 = arith.cmpi sgt, %min3A_277, %sign3A_280 : i32
      %sign3A_282 = arith.extui %sign3A_281 : i1 to i32
      %sign3A_283 = arith.constant 0 : i32
      %sign3A_284 = arith.cmpi slt, %min3A_277, %sign3A_283 : i32
      %sign3A_285 = arith.extui %sign3A_284 : i1 to i32
      %sign3A_286 = arith.subi %sign3A_282, %sign3A_285 : i32
      %sign3A_287 = arith.constant 0 : i32
      %sign3A_288 = arith.cmpi sgt, %jit3A_278, %sign3A_287 : i32
      %sign3A_289 = arith.extui %sign3A_288 : i1 to i32
      %sign3A_290 = arith.constant 0 : i32
      %sign3A_291 = arith.cmpi slt, %jit3A_278, %sign3A_290 : i32
      %sign3A_292 = arith.extui %sign3A_291 : i1 to i32
      %sign3A_293 = arith.subi %sign3A_289, %sign3A_292 : i32
      %ne3A_294 = arith.cmpi ne, %sign3A_286, %sign3A_293 : i32
      %rem3A_295 = arith.remsi %min3A_277, %jit3A_278 : i32
      %ne3A_296 = arith.constant 0 : i32
      %ne3A_297 = arith.cmpi ne, %rem3A_295, %ne3A_296 : i32
      %and3A_298 = arith.andi %ne3A_294, %ne3A_297 : i1
      %sub3A_299 = arith.constant 1 : i32
      %sub3A_300 = arith.subi %div3A_279, %sub3A_299 : i32
      %select_n3A_301 = arith.select %and3A_298, %sub3A_300, %div3A_279 : i32
      %dma_start3A_302 = arith.constant 0 : i32
      %dma_start3A_303 = tpu.memref_slice %arg5[%select_n3A_301, %dma_start3A_302] : memref<128x200xi32, #tpu.memory_space<vmem>> -> memref<1x128xi32, #tpu.memory_space<vmem>>
      %dma_start3A_304 = tpu.memref_squeeze %dma_start3A_303 : memref<1x128xi32, #tpu.memory_space<vmem>> -> memref<128xi32, #tpu.memory_space<vmem>>
      %dma_start3A_305 = arith.constant 0 : i32
      %dma_start3A_306 = arith.constant 0 : i32
      %dma_start3A_307 = tpu.memref_slice %arg3[%dma_start3A_305, %dma_start3A_306] : memref<1015808x64xf32, #tpu.memory_space<hbm>> -> memref<1015808x64xf32, #tpu.memory_space<hbm>>
      tpu.enqueue_indirect_dma source(%dma_start3A_307 : memref<1015808x64xf32, #tpu.memory_space<hbm>>) target(%arg8 : memref<128x64xf32, #tpu.memory_space<vmem>>) offsets(%dma_start3A_304 : memref<128xi32, #tpu.memory_space<vmem>>) semaphore(%arg17 : memref<!tpu.dma_semaphore, #tpu.memory_space<semaphore_mem>>)
      %dma_wait3A_308 = arith.constant 0 : i32
      %dma_wait3A_309 = arith.constant 128 : i32
      %dma_wait3A_310 = tpu.memref_slice %arg5[%dma_wait3A_308, %dma_wait3A_309] : memref<128x200xi32, #tpu.memory_space<vmem>> -> memref<1x72xi32, #tpu.memory_space<vmem>>
      %dma_wait3A_311 = tpu.memref_squeeze %dma_wait3A_310 : memref<1x72xi32, #tpu.memory_space<vmem>> -> memref<72xi32, #tpu.memory_space<vmem>>
      %dma_wait3A_312 = arith.constant 0 : i32
      %dma_wait3A_313 = arith.constant 0 : i32
      %dma_wait3A_314 = tpu.memref_slice %arg3[%dma_wait3A_312, %dma_wait3A_313] : memref<1015808x64xf32, #tpu.memory_space<hbm>> -> memref<1015808x64xf32, #tpu.memory_space<hbm>>
      tpu.wait_indirect_dma semaphore(%arg18 : memref<!tpu.dma_semaphore, #tpu.memory_space<semaphore_mem>>) src(%dma_wait3A_314 : memref<1015808x64xf32, #tpu.memory_space<hbm>>) dst(%arg9 : memref<72x64xf32, #tpu.memory_space<vmem>>)
      %scan3A_315 = arith.constant 0 : i32
      %scan3A_316 = arith.constant 72 : i32
      %scan3A_317 = arith.addi %scan3A_315, %scan3A_316 : i32
      %scan3A_318 = arith.constant 8 : i32
      %scan3A_319:4 = scf.for %scan3A_671 = %scan3A_315 to %scan3A_317 step %scan3A_318 iter_args(%scan3A_672 = %scan3A_270#0, %scan3A_673 = %scan3A_270#1, %scan3A_674 = %scan3A_270#2, %scan3A_675 = %scan3A_270#3) -> (vector<16xf32>, vector<16xf32>, vector<16xf32>, vector<16xf32>)  : i32 {
        %get3A = arith.index_cast %scan3A_671 : i32 to index
        %get3A_676 = arith.constant 0 : index
        %get3A_677 = tpu.vector_load %arg9[%get3A, %get3A_676] {strides = array<i32>} : memref<72x64xf32, #tpu.memory_space<vmem>>, vector<1x16xf32>,
        %get3A_678 = vector.shape_cast %get3A_677 : vector<1x16xf32> to vector<16xf32>
        %add3A_679 = arith.addf %scan3A_672, %get3A_678 : vector<16xf32>
        %get3A_680 = arith.index_cast %scan3A_671 : i32 to index
        %get3A_681 = arith.constant 16 : index
        %get3A_682 = tpu.vector_load %arg9[%get3A_680, %get3A_681] {strides = array<i32>} : memref<72x64xf32, #tpu.memory_space<vmem>>, vector<1x16xf32>,
        %get3A_683 = vector.shape_cast %get3A_682 : vector<1x16xf32> to vector<16xf32>
        %add3A_684 = arith.addf %scan3A_673, %get3A_683 : vector<16xf32>
        %get3A_685 = arith.index_cast %scan3A_671 : i32 to index
        %get3A_686 = arith.constant 32 : index
        %get3A_687 = tpu.vector_load %arg9[%get3A_685, %get3A_686] {strides = array<i32>} : memref<72x64xf32, #tpu.memory_space<vmem>>, vector<1x16xf32>,
        %get3A_688 = vector.shape_cast %get3A_687 : vector<1x16xf32> to vector<16xf32>
        %add3A_689 = arith.addf %scan3A_674, %get3A_688 : vector<16xf32>
        %get3A_690 = arith.index_cast %scan3A_671 : i32 to index
        %get3A_691 = arith.constant 48 : index
        %get3A_692 = tpu.vector_load %arg9[%get3A_690, %get3A_691] {strides = array<i32>} : memref<72x64xf32, #tpu.memory_space<vmem>>, vector<1x16xf32>,
        %get3A_693 = vector.shape_cast %get3A_692 : vector<1x16xf32> to vector<16xf32>
        %add3A_694 = arith.addf %scan3A_675, %get3A_693 : vector<16xf32>
        %scan3A_695 = arith.constant 1 : i32
        %scan3A_696 = arith.addi %scan3A_671, %scan3A_695 : i32
        %get3A_697 = arith.index_cast %scan3A_696 : i32 to index
        %get3A_698 = arith.constant 0 : index
        %get3A_699 = tpu.vector_load %arg9[%get3A_697, %get3A_698] {strides = array<i32>} : memref<72x64xf32, #tpu.memory_space<vmem>>, vector<1x16xf32>,
        %get3A_700 = vector.shape_cast %get3A_699 : vector<1x16xf32> to vector<16xf32>
        %add3A_701 = arith.addf %add3A_679, %get3A_700 : vector<16xf32>
        %get3A_702 = arith.index_cast %scan3A_696 : i32 to index
        %get3A_703 = arith.constant 16 : index
        %get3A_704 = tpu.vector_load %arg9[%get3A_702, %get3A_703] {strides = array<i32>} : memref<72x64xf32, #tpu.memory_space<vmem>>, vector<1x16xf32>,
        %get3A_705 = vector.shape_cast %get3A_704 : vector<1x16xf32> to vector<16xf32>
        %add3A_706 = arith.addf %add3A_684, %get3A_705 : vector<16xf32>
        %get3A_707 = arith.index_cast %scan3A_696 : i32 to index
        %get3A_708 = arith.constant 32 : index
        %get3A_709 = tpu.vector_load %arg9[%get3A_707, %get3A_708] {strides = array<i32>} : memref<72x64xf32, #tpu.memory_space<vmem>>, vector<1x16xf32>,
        %get3A_710 = vector.shape_cast %get3A_709 : vector<1x16xf32> to vector<16xf32>
        %add3A_711 = arith.addf %add3A_689, %get3A_710 : vector<16xf32>
        %get3A_712 = arith.index_cast %scan3A_696 : i32 to index
        %get3A_713 = arith.constant 48 : index
        %get3A_714 = tpu.vector_load %arg9[%get3A_712, %get3A_713] {strides = array<i32>} : memref<72x64xf32, #tpu.memory_space<vmem>>, vector<1x16xf32>,
        %get3A_715 = vector.shape_cast %get3A_714 : vector<1x16xf32> to vector<16xf32>
        %add3A_716 = arith.addf %add3A_694, %get3A_715 : vector<16xf32>
        %scan3A_717 = arith.constant 2 : i32
        %scan3A_718 = arith.addi %scan3A_671, %scan3A_717 : i32
        %get3A_719 = arith.index_cast %scan3A_718 : i32 to index
        %get3A_720 = arith.constant 0 : index
        %get3A_721 = tpu.vector_load %arg9[%get3A_719, %get3A_720] {strides = array<i32>} : memref<72x64xf32, #tpu.memory_space<vmem>>, vector<1x16xf32>,
        %get3A_722 = vector.shape_cast %get3A_721 : vector<1x16xf32> to vector<16xf32>
        %add3A_723 = arith.addf %add3A_701, %get3A_722 : vector<16xf32>
        %get3A_724 = arith.index_cast %scan3A_718 : i32 to index
        %get3A_725 = arith.constant 16 : index
        %get3A_726 = tpu.vector_load %arg9[%get3A_724, %get3A_725] {strides = array<i32>} : memref<72x64xf32, #tpu.memory_space<vmem>>, vector<1x16xf32>,
        %get3A_727 = vector.shape_cast %get3A_726 : vector<1x16xf32> to vector<16xf32>
        %add3A_728 = arith.addf %add3A_706, %get3A_727 : vector<16xf32>
        %get3A_729 = arith.index_cast %scan3A_718 : i32 to index
        %get3A_730 = arith.constant 32 : index
        %get3A_731 = tpu.vector_load %arg9[%get3A_729, %get3A_730] {strides = array<i32>} : memref<72x64xf32, #tpu.memory_space<vmem>>, vector<1x16xf32>,
        %get3A_732 = vector.shape_cast %get3A_731 : vector<1x16xf32> to vector<16xf32>
        %add3A_733 = arith.addf %add3A_711, %get3A_732 : vector<16xf32>
        %get3A_734 = arith.index_cast %scan3A_718 : i32 to index
        %get3A_735 = arith.constant 48 : index
        %get3A_736 = tpu.vector_load %arg9[%get3A_734, %get3A_735] {strides = array<i32>} : memref<72x64xf32, #tpu.memory_space<vmem>>, vector<1x16xf32>,
        %get3A_737 = vector.shape_cast %get3A_736 : vector<1x16xf32> to vector<16xf32>
        %add3A_738 = arith.addf %add3A_716, %get3A_737 : vector<16xf32>
        %scan3A_739 = arith.constant 3 : i32
        %scan3A_740 = arith.addi %scan3A_671, %scan3A_739 : i32
        %get3A_741 = arith.index_cast %scan3A_740 : i32 to index
        %get3A_742 = arith.constant 0 : index
        %get3A_743 = tpu.vector_load %arg9[%get3A_741, %get3A_742] {strides = array<i32>} : memref<72x64xf32, #tpu.memory_space<vmem>>, vector<1x16xf32>,
        %get3A_744 = vector.shape_cast %get3A_743 : vector<1x16xf32> to vector<16xf32>
        %add3A_745 = arith.addf %add3A_723, %get3A_744 : vector<16xf32>
        %get3A_746 = arith.index_cast %scan3A_740 : i32 to index
        %get3A_747 = arith.constant 16 : index
        %get3A_748 = tpu.vector_load %arg9[%get3A_746, %get3A_747] {strides = array<i32>} : memref<72x64xf32, #tpu.memory_space<vmem>>, vector<1x16xf32>,
        %get3A_749 = vector.shape_cast %get3A_748 : vector<1x16xf32> to vector<16xf32>
        %add3A_750 = arith.addf %add3A_728, %get3A_749 : vector<16xf32>
        %get3A_751 = arith.index_cast %scan3A_740 : i32 to index
        %get3A_752 = arith.constant 32 : index
        %get3A_753 = tpu.vector_load %arg9[%get3A_751, %get3A_752] {strides = array<i32>} : memref<72x64xf32, #tpu.memory_space<vmem>>, vector<1x16xf32>,
        %get3A_754 = vector.shape_cast %get3A_753 : vector<1x16xf32> to vector<16xf32>
        %add3A_755 = arith.addf %add3A_733, %get3A_754 : vector<16xf32>
        %get3A_756 = arith.index_cast %scan3A_740 : i32 to index
        %get3A_757 = arith.constant 48 : index
        %get3A_758 = tpu.vector_load %arg9[%get3A_756, %get3A_757] {strides = array<i32>} : memref<72x64xf32, #tpu.memory_space<vmem>>, vector<1x16xf32>,
        %get3A_759 = vector.shape_cast %get3A_758 : vector<1x16xf32> to vector<16xf32>
        %add3A_760 = arith.addf %add3A_738, %get3A_759 : vector<16xf32>
        %scan3A_761 = arith.constant 4 : i32
        %scan3A_762 = arith.addi %scan3A_671, %scan3A_761 : i32
        %get3A_763 = arith.index_cast %scan3A_762 : i32 to index
        %get3A_764 = arith.constant 0 : index
        %get3A_765 = tpu.vector_load %arg9[%get3A_763, %get3A_764] {strides = array<i32>} : memref<72x64xf32, #tpu.memory_space<vmem>>, vector<1x16xf32>,
        %get3A_766 = vector.shape_cast %get3A_765 : vector<1x16xf32> to vector<16xf32>
        %add3A_767 = arith.addf %add3A_745, %get3A_766 : vector<16xf32>
        %get3A_768 = arith.index_cast %scan3A_762 : i32 to index
        %get3A_769 = arith.constant 16 : index
        %get3A_770 = tpu.vector_load %arg9[%get3A_768, %get3A_769] {strides = array<i32>} : memref<72x64xf32, #tpu.memory_space<vmem>>, vector<1x16xf32>,
        %get3A_771 = vector.shape_cast %get3A_770 : vector<1x16xf32> to vector<16xf32>
        %add3A_772 = arith.addf %add3A_750, %get3A_771 : vector<16xf32>
        %get3A_773 = arith.index_cast %scan3A_762 : i32 to index
        %get3A_774 = arith.constant 32 : index
        %get3A_775 = tpu.vector_load %arg9[%get3A_773, %get3A_774] {strides = array<i32>} : memref<72x64xf32, #tpu.memory_space<vmem>>, vector<1x16xf32>,
        %get3A_776 = vector.shape_cast %get3A_775 : vector<1x16xf32> to vector<16xf32>
        %add3A_777 = arith.addf %add3A_755, %get3A_776 : vector<16xf32>
        %get3A_778 = arith.index_cast %scan3A_762 : i32 to index
        %get3A_779 = arith.constant 48 : index
        %get3A_780 = tpu.vector_load %arg9[%get3A_778, %get3A_779] {strides = array<i32>} : memref<72x64xf32, #tpu.memory_space<vmem>>, vector<1x16xf32>,
        %get3A_781 = vector.shape_cast %get3A_780 : vector<1x16xf32> to vector<16xf32>
        %add3A_782 = arith.addf %add3A_760, %get3A_781 : vector<16xf32>
        %scan3A_783 = arith.constant 5 : i32
        %scan3A_784 = arith.addi %scan3A_671, %scan3A_783 : i32
        %get3A_785 = arith.index_cast %scan3A_784 : i32 to index
        %get3A_786 = arith.constant 0 : index
        %get3A_787 = tpu.vector_load %arg9[%get3A_785, %get3A_786] {strides = array<i32>} : memref<72x64xf32, #tpu.memory_space<vmem>>, vector<1x16xf32>,
        %get3A_788 = vector.shape_cast %get3A_787 : vector<1x16xf32> to vector<16xf32>
        %add3A_789 = arith.addf %add3A_767, %get3A_788 : vector<16xf32>
        %get3A_790 = arith.index_cast %scan3A_784 : i32 to index
        %get3A_791 = arith.constant 16 : index
        %get3A_792 = tpu.vector_load %arg9[%get3A_790, %get3A_791] {strides = array<i32>} : memref<72x64xf32, #tpu.memory_space<vmem>>, vector<1x16xf32>,
        %get3A_793 = vector.shape_cast %get3A_792 : vector<1x16xf32> to vector<16xf32>
        %add3A_794 = arith.addf %add3A_772, %get3A_793 : vector<16xf32>
        %get3A_795 = arith.index_cast %scan3A_784 : i32 to index
        %get3A_796 = arith.constant 32 : index
        %get3A_797 = tpu.vector_load %arg9[%get3A_795, %get3A_796] {strides = array<i32>} : memref<72x64xf32, #tpu.memory_space<vmem>>, vector<1x16xf32>,
        %get3A_798 = vector.shape_cast %get3A_797 : vector<1x16xf32> to vector<16xf32>
        %add3A_799 = arith.addf %add3A_777, %get3A_798 : vector<16xf32>
        %get3A_800 = arith.index_cast %scan3A_784 : i32 to index
        %get3A_801 = arith.constant 48 : index
        %get3A_802 = tpu.vector_load %arg9[%get3A_800, %get3A_801] {strides = array<i32>} : memref<72x64xf32, #tpu.memory_space<vmem>>, vector<1x16xf32>,
        %get3A_803 = vector.shape_cast %get3A_802 : vector<1x16xf32> to vector<16xf32>
        %add3A_804 = arith.addf %add3A_782, %get3A_803 : vector<16xf32>
        %scan3A_805 = arith.constant 6 : i32
        %scan3A_806 = arith.addi %scan3A_671, %scan3A_805 : i32
        %get3A_807 = arith.index_cast %scan3A_806 : i32 to index
        %get3A_808 = arith.constant 0 : index
        %get3A_809 = tpu.vector_load %arg9[%get3A_807, %get3A_808] {strides = array<i32>} : memref<72x64xf32, #tpu.memory_space<vmem>>, vector<1x16xf32>,
        %get3A_810 = vector.shape_cast %get3A_809 : vector<1x16xf32> to vector<16xf32>
        %add3A_811 = arith.addf %add3A_789, %get3A_810 : vector<16xf32>
        %get3A_812 = arith.index_cast %scan3A_806 : i32 to index
        %get3A_813 = arith.constant 16 : index
        %get3A_814 = tpu.vector_load %arg9[%get3A_812, %get3A_813] {strides = array<i32>} : memref<72x64xf32, #tpu.memory_space<vmem>>, vector<1x16xf32>,
        %get3A_815 = vector.shape_cast %get3A_814 : vector<1x16xf32> to vector<16xf32>
        %add3A_816 = arith.addf %add3A_794, %get3A_815 : vector<16xf32>
        %get3A_817 = arith.index_cast %scan3A_806 : i32 to index
        %get3A_818 = arith.constant 32 : index
        %get3A_819 = tpu.vector_load %arg9[%get3A_817, %get3A_818] {strides = array<i32>} : memref<72x64xf32, #tpu.memory_space<vmem>>, vector<1x16xf32>,
        %get3A_820 = vector.shape_cast %get3A_819 : vector<1x16xf32> to vector<16xf32>
        %add3A_821 = arith.addf %add3A_799, %get3A_820 : vector<16xf32>
        %get3A_822 = arith.index_cast %scan3A_806 : i32 to index
        %get3A_823 = arith.constant 48 : index
        %get3A_824 = tpu.vector_load %arg9[%get3A_822, %get3A_823] {strides = array<i32>} : memref<72x64xf32, #tpu.memory_space<vmem>>, vector<1x16xf32>,
        %get3A_825 = vector.shape_cast %get3A_824 : vector<1x16xf32> to vector<16xf32>
        %add3A_826 = arith.addf %add3A_804, %get3A_825 : vector<16xf32>
        %scan3A_827 = arith.constant 7 : i32
        %scan3A_828 = arith.addi %scan3A_671, %scan3A_827 : i32
        %get3A_829 = arith.index_cast %scan3A_828 : i32 to index
        %get3A_830 = arith.constant 0 : index
        %get3A_831 = tpu.vector_load %arg9[%get3A_829, %get3A_830] {strides = array<i32>} : memref<72x64xf32, #tpu.memory_space<vmem>>, vector<1x16xf32>,
        %get3A_832 = vector.shape_cast %get3A_831 : vector<1x16xf32> to vector<16xf32>
        %add3A_833 = arith.addf %add3A_811, %get3A_832 : vector<16xf32>
        %get3A_834 = arith.index_cast %scan3A_828 : i32 to index
        %get3A_835 = arith.constant 16 : index
        %get3A_836 = tpu.vector_load %arg9[%get3A_834, %get3A_835] {strides = array<i32>} : memref<72x64xf32, #tpu.memory_space<vmem>>, vector<1x16xf32>,
        %get3A_837 = vector.shape_cast %get3A_836 : vector<1x16xf32> to vector<16xf32>
        %add3A_838 = arith.addf %add3A_816, %get3A_837 : vector<16xf32>
        %get3A_839 = arith.index_cast %scan3A_828 : i32 to index
        %get3A_840 = arith.constant 32 : index
        %get3A_841 = tpu.vector_load %arg9[%get3A_839, %get3A_840] {strides = array<i32>} : memref<72x64xf32, #tpu.memory_space<vmem>>, vector<1x16xf32>,
        %get3A_842 = vector.shape_cast %get3A_841 : vector<1x16xf32> to vector<16xf32>
        %add3A_843 = arith.addf %add3A_821, %get3A_842 : vector<16xf32>
        %get3A_844 = arith.index_cast %scan3A_828 : i32 to index
        %get3A_845 = arith.constant 48 : index
        %get3A_846 = tpu.vector_load %arg9[%get3A_844, %get3A_845] {strides = array<i32>} : memref<72x64xf32, #tpu.memory_space<vmem>>, vector<1x16xf32>,
        %get3A_847 = vector.shape_cast %get3A_846 : vector<1x16xf32> to vector<16xf32>
        %add3A_848 = arith.addf %add3A_826, %get3A_847 : vector<16xf32>
        scf.yield %add3A_833, %add3A_838, %add3A_843, %add3A_848 : vector<16xf32>, vector<16xf32>, vector<16xf32>, vector<16xf32>
      }
      %scan3A_320 = arith.constant 72 : i32
      %mul3A_321 = arith.constant 4 : i32
      %mul3A_322 = arith.muli %mul3A_321, %scan3A_119 : i32
      %add3A_323 = arith.constant 1 : i32
      %add3A_324 = arith.addi %mul3A_322, %add3A_323 : i32
      %mul3A_325 = vector.broadcast %scan3A_58 : f32 to vector<16xf32>
      %mul3A_326 = arith.mulf %scan3A_319#0, %mul3A_325 : vector<16xf32>
      %swap3A_327 = arith.index_cast %add3A_324 : i32 to index
      %swap3A_328 = arith.constant 0 : index
      %swap3A_329 = tpu.vector_load %arg14[%swap3A_327, %swap3A_328] {strides = array<i32>} : memref<128x64xf32, #tpu.memory_space<vmem>>, vector<1x16xf32>,
      %swap3A_330 = vector.shape_cast %swap3A_329 : vector<1x16xf32> to vector<16xf32>
      %swap3A_331 = vector.shape_cast %mul3A_326 : vector<16xf32> to vector<1x16xf32>
      tpu.vector_store %arg14[%swap3A_327, %swap3A_328], %swap3A_331 {strides = array<i32>} : memref<128x64xf32, #tpu.memory_space<vmem>>, vector<1x16xf32>,
      %mul3A_332 = vector.broadcast %scan3A_58 : f32 to vector<16xf32>
      %mul3A_333 = arith.mulf %scan3A_319#1, %mul3A_332 : vector<16xf32>
      %swap3A_334 = arith.index_cast %add3A_324 : i32 to index
      %swap3A_335 = arith.constant 16 : index
      %swap3A_336 = tpu.vector_load %arg14[%swap3A_334, %swap3A_335] {strides = array<i32>} : memref<128x64xf32, #tpu.memory_space<vmem>>, vector<1x16xf32>,
      %swap3A_337 = vector.shape_cast %swap3A_336 : vector<1x16xf32> to vector<16xf32>
      %swap3A_338 = vector.shape_cast %mul3A_333 : vector<16xf32> to vector<1x16xf32>
      tpu.vector_store %arg14[%swap3A_334, %swap3A_335], %swap3A_338 {strides = array<i32>} : memref<128x64xf32, #tpu.memory_space<vmem>>, vector<1x16xf32>,
      %mul3A_339 = vector.broadcast %scan3A_58 : f32 to vector<16xf32>
      %mul3A_340 = arith.mulf %scan3A_319#2, %mul3A_339 : vector<16xf32>
      %swap3A_341 = arith.index_cast %add3A_324 : i32 to index
      %swap3A_342 = arith.constant 32 : index
      %swap3A_343 = tpu.vector_load %arg14[%swap3A_341, %swap3A_342] {strides = array<i32>} : memref<128x64xf32, #tpu.memory_space<vmem>>, vector<1x16xf32>,
      %swap3A_344 = vector.shape_cast %swap3A_343 : vector<1x16xf32> to vector<16xf32>
      %swap3A_345 = vector.shape_cast %mul3A_340 : vector<16xf32> to vector<1x16xf32>
      tpu.vector_store %arg14[%swap3A_341, %swap3A_342], %swap3A_345 {strides = array<i32>} : memref<128x64xf32, #tpu.memory_space<vmem>>, vector<1x16xf32>,
      %mul3A_346 = vector.broadcast %scan3A_58 : f32 to vector<16xf32>
      %mul3A_347 = arith.mulf %scan3A_319#3, %mul3A_346 : vector<16xf32>
      %swap3A_348 = arith.index_cast %add3A_324 : i32 to index
      %swap3A_349 = arith.constant 48 : index
      %swap3A_350 = tpu.vector_load %arg14[%swap3A_348, %swap3A_349] {strides = array<i32>} : memref<128x64xf32, #tpu.memory_space<vmem>>, vector<1x16xf32>,
      %swap3A_351 = vector.shape_cast %swap3A_350 : vector<1x16xf32> to vector<16xf32>
      %swap3A_352 = vector.shape_cast %mul3A_347 : vector<16xf32> to vector<1x16xf32>
      tpu.vector_store %arg14[%swap3A_348, %swap3A_349], %swap3A_352 {strides = array<i32>} : memref<128x64xf32, #tpu.memory_space<vmem>>, vector<1x16xf32>,
      %add3A_353 = arith.constant 8 : i32
      %add3A_354 = arith.addi %mul3A_121, %add3A_353 : i32
      %add3A_355 = arith.constant 2 : i32
      %add3A_356 = arith.addi %add3A_354, %add3A_355 : i32
      %add3A_357 = arith.constant 1 : i32
      %add3A_358 = arith.addi %add3A_356, %add3A_357 : i32
      %min3A_359 = arith.constant 255 : i32
      %min3A_360 = arith.minsi %add3A_358, %min3A_359 : i32
      %jit3A_361 = arith.constant 2 : i32
      %div3A_362 = arith.divsi %min3A_360, %jit3A_361 : i32
      %sign3A_363 = arith.constant 0 : i32
      %sign3A_364 = arith.cmpi sgt, %min3A_360, %sign3A_363 : i32
      %sign3A_365 = arith.extui %sign3A_364 : i1 to i32
      %sign3A_366 = arith.constant 0 : i32
      %sign3A_367 = arith.cmpi slt, %min3A_360, %sign3A_366 : i32
      %sign3A_368 = arith.extui %sign3A_367 : i1 to i32
      %sign3A_369 = arith.subi %sign3A_365, %sign3A_368 : i32
      %sign3A_370 = arith.constant 0 : i32
      %sign3A_371 = arith.cmpi sgt, %jit3A_361, %sign3A_370 : i32
      %sign3A_372 = arith.extui %sign3A_371 : i1 to i32
      %sign3A_373 = arith.constant 0 : i32
      %sign3A_374 = arith.cmpi slt, %jit3A_361, %sign3A_373 : i32
      %sign3A_375 = arith.extui %sign3A_374 : i1 to i32
      %sign3A_376 = arith.subi %sign3A_372, %sign3A_375 : i32
      %ne3A_377 = arith.cmpi ne, %sign3A_369, %sign3A_376 : i32
      %rem3A_378 = arith.remsi %min3A_360, %jit3A_361 : i32
      %ne3A_379 = arith.constant 0 : i32
      %ne3A_380 = arith.cmpi ne, %rem3A_378, %ne3A_379 : i32
      %and3A_381 = arith.andi %ne3A_377, %ne3A_380 : i1
      %sub3A_382 = arith.constant 1 : i32
      %sub3A_383 = arith.subi %div3A_362, %sub3A_382 : i32
      %select_n3A_384 = arith.select %and3A_381, %sub3A_383, %div3A_362 : i32
      %dma_start3A_385 = arith.constant 128 : i32
      %dma_start3A_386 = tpu.memref_slice %arg5[%select_n3A_384, %dma_start3A_385] : memref<128x200xi32, #tpu.memory_space<vmem>> -> memref<1x72xi32, #tpu.memory_space<vmem>>
      %dma_start3A_387 = tpu.memref_squeeze %dma_start3A_386 : memref<1x72xi32, #tpu.memory_space<vmem>> -> memref<72xi32, #tpu.memory_space<vmem>>
      %dma_start3A_388 = arith.constant 0 : i32
      %dma_start3A_389 = arith.constant 0 : i32
      %dma_start3A_390 = tpu.memref_slice %arg3[%dma_start3A_388, %dma_start3A_389] : memref<1015808x64xf32, #tpu.memory_space<hbm>> -> memref<1015808x64xf32, #tpu.memory_space<hbm>>
      tpu.enqueue_indirect_dma source(%dma_start3A_390 : memref<1015808x64xf32, #tpu.memory_space<hbm>>) target(%arg9 : memref<72x64xf32, #tpu.memory_space<vmem>>) offsets(%dma_start3A_387 : memref<72xi32, #tpu.memory_space<vmem>>) semaphore(%arg18 : memref<!tpu.dma_semaphore, #tpu.memory_space<semaphore_mem>>)
      %broadcast_in_dim3A_391 = arith.constant 0.000000e+00 : f32
      %broadcast_in_dim3A_392 = vector.broadcast %broadcast_in_dim3A_391 : f32 to vector<16xf32>
      %broadcast_in_dim3A_393 = arith.constant 0.000000e+00 : f32
      %broadcast_in_dim3A_394 = vector.broadcast %broadcast_in_dim3A_393 : f32 to vector<16xf32>
      %broadcast_in_dim3A_395 = arith.constant 0.000000e+00 : f32
      %broadcast_in_dim3A_396 = vector.broadcast %broadcast_in_dim3A_395 : f32 to vector<16xf32>
      %broadcast_in_dim3A_397 = arith.constant 0.000000e+00 : f32
      %broadcast_in_dim3A_398 = vector.broadcast %broadcast_in_dim3A_397 : f32 to vector<16xf32>
      %dma_wait3A_399 = arith.constant 0 : i32
      %dma_wait3A_400 = arith.constant 0 : i32
      %dma_wait3A_401 = tpu.memref_slice %arg5[%dma_wait3A_399, %dma_wait3A_400] : memref<128x200xi32, #tpu.memory_space<vmem>> -> memref<1x128xi32, #tpu.memory_space<vmem>>
      %dma_wait3A_402 = tpu.memref_squeeze %dma_wait3A_401 : memref<1x128xi32, #tpu.memory_space<vmem>> -> memref<128xi32, #tpu.memory_space<vmem>>
      %dma_wait3A_403 = arith.constant 0 : i32
      %dma_wait3A_404 = arith.constant 0 : i32
      %dma_wait3A_405 = tpu.memref_slice %arg3[%dma_wait3A_403, %dma_wait3A_404] : memref<1015808x64xf32, #tpu.memory_space<hbm>> -> memref<1015808x64xf32, #tpu.memory_space<hbm>>
      tpu.wait_indirect_dma semaphore(%arg19 : memref<!tpu.dma_semaphore, #tpu.memory_space<semaphore_mem>>) src(%dma_wait3A_405 : memref<1015808x64xf32, #tpu.memory_space<hbm>>) dst(%arg10 : memref<128x64xf32, #tpu.memory_space<vmem>>)
      %scan3A_406 = arith.constant 0 : i32
      %scan3A_407 = arith.constant 128 : i32
      %scan3A_408 = arith.addi %scan3A_406, %scan3A_407 : i32
      %scan3A_409 = arith.constant 8 : i32
      %scan3A_410:4 = scf.for %scan3A_671 = %scan3A_406 to %scan3A_408 step %scan3A_409 iter_args(%scan3A_672 = %broadcast_in_dim3A_392, %scan3A_673 = %broadcast_in_dim3A_394, %scan3A_674 = %broadcast_in_dim3A_396, %scan3A_675 = %broadcast_in_dim3A_398) -> (vector<16xf32>, vector<16xf32>, vector<16xf32>, vector<16xf32>)  : i32 {
        %get3A = arith.index_cast %scan3A_671 : i32 to index
        %get3A_676 = arith.constant 0 : index
        %get3A_677 = tpu.vector_load %arg10[%get3A, %get3A_676] {strides = array<i32>} : memref<128x64xf32, #tpu.memory_space<vmem>>, vector<1x16xf32>,
        %get3A_678 = vector.shape_cast %get3A_677 : vector<1x16xf32> to vector<16xf32>
        %add3A_679 = arith.addf %scan3A_672, %get3A_678 : vector<16xf32>
        %get3A_680 = arith.index_cast %scan3A_671 : i32 to index
        %get3A_681 = arith.constant 16 : index
        %get3A_682 = tpu.vector_load %arg10[%get3A_680, %get3A_681] {strides = array<i32>} : memref<128x64xf32, #tpu.memory_space<vmem>>, vector<1x16xf32>,
        %get3A_683 = vector.shape_cast %get3A_682 : vector<1x16xf32> to vector<16xf32>
        %add3A_684 = arith.addf %scan3A_673, %get3A_683 : vector<16xf32>
        %get3A_685 = arith.index_cast %scan3A_671 : i32 to index
        %get3A_686 = arith.constant 32 : index
        %get3A_687 = tpu.vector_load %arg10[%get3A_685, %get3A_686] {strides = array<i32>} : memref<128x64xf32, #tpu.memory_space<vmem>>, vector<1x16xf32>,
        %get3A_688 = vector.shape_cast %get3A_687 : vector<1x16xf32> to vector<16xf32>
        %add3A_689 = arith.addf %scan3A_674, %get3A_688 : vector<16xf32>
        %get3A_690 = arith.index_cast %scan3A_671 : i32 to index
        %get3A_691 = arith.constant 48 : index
        %get3A_692 = tpu.vector_load %arg10[%get3A_690, %get3A_691] {strides = array<i32>} : memref<128x64xf32, #tpu.memory_space<vmem>>, vector<1x16xf32>,
        %get3A_693 = vector.shape_cast %get3A_692 : vector<1x16xf32> to vector<16xf32>
        %add3A_694 = arith.addf %scan3A_675, %get3A_693 : vector<16xf32>
        %scan3A_695 = arith.constant 1 : i32
        %scan3A_696 = arith.addi %scan3A_671, %scan3A_695 : i32
        %get3A_697 = arith.index_cast %scan3A_696 : i32 to index
        %get3A_698 = arith.constant 0 : index
        %get3A_699 = tpu.vector_load %arg10[%get3A_697, %get3A_698] {strides = array<i32>} : memref<128x64xf32, #tpu.memory_space<vmem>>, vector<1x16xf32>,
        %get3A_700 = vector.shape_cast %get3A_699 : vector<1x16xf32> to vector<16xf32>
        %add3A_701 = arith.addf %add3A_679, %get3A_700 : vector<16xf32>
        %get3A_702 = arith.index_cast %scan3A_696 : i32 to index
        %get3A_703 = arith.constant 16 : index
        %get3A_704 = tpu.vector_load %arg10[%get3A_702, %get3A_703] {strides = array<i32>} : memref<128x64xf32, #tpu.memory_space<vmem>>, vector<1x16xf32>,
        %get3A_705 = vector.shape_cast %get3A_704 : vector<1x16xf32> to vector<16xf32>
        %add3A_706 = arith.addf %add3A_684, %get3A_705 : vector<16xf32>
        %get3A_707 = arith.index_cast %scan3A_696 : i32 to index
        %get3A_708 = arith.constant 32 : index
        %get3A_709 = tpu.vector_load %arg10[%get3A_707, %get3A_708] {strides = array<i32>} : memref<128x64xf32, #tpu.memory_space<vmem>>, vector<1x16xf32>,
        %get3A_710 = vector.shape_cast %get3A_709 : vector<1x16xf32> to vector<16xf32>
        %add3A_711 = arith.addf %add3A_689, %get3A_710 : vector<16xf32>
        %get3A_712 = arith.index_cast %scan3A_696 : i32 to index
        %get3A_713 = arith.constant 48 : index
        %get3A_714 = tpu.vector_load %arg10[%get3A_712, %get3A_713] {strides = array<i32>} : memref<128x64xf32, #tpu.memory_space<vmem>>, vector<1x16xf32>,
        %get3A_715 = vector.shape_cast %get3A_714 : vector<1x16xf32> to vector<16xf32>
        %add3A_716 = arith.addf %add3A_694, %get3A_715 : vector<16xf32>
        %scan3A_717 = arith.constant 2 : i32
        %scan3A_718 = arith.addi %scan3A_671, %scan3A_717 : i32
        %get3A_719 = arith.index_cast %scan3A_718 : i32 to index
        %get3A_720 = arith.constant 0 : index
        %get3A_721 = tpu.vector_load %arg10[%get3A_719, %get3A_720] {strides = array<i32>} : memref<128x64xf32, #tpu.memory_space<vmem>>, vector<1x16xf32>,
        %get3A_722 = vector.shape_cast %get3A_721 : vector<1x16xf32> to vector<16xf32>
        %add3A_723 = arith.addf %add3A_701, %get3A_722 : vector<16xf32>
        %get3A_724 = arith.index_cast %scan3A_718 : i32 to index
        %get3A_725 = arith.constant 16 : index
        %get3A_726 = tpu.vector_load %arg10[%get3A_724, %get3A_725] {strides = array<i32>} : memref<128x64xf32, #tpu.memory_space<vmem>>, vector<1x16xf32>,
        %get3A_727 = vector.shape_cast %get3A_726 : vector<1x16xf32> to vector<16xf32>
        %add3A_728 = arith.addf %add3A_706, %get3A_727 : vector<16xf32>
        %get3A_729 = arith.index_cast %scan3A_718 : i32 to index
        %get3A_730 = arith.constant 32 : index
        %get3A_731 = tpu.vector_load %arg10[%get3A_729, %get3A_730] {strides = array<i32>} : memref<128x64xf32, #tpu.memory_space<vmem>>, vector<1x16xf32>,
        %get3A_732 = vector.shape_cast %get3A_731 : vector<1x16xf32> to vector<16xf32>
        %add3A_733 = arith.addf %add3A_711, %get3A_732 : vector<16xf32>
        %get3A_734 = arith.index_cast %scan3A_718 : i32 to index
        %get3A_735 = arith.constant 48 : index
        %get3A_736 = tpu.vector_load %arg10[%get3A_734, %get3A_735] {strides = array<i32>} : memref<128x64xf32, #tpu.memory_space<vmem>>, vector<1x16xf32>,
        %get3A_737 = vector.shape_cast %get3A_736 : vector<1x16xf32> to vector<16xf32>
        %add3A_738 = arith.addf %add3A_716, %get3A_737 : vector<16xf32>
        %scan3A_739 = arith.constant 3 : i32
        %scan3A_740 = arith.addi %scan3A_671, %scan3A_739 : i32
        %get3A_741 = arith.index_cast %scan3A_740 : i32 to index
        %get3A_742 = arith.constant 0 : index
        %get3A_743 = tpu.vector_load %arg10[%get3A_741, %get3A_742] {strides = array<i32>} : memref<128x64xf32, #tpu.memory_space<vmem>>, vector<1x16xf32>,
        %get3A_744 = vector.shape_cast %get3A_743 : vector<1x16xf32> to vector<16xf32>
        %add3A_745 = arith.addf %add3A_723, %get3A_744 : vector<16xf32>
        %get3A_746 = arith.index_cast %scan3A_740 : i32 to index
        %get3A_747 = arith.constant 16 : index
        %get3A_748 = tpu.vector_load %arg10[%get3A_746, %get3A_747] {strides = array<i32>} : memref<128x64xf32, #tpu.memory_space<vmem>>, vector<1x16xf32>,
        %get3A_749 = vector.shape_cast %get3A_748 : vector<1x16xf32> to vector<16xf32>
        %add3A_750 = arith.addf %add3A_728, %get3A_749 : vector<16xf32>
        %get3A_751 = arith.index_cast %scan3A_740 : i32 to index
        %get3A_752 = arith.constant 32 : index
        %get3A_753 = tpu.vector_load %arg10[%get3A_751, %get3A_752] {strides = array<i32>} : memref<128x64xf32, #tpu.memory_space<vmem>>, vector<1x16xf32>,
        %get3A_754 = vector.shape_cast %get3A_753 : vector<1x16xf32> to vector<16xf32>
        %add3A_755 = arith.addf %add3A_733, %get3A_754 : vector<16xf32>
        %get3A_756 = arith.index_cast %scan3A_740 : i32 to index
        %get3A_757 = arith.constant 48 : index
        %get3A_758 = tpu.vector_load %arg10[%get3A_756, %get3A_757] {strides = array<i32>} : memref<128x64xf32, #tpu.memory_space<vmem>>, vector<1x16xf32>,
        %get3A_759 = vector.shape_cast %get3A_758 : vector<1x16xf32> to vector<16xf32>
        %add3A_760 = arith.addf %add3A_738, %get3A_759 : vector<16xf32>
        %scan3A_761 = arith.constant 4 : i32
        %scan3A_762 = arith.addi %scan3A_671, %scan3A_761 : i32
        %get3A_763 = arith.index_cast %scan3A_762 : i32 to index
        %get3A_764 = arith.constant 0 : index
        %get3A_765 = tpu.vector_load %arg10[%get3A_763, %get3A_764] {strides = array<i32>} : memref<128x64xf32, #tpu.memory_space<vmem>>, vector<1x16xf32>,
        %get3A_766 = vector.shape_cast %get3A_765 : vector<1x16xf32> to vector<16xf32>
        %add3A_767 = arith.addf %add3A_745, %get3A_766 : vector<16xf32>
        %get3A_768 = arith.index_cast %scan3A_762 : i32 to index
        %get3A_769 = arith.constant 16 : index
        %get3A_770 = tpu.vector_load %arg10[%get3A_768, %get3A_769] {strides = array<i32>} : memref<128x64xf32, #tpu.memory_space<vmem>>, vector<1x16xf32>,
        %get3A_771 = vector.shape_cast %get3A_770 : vector<1x16xf32> to vector<16xf32>
        %add3A_772 = arith.addf %add3A_750, %get3A_771 : vector<16xf32>
        %get3A_773 = arith.index_cast %scan3A_762 : i32 to index
        %get3A_774 = arith.constant 32 : index
        %get3A_775 = tpu.vector_load %arg10[%get3A_773, %get3A_774] {strides = array<i32>} : memref<128x64xf32, #tpu.memory_space<vmem>>, vector<1x16xf32>,
        %get3A_776 = vector.shape_cast %get3A_775 : vector<1x16xf32> to vector<16xf32>
        %add3A_777 = arith.addf %add3A_755, %get3A_776 : vector<16xf32>
        %get3A_778 = arith.index_cast %scan3A_762 : i32 to index
        %get3A_779 = arith.constant 48 : index
        %get3A_780 = tpu.vector_load %arg10[%get3A_778, %get3A_779] {strides = array<i32>} : memref<128x64xf32, #tpu.memory_space<vmem>>, vector<1x16xf32>,
        %get3A_781 = vector.shape_cast %get3A_780 : vector<1x16xf32> to vector<16xf32>
        %add3A_782 = arith.addf %add3A_760, %get3A_781 : vector<16xf32>
        %scan3A_783 = arith.constant 5 : i32
        %scan3A_784 = arith.addi %scan3A_671, %scan3A_783 : i32
        %get3A_785 = arith.index_cast %scan3A_784 : i32 to index
        %get3A_786 = arith.constant 0 : index
        %get3A_787 = tpu.vector_load %arg10[%get3A_785, %get3A_786] {strides = array<i32>} : memref<128x64xf32, #tpu.memory_space<vmem>>, vector<1x16xf32>,
        %get3A_788 = vector.shape_cast %get3A_787 : vector<1x16xf32> to vector<16xf32>
        %add3A_789 = arith.addf %add3A_767, %get3A_788 : vector<16xf32>
        %get3A_790 = arith.index_cast %scan3A_784 : i32 to index
        %get3A_791 = arith.constant 16 : index
        %get3A_792 = tpu.vector_load %arg10[%get3A_790, %get3A_791] {strides = array<i32>} : memref<128x64xf32, #tpu.memory_space<vmem>>, vector<1x16xf32>,
        %get3A_793 = vector.shape_cast %get3A_792 : vector<1x16xf32> to vector<16xf32>
        %add3A_794 = arith.addf %add3A_772, %get3A_793 : vector<16xf32>
        %get3A_795 = arith.index_cast %scan3A_784 : i32 to index
        %get3A_796 = arith.constant 32 : index
        %get3A_797 = tpu.vector_load %arg10[%get3A_795, %get3A_796] {strides = array<i32>} : memref<128x64xf32, #tpu.memory_space<vmem>>, vector<1x16xf32>,
        %get3A_798 = vector.shape_cast %get3A_797 : vector<1x16xf32> to vector<16xf32>
        %add3A_799 = arith.addf %add3A_777, %get3A_798 : vector<16xf32>
        %get3A_800 = arith.index_cast %scan3A_784 : i32 to index
        %get3A_801 = arith.constant 48 : index
        %get3A_802 = tpu.vector_load %arg10[%get3A_800, %get3A_801] {strides = array<i32>} : memref<128x64xf32, #tpu.memory_space<vmem>>, vector<1x16xf32>,
        %get3A_803 = vector.shape_cast %get3A_802 : vector<1x16xf32> to vector<16xf32>
        %add3A_804 = arith.addf %add3A_782, %get3A_803 : vector<16xf32>
        %scan3A_805 = arith.constant 6 : i32
        %scan3A_806 = arith.addi %scan3A_671, %scan3A_805 : i32
        %get3A_807 = arith.index_cast %scan3A_806 : i32 to index
        %get3A_808 = arith.constant 0 : index
        %get3A_809 = tpu.vector_load %arg10[%get3A_807, %get3A_808] {strides = array<i32>} : memref<128x64xf32, #tpu.memory_space<vmem>>, vector<1x16xf32>,
        %get3A_810 = vector.shape_cast %get3A_809 : vector<1x16xf32> to vector<16xf32>
        %add3A_811 = arith.addf %add3A_789, %get3A_810 : vector<16xf32>
        %get3A_812 = arith.index_cast %scan3A_806 : i32 to index
        %get3A_813 = arith.constant 16 : index
        %get3A_814 = tpu.vector_load %arg10[%get3A_812, %get3A_813] {strides = array<i32>} : memref<128x64xf32, #tpu.memory_space<vmem>>, vector<1x16xf32>,
        %get3A_815 = vector.shape_cast %get3A_814 : vector<1x16xf32> to vector<16xf32>
        %add3A_816 = arith.addf %add3A_794, %get3A_815 : vector<16xf32>
        %get3A_817 = arith.index_cast %scan3A_806 : i32 to index
        %get3A_818 = arith.constant 32 : index
        %get3A_819 = tpu.vector_load %arg10[%get3A_817, %get3A_818] {strides = array<i32>} : memref<128x64xf32, #tpu.memory_space<vmem>>, vector<1x16xf32>,
        %get3A_820 = vector.shape_cast %get3A_819 : vector<1x16xf32> to vector<16xf32>
        %add3A_821 = arith.addf %add3A_799, %get3A_820 : vector<16xf32>
        %get3A_822 = arith.index_cast %scan3A_806 : i32 to index
        %get3A_823 = arith.constant 48 : index
        %get3A_824 = tpu.vector_load %arg10[%get3A_822, %get3A_823] {strides = array<i32>} : memref<128x64xf32, #tpu.memory_space<vmem>>, vector<1x16xf32>,
        %get3A_825 = vector.shape_cast %get3A_824 : vector<1x16xf32> to vector<16xf32>
        %add3A_826 = arith.addf %add3A_804, %get3A_825 : vector<16xf32>
        %scan3A_827 = arith.constant 7 : i32
        %scan3A_828 = arith.addi %scan3A_671, %scan3A_827 : i32
        %get3A_829 = arith.index_cast %scan3A_828 : i32 to index
        %get3A_830 = arith.constant 0 : index
        %get3A_831 = tpu.vector_load %arg10[%get3A_829, %get3A_830] {strides = array<i32>} : memref<128x64xf32, #tpu.memory_space<vmem>>, vector<1x16xf32>,
        %get3A_832 = vector.shape_cast %get3A_831 : vector<1x16xf32> to vector<16xf32>
        %add3A_833 = arith.addf %add3A_811, %get3A_832 : vector<16xf32>
        %get3A_834 = arith.index_cast %scan3A_828 : i32 to index
        %get3A_835 = arith.constant 16 : index
        %get3A_836 = tpu.vector_load %arg10[%get3A_834, %get3A_835] {strides = array<i32>} : memref<128x64xf32, #tpu.memory_space<vmem>>, vector<1x16xf32>,
        %get3A_837 = vector.shape_cast %get3A_836 : vector<1x16xf32> to vector<16xf32>
        %add3A_838 = arith.addf %add3A_816, %get3A_837 : vector<16xf32>
        %get3A_839 = arith.index_cast %scan3A_828 : i32 to index
        %get3A_840 = arith.constant 32 : index
        %get3A_841 = tpu.vector_load %arg10[%get3A_839, %get3A_840] {strides = array<i32>} : memref<128x64xf32, #tpu.memory_space<vmem>>, vector<1x16xf32>,
        %get3A_842 = vector.shape_cast %get3A_841 : vector<1x16xf32> to vector<16xf32>
        %add3A_843 = arith.addf %add3A_821, %get3A_842 : vector<16xf32>
        %get3A_844 = arith.index_cast %scan3A_828 : i32 to index
        %get3A_845 = arith.constant 48 : index
        %get3A_846 = tpu.vector_load %arg10[%get3A_844, %get3A_845] {strides = array<i32>} : memref<128x64xf32, #tpu.memory_space<vmem>>, vector<1x16xf32>,
        %get3A_847 = vector.shape_cast %get3A_846 : vector<1x16xf32> to vector<16xf32>
        %add3A_848 = arith.addf %add3A_826, %get3A_847 : vector<16xf32>
        scf.yield %add3A_833, %add3A_838, %add3A_843, %add3A_848 : vector<16xf32>, vector<16xf32>, vector<16xf32>, vector<16xf32>
      }
      %scan3A_411 = arith.constant 128 : i32
      %add3A_412 = arith.constant 8 : i32
      %add3A_413 = arith.addi %mul3A_121, %add3A_412 : i32
      %add3A_414 = arith.constant 4 : i32
      %add3A_415 = arith.addi %add3A_413, %add3A_414 : i32
      %min3A_416 = arith.constant 254 : i32
      %min3A_417 = arith.minsi %add3A_415, %min3A_416 : i32
      %jit3A_418 = arith.constant 2 : i32
      %div3A_419 = arith.divsi %min3A_417, %jit3A_418 : i32
      %sign3A_420 = arith.constant 0 : i32
      %sign3A_421 = arith.cmpi sgt, %min3A_417, %sign3A_420 : i32
      %sign3A_422 = arith.extui %sign3A_421 : i1 to i32
      %sign3A_423 = arith.constant 0 : i32
      %sign3A_424 = arith.cmpi slt, %min3A_417, %sign3A_423 : i32
      %sign3A_425 = arith.extui %sign3A_424 : i1 to i32
      %sign3A_426 = arith.subi %sign3A_422, %sign3A_425 : i32
      %sign3A_427 = arith.constant 0 : i32
      %sign3A_428 = arith.cmpi sgt, %jit3A_418, %sign3A_427 : i32
      %sign3A_429 = arith.extui %sign3A_428 : i1 to i32
      %sign3A_430 = arith.constant 0 : i32
      %sign3A_431 = arith.cmpi slt, %jit3A_418, %sign3A_430 : i32
      %sign3A_432 = arith.extui %sign3A_431 : i1 to i32
      %sign3A_433 = arith.subi %sign3A_429, %sign3A_432 : i32
      %ne3A_434 = arith.cmpi ne, %sign3A_426, %sign3A_433 : i32
      %rem3A_435 = arith.remsi %min3A_417, %jit3A_418 : i32
      %ne3A_436 = arith.constant 0 : i32
      %ne3A_437 = arith.cmpi ne, %rem3A_435, %ne3A_436 : i32
      %and3A_438 = arith.andi %ne3A_434, %ne3A_437 : i1
      %sub3A_439 = arith.constant 1 : i32
      %sub3A_440 = arith.subi %div3A_419, %sub3A_439 : i32
      %select_n3A_441 = arith.select %and3A_438, %sub3A_440, %div3A_419 : i32
      %dma_start3A_442 = arith.constant 0 : i32
      %dma_start3A_443 = tpu.memref_slice %arg5[%select_n3A_441, %dma_start3A_442] : memref<128x200xi32, #tpu.memory_space<vmem>> -> memref<1x128xi32, #tpu.memory_space<vmem>>
      %dma_start3A_444 = tpu.memref_squeeze %dma_start3A_443 : memref<1x128xi32, #tpu.memory_space<vmem>> -> memref<128xi32, #tpu.memory_space<vmem>>
      %dma_start3A_445 = arith.constant 0 : i32
      %dma_start3A_446 = arith.constant 0 : i32
      %dma_start3A_447 = tpu.memref_slice %arg3[%dma_start3A_445, %dma_start3A_446] : memref<1015808x64xf32, #tpu.memory_space<hbm>> -> memref<1015808x64xf32, #tpu.memory_space<hbm>>
      tpu.enqueue_indirect_dma source(%dma_start3A_447 : memref<1015808x64xf32, #tpu.memory_space<hbm>>) target(%arg10 : memref<128x64xf32, #tpu.memory_space<vmem>>) offsets(%dma_start3A_444 : memref<128xi32, #tpu.memory_space<vmem>>) semaphore(%arg19 : memref<!tpu.dma_semaphore, #tpu.memory_space<semaphore_mem>>)
      %dma_wait3A_448 = arith.constant 0 : i32
      %dma_wait3A_449 = arith.constant 128 : i32
      %dma_wait3A_450 = tpu.memref_slice %arg5[%dma_wait3A_448, %dma_wait3A_449] : memref<128x200xi32, #tpu.memory_space<vmem>> -> memref<1x72xi32, #tpu.memory_space<vmem>>
      %dma_wait3A_451 = tpu.memref_squeeze %dma_wait3A_450 : memref<1x72xi32, #tpu.memory_space<vmem>> -> memref<72xi32, #tpu.memory_space<vmem>>
      %dma_wait3A_452 = arith.constant 0 : i32
      %dma_wait3A_453 = arith.constant 0 : i32
      %dma_wait3A_454 = tpu.memref_slice %arg3[%dma_wait3A_452, %dma_wait3A_453] : memref<1015808x64xf32, #tpu.memory_space<hbm>> -> memref<1015808x64xf32, #tpu.memory_space<hbm>>
      tpu.wait_indirect_dma semaphore(%arg20 : memref<!tpu.dma_semaphore, #tpu.memory_space<semaphore_mem>>) src(%dma_wait3A_454 : memref<1015808x64xf32, #tpu.memory_space<hbm>>) dst(%arg11 : memref<72x64xf32, #tpu.memory_space<vmem>>)
      %scan3A_455 = arith.constant 0 : i32
      %scan3A_456 = arith.constant 72 : i32
      %scan3A_457 = arith.addi %scan3A_455, %scan3A_456 : i32
      %scan3A_458 = arith.constant 8 : i32
      %scan3A_459:4 = scf.for %scan3A_671 = %scan3A_455 to %scan3A_457 step %scan3A_458 iter_args(%scan3A_672 = %scan3A_410#0, %scan3A_673 = %scan3A_410#1, %scan3A_674 = %scan3A_410#2, %scan3A_675 = %scan3A_410#3) -> (vector<16xf32>, vector<16xf32>, vector<16xf32>, vector<16xf32>)  : i32 {
        %get3A = arith.index_cast %scan3A_671 : i32 to index
        %get3A_676 = arith.constant 0 : index
        %get3A_677 = tpu.vector_load %arg11[%get3A, %get3A_676] {strides = array<i32>} : memref<72x64xf32, #tpu.memory_space<vmem>>, vector<1x16xf32>,
        %get3A_678 = vector.shape_cast %get3A_677 : vector<1x16xf32> to vector<16xf32>
        %add3A_679 = arith.addf %scan3A_672, %get3A_678 : vector<16xf32>
        %get3A_680 = arith.index_cast %scan3A_671 : i32 to index
        %get3A_681 = arith.constant 16 : index
        %get3A_682 = tpu.vector_load %arg11[%get3A_680, %get3A_681] {strides = array<i32>} : memref<72x64xf32, #tpu.memory_space<vmem>>, vector<1x16xf32>,
        %get3A_683 = vector.shape_cast %get3A_682 : vector<1x16xf32> to vector<16xf32>
        %add3A_684 = arith.addf %scan3A_673, %get3A_683 : vector<16xf32>
        %get3A_685 = arith.index_cast %scan3A_671 : i32 to index
        %get3A_686 = arith.constant 32 : index
        %get3A_687 = tpu.vector_load %arg11[%get3A_685, %get3A_686] {strides = array<i32>} : memref<72x64xf32, #tpu.memory_space<vmem>>, vector<1x16xf32>,
        %get3A_688 = vector.shape_cast %get3A_687 : vector<1x16xf32> to vector<16xf32>
        %add3A_689 = arith.addf %scan3A_674, %get3A_688 : vector<16xf32>
        %get3A_690 = arith.index_cast %scan3A_671 : i32 to index
        %get3A_691 = arith.constant 48 : index
        %get3A_692 = tpu.vector_load %arg11[%get3A_690, %get3A_691] {strides = array<i32>} : memref<72x64xf32, #tpu.memory_space<vmem>>, vector<1x16xf32>,
        %get3A_693 = vector.shape_cast %get3A_692 : vector<1x16xf32> to vector<16xf32>
        %add3A_694 = arith.addf %scan3A_675, %get3A_693 : vector<16xf32>
        %scan3A_695 = arith.constant 1 : i32
        %scan3A_696 = arith.addi %scan3A_671, %scan3A_695 : i32
        %get3A_697 = arith.index_cast %scan3A_696 : i32 to index
        %get3A_698 = arith.constant 0 : index
        %get3A_699 = tpu.vector_load %arg11[%get3A_697, %get3A_698] {strides = array<i32>} : memref<72x64xf32, #tpu.memory_space<vmem>>, vector<1x16xf32>,
        %get3A_700 = vector.shape_cast %get3A_699 : vector<1x16xf32> to vector<16xf32>
        %add3A_701 = arith.addf %add3A_679, %get3A_700 : vector<16xf32>
        %get3A_702 = arith.index_cast %scan3A_696 : i32 to index
        %get3A_703 = arith.constant 16 : index
        %get3A_704 = tpu.vector_load %arg11[%get3A_702, %get3A_703] {strides = array<i32>} : memref<72x64xf32, #tpu.memory_space<vmem>>, vector<1x16xf32>,
        %get3A_705 = vector.shape_cast %get3A_704 : vector<1x16xf32> to vector<16xf32>
        %add3A_706 = arith.addf %add3A_684, %get3A_705 : vector<16xf32>
        %get3A_707 = arith.index_cast %scan3A_696 : i32 to index
        %get3A_708 = arith.constant 32 : index
        %get3A_709 = tpu.vector_load %arg11[%get3A_707, %get3A_708] {strides = array<i32>} : memref<72x64xf32, #tpu.memory_space<vmem>>, vector<1x16xf32>,
        %get3A_710 = vector.shape_cast %get3A_709 : vector<1x16xf32> to vector<16xf32>
        %add3A_711 = arith.addf %add3A_689, %get3A_710 : vector<16xf32>
        %get3A_712 = arith.index_cast %scan3A_696 : i32 to index
        %get3A_713 = arith.constant 48 : index
        %get3A_714 = tpu.vector_load %arg11[%get3A_712, %get3A_713] {strides = array<i32>} : memref<72x64xf32, #tpu.memory_space<vmem>>, vector<1x16xf32>,
        %get3A_715 = vector.shape_cast %get3A_714 : vector<1x16xf32> to vector<16xf32>
        %add3A_716 = arith.addf %add3A_694, %get3A_715 : vector<16xf32>
        %scan3A_717 = arith.constant 2 : i32
        %scan3A_718 = arith.addi %scan3A_671, %scan3A_717 : i32
        %get3A_719 = arith.index_cast %scan3A_718 : i32 to index
        %get3A_720 = arith.constant 0 : index
        %get3A_721 = tpu.vector_load %arg11[%get3A_719, %get3A_720] {strides = array<i32>} : memref<72x64xf32, #tpu.memory_space<vmem>>, vector<1x16xf32>,
        %get3A_722 = vector.shape_cast %get3A_721 : vector<1x16xf32> to vector<16xf32>
        %add3A_723 = arith.addf %add3A_701, %get3A_722 : vector<16xf32>
        %get3A_724 = arith.index_cast %scan3A_718 : i32 to index
        %get3A_725 = arith.constant 16 : index
        %get3A_726 = tpu.vector_load %arg11[%get3A_724, %get3A_725] {strides = array<i32>} : memref<72x64xf32, #tpu.memory_space<vmem>>, vector<1x16xf32>,
        %get3A_727 = vector.shape_cast %get3A_726 : vector<1x16xf32> to vector<16xf32>
        %add3A_728 = arith.addf %add3A_706, %get3A_727 : vector<16xf32>
        %get3A_729 = arith.index_cast %scan3A_718 : i32 to index
        %get3A_730 = arith.constant 32 : index
        %get3A_731 = tpu.vector_load %arg11[%get3A_729, %get3A_730] {strides = array<i32>} : memref<72x64xf32, #tpu.memory_space<vmem>>, vector<1x16xf32>,
        %get3A_732 = vector.shape_cast %get3A_731 : vector<1x16xf32> to vector<16xf32>
        %add3A_733 = arith.addf %add3A_711, %get3A_732 : vector<16xf32>
        %get3A_734 = arith.index_cast %scan3A_718 : i32 to index
        %get3A_735 = arith.constant 48 : index
        %get3A_736 = tpu.vector_load %arg11[%get3A_734, %get3A_735] {strides = array<i32>} : memref<72x64xf32, #tpu.memory_space<vmem>>, vector<1x16xf32>,
        %get3A_737 = vector.shape_cast %get3A_736 : vector<1x16xf32> to vector<16xf32>
        %add3A_738 = arith.addf %add3A_716, %get3A_737 : vector<16xf32>
        %scan3A_739 = arith.constant 3 : i32
        %scan3A_740 = arith.addi %scan3A_671, %scan3A_739 : i32
        %get3A_741 = arith.index_cast %scan3A_740 : i32 to index
        %get3A_742 = arith.constant 0 : index
        %get3A_743 = tpu.vector_load %arg11[%get3A_741, %get3A_742] {strides = array<i32>} : memref<72x64xf32, #tpu.memory_space<vmem>>, vector<1x16xf32>,
        %get3A_744 = vector.shape_cast %get3A_743 : vector<1x16xf32> to vector<16xf32>
        %add3A_745 = arith.addf %add3A_723, %get3A_744 : vector<16xf32>
        %get3A_746 = arith.index_cast %scan3A_740 : i32 to index
        %get3A_747 = arith.constant 16 : index
        %get3A_748 = tpu.vector_load %arg11[%get3A_746, %get3A_747] {strides = array<i32>} : memref<72x64xf32, #tpu.memory_space<vmem>>, vector<1x16xf32>,
        %get3A_749 = vector.shape_cast %get3A_748 : vector<1x16xf32> to vector<16xf32>
        %add3A_750 = arith.addf %add3A_728, %get3A_749 : vector<16xf32>
        %get3A_751 = arith.index_cast %scan3A_740 : i32 to index
        %get3A_752 = arith.constant 32 : index
        %get3A_753 = tpu.vector_load %arg11[%get3A_751, %get3A_752] {strides = array<i32>} : memref<72x64xf32, #tpu.memory_space<vmem>>, vector<1x16xf32>,
        %get3A_754 = vector.shape_cast %get3A_753 : vector<1x16xf32> to vector<16xf32>
        %add3A_755 = arith.addf %add3A_733, %get3A_754 : vector<16xf32>
        %get3A_756 = arith.index_cast %scan3A_740 : i32 to index
        %get3A_757 = arith.constant 48 : index
        %get3A_758 = tpu.vector_load %arg11[%get3A_756, %get3A_757] {strides = array<i32>} : memref<72x64xf32, #tpu.memory_space<vmem>>, vector<1x16xf32>,
        %get3A_759 = vector.shape_cast %get3A_758 : vector<1x16xf32> to vector<16xf32>
        %add3A_760 = arith.addf %add3A_738, %get3A_759 : vector<16xf32>
        %scan3A_761 = arith.constant 4 : i32
        %scan3A_762 = arith.addi %scan3A_671, %scan3A_761 : i32
        %get3A_763 = arith.index_cast %scan3A_762 : i32 to index
        %get3A_764 = arith.constant 0 : index
        %get3A_765 = tpu.vector_load %arg11[%get3A_763, %get3A_764] {strides = array<i32>} : memref<72x64xf32, #tpu.memory_space<vmem>>, vector<1x16xf32>,
        %get3A_766 = vector.shape_cast %get3A_765 : vector<1x16xf32> to vector<16xf32>
        %add3A_767 = arith.addf %add3A_745, %get3A_766 : vector<16xf32>
        %get3A_768 = arith.index_cast %scan3A_762 : i32 to index
        %get3A_769 = arith.constant 16 : index
        %get3A_770 = tpu.vector_load %arg11[%get3A_768, %get3A_769] {strides = array<i32>} : memref<72x64xf32, #tpu.memory_space<vmem>>, vector<1x16xf32>,
        %get3A_771 = vector.shape_cast %get3A_770 : vector<1x16xf32> to vector<16xf32>
        %add3A_772 = arith.addf %add3A_750, %get3A_771 : vector<16xf32>
        %get3A_773 = arith.index_cast %scan3A_762 : i32 to index
        %get3A_774 = arith.constant 32 : index
        %get3A_775 = tpu.vector_load %arg11[%get3A_773, %get3A_774] {strides = array<i32>} : memref<72x64xf32, #tpu.memory_space<vmem>>, vector<1x16xf32>,
        %get3A_776 = vector.shape_cast %get3A_775 : vector<1x16xf32> to vector<16xf32>
        %add3A_777 = arith.addf %add3A_755, %get3A_776 : vector<16xf32>
        %get3A_778 = arith.index_cast %scan3A_762 : i32 to index
        %get3A_779 = arith.constant 48 : index
        %get3A_780 = tpu.vector_load %arg11[%get3A_778, %get3A_779] {strides = array<i32>} : memref<72x64xf32, #tpu.memory_space<vmem>>, vector<1x16xf32>,
        %get3A_781 = vector.shape_cast %get3A_780 : vector<1x16xf32> to vector<16xf32>
        %add3A_782 = arith.addf %add3A_760, %get3A_781 : vector<16xf32>
        %scan3A_783 = arith.constant 5 : i32
        %scan3A_784 = arith.addi %scan3A_671, %scan3A_783 : i32
        %get3A_785 = arith.index_cast %scan3A_784 : i32 to index
        %get3A_786 = arith.constant 0 : index
        %get3A_787 = tpu.vector_load %arg11[%get3A_785, %get3A_786] {strides = array<i32>} : memref<72x64xf32, #tpu.memory_space<vmem>>, vector<1x16xf32>,
        %get3A_788 = vector.shape_cast %get3A_787 : vector<1x16xf32> to vector<16xf32>
        %add3A_789 = arith.addf %add3A_767, %get3A_788 : vector<16xf32>
        %get3A_790 = arith.index_cast %scan3A_784 : i32 to index
        %get3A_791 = arith.constant 16 : index
        %get3A_792 = tpu.vector_load %arg11[%get3A_790, %get3A_791] {strides = array<i32>} : memref<72x64xf32, #tpu.memory_space<vmem>>, vector<1x16xf32>,
        %get3A_793 = vector.shape_cast %get3A_792 : vector<1x16xf32> to vector<16xf32>
        %add3A_794 = arith.addf %add3A_772, %get3A_793 : vector<16xf32>
        %get3A_795 = arith.index_cast %scan3A_784 : i32 to index
        %get3A_796 = arith.constant 32 : index
        %get3A_797 = tpu.vector_load %arg11[%get3A_795, %get3A_796] {strides = array<i32>} : memref<72x64xf32, #tpu.memory_space<vmem>>, vector<1x16xf32>,
        %get3A_798 = vector.shape_cast %get3A_797 : vector<1x16xf32> to vector<16xf32>
        %add3A_799 = arith.addf %add3A_777, %get3A_798 : vector<16xf32>
        %get3A_800 = arith.index_cast %scan3A_784 : i32 to index
        %get3A_801 = arith.constant 48 : index
        %get3A_802 = tpu.vector_load %arg11[%get3A_800, %get3A_801] {strides = array<i32>} : memref<72x64xf32, #tpu.memory_space<vmem>>, vector<1x16xf32>,
        %get3A_803 = vector.shape_cast %get3A_802 : vector<1x16xf32> to vector<16xf32>
        %add3A_804 = arith.addf %add3A_782, %get3A_803 : vector<16xf32>
        %scan3A_805 = arith.constant 6 : i32
        %scan3A_806 = arith.addi %scan3A_671, %scan3A_805 : i32
        %get3A_807 = arith.index_cast %scan3A_806 : i32 to index
        %get3A_808 = arith.constant 0 : index
        %get3A_809 = tpu.vector_load %arg11[%get3A_807, %get3A_808] {strides = array<i32>} : memref<72x64xf32, #tpu.memory_space<vmem>>, vector<1x16xf32>,
        %get3A_810 = vector.shape_cast %get3A_809 : vector<1x16xf32> to vector<16xf32>
        %add3A_811 = arith.addf %add3A_789, %get3A_810 : vector<16xf32>
        %get3A_812 = arith.index_cast %scan3A_806 : i32 to index
        %get3A_813 = arith.constant 16 : index
        %get3A_814 = tpu.vector_load %arg11[%get3A_812, %get3A_813] {strides = array<i32>} : memref<72x64xf32, #tpu.memory_space<vmem>>, vector<1x16xf32>,
        %get3A_815 = vector.shape_cast %get3A_814 : vector<1x16xf32> to vector<16xf32>
        %add3A_816 = arith.addf %add3A_794, %get3A_815 : vector<16xf32>
        %get3A_817 = arith.index_cast %scan3A_806 : i32 to index
        %get3A_818 = arith.constant 32 : index
        %get3A_819 = tpu.vector_load %arg11[%get3A_817, %get3A_818] {strides = array<i32>} : memref<72x64xf32, #tpu.memory_space<vmem>>, vector<1x16xf32>,
        %get3A_820 = vector.shape_cast %get3A_819 : vector<1x16xf32> to vector<16xf32>
        %add3A_821 = arith.addf %add3A_799, %get3A_820 : vector<16xf32>
        %get3A_822 = arith.index_cast %scan3A_806 : i32 to index
        %get3A_823 = arith.constant 48 : index
        %get3A_824 = tpu.vector_load %arg11[%get3A_822, %get3A_823] {strides = array<i32>} : memref<72x64xf32, #tpu.memory_space<vmem>>, vector<1x16xf32>,
        %get3A_825 = vector.shape_cast %get3A_824 : vector<1x16xf32> to vector<16xf32>
        %add3A_826 = arith.addf %add3A_804, %get3A_825 : vector<16xf32>
        %scan3A_827 = arith.constant 7 : i32
        %scan3A_828 = arith.addi %scan3A_671, %scan3A_827 : i32
        %get3A_829 = arith.index_cast %scan3A_828 : i32 to index
        %get3A_830 = arith.constant 0 : index
        %get3A_831 = tpu.vector_load %arg11[%get3A_829, %get3A_830] {strides = array<i32>} : memref<72x64xf32, #tpu.memory_space<vmem>>, vector<1x16xf32>,
        %get3A_832 = vector.shape_cast %get3A_831 : vector<1x16xf32> to vector<16xf32>
        %add3A_833 = arith.addf %add3A_811, %get3A_832 : vector<16xf32>
        %get3A_834 = arith.index_cast %scan3A_828 : i32 to index
        %get3A_835 = arith.constant 16 : index
        %get3A_836 = tpu.vector_load %arg11[%get3A_834, %get3A_835] {strides = array<i32>} : memref<72x64xf32, #tpu.memory_space<vmem>>, vector<1x16xf32>,
        %get3A_837 = vector.shape_cast %get3A_836 : vector<1x16xf32> to vector<16xf32>
        %add3A_838 = arith.addf %add3A_816, %get3A_837 : vector<16xf32>
        %get3A_839 = arith.index_cast %scan3A_828 : i32 to index
        %get3A_840 = arith.constant 32 : index
        %get3A_841 = tpu.vector_load %arg11[%get3A_839, %get3A_840] {strides = array<i32>} : memref<72x64xf32, #tpu.memory_space<vmem>>, vector<1x16xf32>,
        %get3A_842 = vector.shape_cast %get3A_841 : vector<1x16xf32> to vector<16xf32>
        %add3A_843 = arith.addf %add3A_821, %get3A_842 : vector<16xf32>
        %get3A_844 = arith.index_cast %scan3A_828 : i32 to index
        %get3A_845 = arith.constant 48 : index
        %get3A_846 = tpu.vector_load %arg11[%get3A_844, %get3A_845] {strides = array<i32>} : memref<72x64xf32, #tpu.memory_space<vmem>>, vector<1x16xf32>,
        %get3A_847 = vector.shape_cast %get3A_846 : vector<1x16xf32> to vector<16xf32>
        %add3A_848 = arith.addf %add3A_826, %get3A_847 : vector<16xf32>
        scf.yield %add3A_833, %add3A_838, %add3A_843, %add3A_848 : vector<16xf32>, vector<16xf32>, vector<16xf32>, vector<16xf32>
      }
      %scan3A_460 = arith.constant 72 : i32
      %mul3A_461 = arith.constant 4 : i32
      %mul3A_462 = arith.muli %mul3A_461, %scan3A_119 : i32
      %add3A_463 = arith.constant 2 : i32
      %add3A_464 = arith.addi %mul3A_462, %add3A_463 : i32
      %mul3A_465 = vector.broadcast %scan3A_58 : f32 to vector<16xf32>
      %mul3A_466 = arith.mulf %scan3A_459#0, %mul3A_465 : vector<16xf32>
      %swap3A_467 = arith.index_cast %add3A_464 : i32 to index
      %swap3A_468 = arith.constant 0 : index
      %swap3A_469 = tpu.vector_load %arg14[%swap3A_467, %swap3A_468] {strides = array<i32>} : memref<128x64xf32, #tpu.memory_space<vmem>>, vector<1x16xf32>,
      %swap3A_470 = vector.shape_cast %swap3A_469 : vector<1x16xf32> to vector<16xf32>
      %swap3A_471 = vector.shape_cast %mul3A_466 : vector<16xf32> to vector<1x16xf32>
      tpu.vector_store %arg14[%swap3A_467, %swap3A_468], %swap3A_471 {strides = array<i32>} : memref<128x64xf32, #tpu.memory_space<vmem>>, vector<1x16xf32>,
      %mul3A_472 = vector.broadcast %scan3A_58 : f32 to vector<16xf32>
      %mul3A_473 = arith.mulf %scan3A_459#1, %mul3A_472 : vector<16xf32>
      %swap3A_474 = arith.index_cast %add3A_464 : i32 to index
      %swap3A_475 = arith.constant 16 : index
      %swap3A_476 = tpu.vector_load %arg14[%swap3A_474, %swap3A_475] {strides = array<i32>} : memref<128x64xf32, #tpu.memory_space<vmem>>, vector<1x16xf32>,
      %swap3A_477 = vector.shape_cast %swap3A_476 : vector<1x16xf32> to vector<16xf32>
      %swap3A_478 = vector.shape_cast %mul3A_473 : vector<16xf32> to vector<1x16xf32>
      tpu.vector_store %arg14[%swap3A_474, %swap3A_475], %swap3A_478 {strides = array<i32>} : memref<128x64xf32, #tpu.memory_space<vmem>>, vector<1x16xf32>,
      %mul3A_479 = vector.broadcast %scan3A_58 : f32 to vector<16xf32>
      %mul3A_480 = arith.mulf %scan3A_459#2, %mul3A_479 : vector<16xf32>
      %swap3A_481 = arith.index_cast %add3A_464 : i32 to index
      %swap3A_482 = arith.constant 32 : index
      %swap3A_483 = tpu.vector_load %arg14[%swap3A_481, %swap3A_482] {strides = array<i32>} : memref<128x64xf32, #tpu.memory_space<vmem>>, vector<1x16xf32>,
      %swap3A_484 = vector.shape_cast %swap3A_483 : vector<1x16xf32> to vector<16xf32>
      %swap3A_485 = vector.shape_cast %mul3A_480 : vector<16xf32> to vector<1x16xf32>
      tpu.vector_store %arg14[%swap3A_481, %swap3A_482], %swap3A_485 {strides = array<i32>} : memref<128x64xf32, #tpu.memory_space<vmem>>, vector<1x16xf32>,
      %mul3A_486 = vector.broadcast %scan3A_58 : f32 to vector<16xf32>
      %mul3A_487 = arith.mulf %scan3A_459#3, %mul3A_486 : vector<16xf32>
      %swap3A_488 = arith.index_cast %add3A_464 : i32 to index
      %swap3A_489 = arith.constant 48 : index
      %swap3A_490 = tpu.vector_load %arg14[%swap3A_488, %swap3A_489] {strides = array<i32>} : memref<128x64xf32, #tpu.memory_space<vmem>>, vector<1x16xf32>,
      %swap3A_491 = vector.shape_cast %swap3A_490 : vector<1x16xf32> to vector<16xf32>
      %swap3A_492 = vector.shape_cast %mul3A_487 : vector<16xf32> to vector<1x16xf32>
      tpu.vector_store %arg14[%swap3A_488, %swap3A_489], %swap3A_492 {strides = array<i32>} : memref<128x64xf32, #tpu.memory_space<vmem>>, vector<1x16xf32>,
      %add3A_493 = arith.constant 8 : i32
      %add3A_494 = arith.addi %mul3A_121, %add3A_493 : i32
      %add3A_495 = arith.constant 4 : i32
      %add3A_496 = arith.addi %add3A_494, %add3A_495 : i32
      %add3A_497 = arith.constant 1 : i32
      %add3A_498 = arith.addi %add3A_496, %add3A_497 : i32
      %min3A_499 = arith.constant 255 : i32
      %min3A_500 = arith.minsi %add3A_498, %min3A_499 : i32
      %jit3A_501 = arith.constant 2 : i32
      %div3A_502 = arith.divsi %min3A_500, %jit3A_501 : i32
      %sign3A_503 = arith.constant 0 : i32
      %sign3A_504 = arith.cmpi sgt, %min3A_500, %sign3A_503 : i32
      %sign3A_505 = arith.extui %sign3A_504 : i1 to i32
      %sign3A_506 = arith.constant 0 : i32
      %sign3A_507 = arith.cmpi slt, %min3A_500, %sign3A_506 : i32
      %sign3A_508 = arith.extui %sign3A_507 : i1 to i32
      %sign3A_509 = arith.subi %sign3A_505, %sign3A_508 : i32
      %sign3A_510 = arith.constant 0 : i32
      %sign3A_511 = arith.cmpi sgt, %jit3A_501, %sign3A_510 : i32
      %sign3A_512 = arith.extui %sign3A_511 : i1 to i32
      %sign3A_513 = arith.constant 0 : i32
      %sign3A_514 = arith.cmpi slt, %jit3A_501, %sign3A_513 : i32
      %sign3A_515 = arith.extui %sign3A_514 : i1 to i32
      %sign3A_516 = arith.subi %sign3A_512, %sign3A_515 : i32
      %ne3A_517 = arith.cmpi ne, %sign3A_509, %sign3A_516 : i32
      %rem3A_518 = arith.remsi %min3A_500, %jit3A_501 : i32
      %ne3A_519 = arith.constant 0 : i32
      %ne3A_520 = arith.cmpi ne, %rem3A_518, %ne3A_519 : i32
      %and3A_521 = arith.andi %ne3A_517, %ne3A_520 : i1
      %sub3A_522 = arith.constant 1 : i32
      %sub3A_523 = arith.subi %div3A_502, %sub3A_522 : i32
      %select_n3A_524 = arith.select %and3A_521, %sub3A_523, %div3A_502 : i32
      %dma_start3A_525 = arith.constant 128 : i32
      %dma_start3A_526 = tpu.memref_slice %arg5[%select_n3A_524, %dma_start3A_525] : memref<128x200xi32, #tpu.memory_space<vmem>> -> memref<1x72xi32, #tpu.memory_space<vmem>>
      %dma_start3A_527 = tpu.memref_squeeze %dma_start3A_526 : memref<1x72xi32, #tpu.memory_space<vmem>> -> memref<72xi32, #tpu.memory_space<vmem>>
      %dma_start3A_528 = arith.constant 0 : i32
      %dma_start3A_529 = arith.constant 0 : i32
      %dma_start3A_530 = tpu.memref_slice %arg3[%dma_start3A_528, %dma_start3A_529] : memref<1015808x64xf32, #tpu.memory_space<hbm>> -> memref<1015808x64xf32, #tpu.memory_space<hbm>>
      tpu.enqueue_indirect_dma source(%dma_start3A_530 : memref<1015808x64xf32, #tpu.memory_space<hbm>>) target(%arg11 : memref<72x64xf32, #tpu.memory_space<vmem>>) offsets(%dma_start3A_527 : memref<72xi32, #tpu.memory_space<vmem>>) semaphore(%arg20 : memref<!tpu.dma_semaphore, #tpu.memory_space<semaphore_mem>>)
      %broadcast_in_dim3A_531 = arith.constant 0.000000e+00 : f32
      %broadcast_in_dim3A_532 = vector.broadcast %broadcast_in_dim3A_531 : f32 to vector<16xf32>
      %broadcast_in_dim3A_533 = arith.constant 0.000000e+00 : f32
      %broadcast_in_dim3A_534 = vector.broadcast %broadcast_in_dim3A_533 : f32 to vector<16xf32>
      %broadcast_in_dim3A_535 = arith.constant 0.000000e+00 : f32
      %broadcast_in_dim3A_536 = vector.broadcast %broadcast_in_dim3A_535 : f32 to vector<16xf32>
      %broadcast_in_dim3A_537 = arith.constant 0.000000e+00 : f32
      %broadcast_in_dim3A_538 = vector.broadcast %broadcast_in_dim3A_537 : f32 to vector<16xf32>
      %dma_wait3A_539 = arith.constant 0 : i32
      %dma_wait3A_540 = arith.constant 0 : i32
      %dma_wait3A_541 = tpu.memref_slice %arg5[%dma_wait3A_539, %dma_wait3A_540] : memref<128x200xi32, #tpu.memory_space<vmem>> -> memref<1x128xi32, #tpu.memory_space<vmem>>
      %dma_wait3A_542 = tpu.memref_squeeze %dma_wait3A_541 : memref<1x128xi32, #tpu.memory_space<vmem>> -> memref<128xi32, #tpu.memory_space<vmem>>
      %dma_wait3A_543 = arith.constant 0 : i32
      %dma_wait3A_544 = arith.constant 0 : i32
      %dma_wait3A_545 = tpu.memref_slice %arg3[%dma_wait3A_543, %dma_wait3A_544] : memref<1015808x64xf32, #tpu.memory_space<hbm>> -> memref<1015808x64xf32, #tpu.memory_space<hbm>>
      tpu.wait_indirect_dma semaphore(%arg21 : memref<!tpu.dma_semaphore, #tpu.memory_space<semaphore_mem>>) src(%dma_wait3A_545 : memref<1015808x64xf32, #tpu.memory_space<hbm>>) dst(%arg12 : memref<128x64xf32, #tpu.memory_space<vmem>>)
      %scan3A_546 = arith.constant 0 : i32
      %scan3A_547 = arith.constant 128 : i32
      %scan3A_548 = arith.addi %scan3A_546, %scan3A_547 : i32
      %scan3A_549 = arith.constant 8 : i32
      %scan3A_550:4 = scf.for %scan3A_671 = %scan3A_546 to %scan3A_548 step %scan3A_549 iter_args(%scan3A_672 = %broadcast_in_dim3A_532, %scan3A_673 = %broadcast_in_dim3A_534, %scan3A_674 = %broadcast_in_dim3A_536, %scan3A_675 = %broadcast_in_dim3A_538) -> (vector<16xf32>, vector<16xf32>, vector<16xf32>, vector<16xf32>)  : i32 {
        %get3A = arith.index_cast %scan3A_671 : i32 to index
        %get3A_676 = arith.constant 0 : index
        %get3A_677 = tpu.vector_load %arg12[%get3A, %get3A_676] {strides = array<i32>} : memref<128x64xf32, #tpu.memory_space<vmem>>, vector<1x16xf32>,
        %get3A_678 = vector.shape_cast %get3A_677 : vector<1x16xf32> to vector<16xf32>
        %add3A_679 = arith.addf %scan3A_672, %get3A_678 : vector<16xf32>
        %get3A_680 = arith.index_cast %scan3A_671 : i32 to index
        %get3A_681 = arith.constant 16 : index
        %get3A_682 = tpu.vector_load %arg12[%get3A_680, %get3A_681] {strides = array<i32>} : memref<128x64xf32, #tpu.memory_space<vmem>>, vector<1x16xf32>,
        %get3A_683 = vector.shape_cast %get3A_682 : vector<1x16xf32> to vector<16xf32>
        %add3A_684 = arith.addf %scan3A_673, %get3A_683 : vector<16xf32>
        %get3A_685 = arith.index_cast %scan3A_671 : i32 to index
        %get3A_686 = arith.constant 32 : index
        %get3A_687 = tpu.vector_load %arg12[%get3A_685, %get3A_686] {strides = array<i32>} : memref<128x64xf32, #tpu.memory_space<vmem>>, vector<1x16xf32>,
        %get3A_688 = vector.shape_cast %get3A_687 : vector<1x16xf32> to vector<16xf32>
        %add3A_689 = arith.addf %scan3A_674, %get3A_688 : vector<16xf32>
        %get3A_690 = arith.index_cast %scan3A_671 : i32 to index
        %get3A_691 = arith.constant 48 : index
        %get3A_692 = tpu.vector_load %arg12[%get3A_690, %get3A_691] {strides = array<i32>} : memref<128x64xf32, #tpu.memory_space<vmem>>, vector<1x16xf32>,
        %get3A_693 = vector.shape_cast %get3A_692 : vector<1x16xf32> to vector<16xf32>
        %add3A_694 = arith.addf %scan3A_675, %get3A_693 : vector<16xf32>
        %scan3A_695 = arith.constant 1 : i32
        %scan3A_696 = arith.addi %scan3A_671, %scan3A_695 : i32
        %get3A_697 = arith.index_cast %scan3A_696 : i32 to index
        %get3A_698 = arith.constant 0 : index
        %get3A_699 = tpu.vector_load %arg12[%get3A_697, %get3A_698] {strides = array<i32>} : memref<128x64xf32, #tpu.memory_space<vmem>>, vector<1x16xf32>,
        %get3A_700 = vector.shape_cast %get3A_699 : vector<1x16xf32> to vector<16xf32>
        %add3A_701 = arith.addf %add3A_679, %get3A_700 : vector<16xf32>
        %get3A_702 = arith.index_cast %scan3A_696 : i32 to index
        %get3A_703 = arith.constant 16 : index
        %get3A_704 = tpu.vector_load %arg12[%get3A_702, %get3A_703] {strides = array<i32>} : memref<128x64xf32, #tpu.memory_space<vmem>>, vector<1x16xf32>,
        %get3A_705 = vector.shape_cast %get3A_704 : vector<1x16xf32> to vector<16xf32>
        %add3A_706 = arith.addf %add3A_684, %get3A_705 : vector<16xf32>
        %get3A_707 = arith.index_cast %scan3A_696 : i32 to index
        %get3A_708 = arith.constant 32 : index
        %get3A_709 = tpu.vector_load %arg12[%get3A_707, %get3A_708] {strides = array<i32>} : memref<128x64xf32, #tpu.memory_space<vmem>>, vector<1x16xf32>,
        %get3A_710 = vector.shape_cast %get3A_709 : vector<1x16xf32> to vector<16xf32>
        %add3A_711 = arith.addf %add3A_689, %get3A_710 : vector<16xf32>
        %get3A_712 = arith.index_cast %scan3A_696 : i32 to index
        %get3A_713 = arith.constant 48 : index
        %get3A_714 = tpu.vector_load %arg12[%get3A_712, %get3A_713] {strides = array<i32>} : memref<128x64xf32, #tpu.memory_space<vmem>>, vector<1x16xf32>,
        %get3A_715 = vector.shape_cast %get3A_714 : vector<1x16xf32> to vector<16xf32>
        %add3A_716 = arith.addf %add3A_694, %get3A_715 : vector<16xf32>
        %scan3A_717 = arith.constant 2 : i32
        %scan3A_718 = arith.addi %scan3A_671, %scan3A_717 : i32
        %get3A_719 = arith.index_cast %scan3A_718 : i32 to index
        %get3A_720 = arith.constant 0 : index
        %get3A_721 = tpu.vector_load %arg12[%get3A_719, %get3A_720] {strides = array<i32>} : memref<128x64xf32, #tpu.memory_space<vmem>>, vector<1x16xf32>,
        %get3A_722 = vector.shape_cast %get3A_721 : vector<1x16xf32> to vector<16xf32>
        %add3A_723 = arith.addf %add3A_701, %get3A_722 : vector<16xf32>
        %get3A_724 = arith.index_cast %scan3A_718 : i32 to index
        %get3A_725 = arith.constant 16 : index
        %get3A_726 = tpu.vector_load %arg12[%get3A_724, %get3A_725] {strides = array<i32>} : memref<128x64xf32, #tpu.memory_space<vmem>>, vector<1x16xf32>,
        %get3A_727 = vector.shape_cast %get3A_726 : vector<1x16xf32> to vector<16xf32>
        %add3A_728 = arith.addf %add3A_706, %get3A_727 : vector<16xf32>
        %get3A_729 = arith.index_cast %scan3A_718 : i32 to index
        %get3A_730 = arith.constant 32 : index
        %get3A_731 = tpu.vector_load %arg12[%get3A_729, %get3A_730] {strides = array<i32>} : memref<128x64xf32, #tpu.memory_space<vmem>>, vector<1x16xf32>,
        %get3A_732 = vector.shape_cast %get3A_731 : vector<1x16xf32> to vector<16xf32>
        %add3A_733 = arith.addf %add3A_711, %get3A_732 : vector<16xf32>
        %get3A_734 = arith.index_cast %scan3A_718 : i32 to index
        %get3A_735 = arith.constant 48 : index
        %get3A_736 = tpu.vector_load %arg12[%get3A_734, %get3A_735] {strides = array<i32>} : memref<128x64xf32, #tpu.memory_space<vmem>>, vector<1x16xf32>,
        %get3A_737 = vector.shape_cast %get3A_736 : vector<1x16xf32> to vector<16xf32>
        %add3A_738 = arith.addf %add3A_716, %get3A_737 : vector<16xf32>
        %scan3A_739 = arith.constant 3 : i32
        %scan3A_740 = arith.addi %scan3A_671, %scan3A_739 : i32
        %get3A_741 = arith.index_cast %scan3A_740 : i32 to index
        %get3A_742 = arith.constant 0 : index
        %get3A_743 = tpu.vector_load %arg12[%get3A_741, %get3A_742] {strides = array<i32>} : memref<128x64xf32, #tpu.memory_space<vmem>>, vector<1x16xf32>,
        %get3A_744 = vector.shape_cast %get3A_743 : vector<1x16xf32> to vector<16xf32>
        %add3A_745 = arith.addf %add3A_723, %get3A_744 : vector<16xf32>
        %get3A_746 = arith.index_cast %scan3A_740 : i32 to index
        %get3A_747 = arith.constant 16 : index
        %get3A_748 = tpu.vector_load %arg12[%get3A_746, %get3A_747] {strides = array<i32>} : memref<128x64xf32, #tpu.memory_space<vmem>>, vector<1x16xf32>,
        %get3A_749 = vector.shape_cast %get3A_748 : vector<1x16xf32> to vector<16xf32>
        %add3A_750 = arith.addf %add3A_728, %get3A_749 : vector<16xf32>
        %get3A_751 = arith.index_cast %scan3A_740 : i32 to index
        %get3A_752 = arith.constant 32 : index
        %get3A_753 = tpu.vector_load %arg12[%get3A_751, %get3A_752] {strides = array<i32>} : memref<128x64xf32, #tpu.memory_space<vmem>>, vector<1x16xf32>,
        %get3A_754 = vector.shape_cast %get3A_753 : vector<1x16xf32> to vector<16xf32>
        %add3A_755 = arith.addf %add3A_733, %get3A_754 : vector<16xf32>
        %get3A_756 = arith.index_cast %scan3A_740 : i32 to index
        %get3A_757 = arith.constant 48 : index
        %get3A_758 = tpu.vector_load %arg12[%get3A_756, %get3A_757] {strides = array<i32>} : memref<128x64xf32, #tpu.memory_space<vmem>>, vector<1x16xf32>,
        %get3A_759 = vector.shape_cast %get3A_758 : vector<1x16xf32> to vector<16xf32>
        %add3A_760 = arith.addf %add3A_738, %get3A_759 : vector<16xf32>
        %scan3A_761 = arith.constant 4 : i32
        %scan3A_762 = arith.addi %scan3A_671, %scan3A_761 : i32
        %get3A_763 = arith.index_cast %scan3A_762 : i32 to index
        %get3A_764 = arith.constant 0 : index
        %get3A_765 = tpu.vector_load %arg12[%get3A_763, %get3A_764] {strides = array<i32>} : memref<128x64xf32, #tpu.memory_space<vmem>>, vector<1x16xf32>,
        %get3A_766 = vector.shape_cast %get3A_765 : vector<1x16xf32> to vector<16xf32>
        %add3A_767 = arith.addf %add3A_745, %get3A_766 : vector<16xf32>
        %get3A_768 = arith.index_cast %scan3A_762 : i32 to index
        %get3A_769 = arith.constant 16 : index
        %get3A_770 = tpu.vector_load %arg12[%get3A_768, %get3A_769] {strides = array<i32>} : memref<128x64xf32, #tpu.memory_space<vmem>>, vector<1x16xf32>,
        %get3A_771 = vector.shape_cast %get3A_770 : vector<1x16xf32> to vector<16xf32>
        %add3A_772 = arith.addf %add3A_750, %get3A_771 : vector<16xf32>
        %get3A_773 = arith.index_cast %scan3A_762 : i32 to index
        %get3A_774 = arith.constant 32 : index
        %get3A_775 = tpu.vector_load %arg12[%get3A_773, %get3A_774] {strides = array<i32>} : memref<128x64xf32, #tpu.memory_space<vmem>>, vector<1x16xf32>,
        %get3A_776 = vector.shape_cast %get3A_775 : vector<1x16xf32> to vector<16xf32>
        %add3A_777 = arith.addf %add3A_755, %get3A_776 : vector<16xf32>
        %get3A_778 = arith.index_cast %scan3A_762 : i32 to index
        %get3A_779 = arith.constant 48 : index
        %get3A_780 = tpu.vector_load %arg12[%get3A_778, %get3A_779] {strides = array<i32>} : memref<128x64xf32, #tpu.memory_space<vmem>>, vector<1x16xf32>,
        %get3A_781 = vector.shape_cast %get3A_780 : vector<1x16xf32> to vector<16xf32>
        %add3A_782 = arith.addf %add3A_760, %get3A_781 : vector<16xf32>
        %scan3A_783 = arith.constant 5 : i32
        %scan3A_784 = arith.addi %scan3A_671, %scan3A_783 : i32
        %get3A_785 = arith.index_cast %scan3A_784 : i32 to index
        %get3A_786 = arith.constant 0 : index
        %get3A_787 = tpu.vector_load %arg12[%get3A_785, %get3A_786] {strides = array<i32>} : memref<128x64xf32, #tpu.memory_space<vmem>>, vector<1x16xf32>,
        %get3A_788 = vector.shape_cast %get3A_787 : vector<1x16xf32> to vector<16xf32>
        %add3A_789 = arith.addf %add3A_767, %get3A_788 : vector<16xf32>
        %get3A_790 = arith.index_cast %scan3A_784 : i32 to index
        %get3A_791 = arith.constant 16 : index
        %get3A_792 = tpu.vector_load %arg12[%get3A_790, %get3A_791] {strides = array<i32>} : memref<128x64xf32, #tpu.memory_space<vmem>>, vector<1x16xf32>,
        %get3A_793 = vector.shape_cast %get3A_792 : vector<1x16xf32> to vector<16xf32>
        %add3A_794 = arith.addf %add3A_772, %get3A_793 : vector<16xf32>
        %get3A_795 = arith.index_cast %scan3A_784 : i32 to index
        %get3A_796 = arith.constant 32 : index
        %get3A_797 = tpu.vector_load %arg12[%get3A_795, %get3A_796] {strides = array<i32>} : memref<128x64xf32, #tpu.memory_space<vmem>>, vector<1x16xf32>,
        %get3A_798 = vector.shape_cast %get3A_797 : vector<1x16xf32> to vector<16xf32>
        %add3A_799 = arith.addf %add3A_777, %get3A_798 : vector<16xf32>
        %get3A_800 = arith.index_cast %scan3A_784 : i32 to index
        %get3A_801 = arith.constant 48 : index
        %get3A_802 = tpu.vector_load %arg12[%get3A_800, %get3A_801] {strides = array<i32>} : memref<128x64xf32, #tpu.memory_space<vmem>>, vector<1x16xf32>,
        %get3A_803 = vector.shape_cast %get3A_802 : vector<1x16xf32> to vector<16xf32>
        %add3A_804 = arith.addf %add3A_782, %get3A_803 : vector<16xf32>
        %scan3A_805 = arith.constant 6 : i32
        %scan3A_806 = arith.addi %scan3A_671, %scan3A_805 : i32
        %get3A_807 = arith.index_cast %scan3A_806 : i32 to index
        %get3A_808 = arith.constant 0 : index
        %get3A_809 = tpu.vector_load %arg12[%get3A_807, %get3A_808] {strides = array<i32>} : memref<128x64xf32, #tpu.memory_space<vmem>>, vector<1x16xf32>,
        %get3A_810 = vector.shape_cast %get3A_809 : vector<1x16xf32> to vector<16xf32>
        %add3A_811 = arith.addf %add3A_789, %get3A_810 : vector<16xf32>
        %get3A_812 = arith.index_cast %scan3A_806 : i32 to index
        %get3A_813 = arith.constant 16 : index
        %get3A_814 = tpu.vector_load %arg12[%get3A_812, %get3A_813] {strides = array<i32>} : memref<128x64xf32, #tpu.memory_space<vmem>>, vector<1x16xf32>,
        %get3A_815 = vector.shape_cast %get3A_814 : vector<1x16xf32> to vector<16xf32>
        %add3A_816 = arith.addf %add3A_794, %get3A_815 : vector<16xf32>
        %get3A_817 = arith.index_cast %scan3A_806 : i32 to index
        %get3A_818 = arith.constant 32 : index
        %get3A_819 = tpu.vector_load %arg12[%get3A_817, %get3A_818] {strides = array<i32>} : memref<128x64xf32, #tpu.memory_space<vmem>>, vector<1x16xf32>,
        %get3A_820 = vector.shape_cast %get3A_819 : vector<1x16xf32> to vector<16xf32>
        %add3A_821 = arith.addf %add3A_799, %get3A_820 : vector<16xf32>
        %get3A_822 = arith.index_cast %scan3A_806 : i32 to index
        %get3A_823 = arith.constant 48 : index
        %get3A_824 = tpu.vector_load %arg12[%get3A_822, %get3A_823] {strides = array<i32>} : memref<128x64xf32, #tpu.memory_space<vmem>>, vector<1x16xf32>,
        %get3A_825 = vector.shape_cast %get3A_824 : vector<1x16xf32> to vector<16xf32>
        %add3A_826 = arith.addf %add3A_804, %get3A_825 : vector<16xf32>
        %scan3A_827 = arith.constant 7 : i32
        %scan3A_828 = arith.addi %scan3A_671, %scan3A_827 : i32
        %get3A_829 = arith.index_cast %scan3A_828 : i32 to index
        %get3A_830 = arith.constant 0 : index
        %get3A_831 = tpu.vector_load %arg12[%get3A_829, %get3A_830] {strides = array<i32>} : memref<128x64xf32, #tpu.memory_space<vmem>>, vector<1x16xf32>,
        %get3A_832 = vector.shape_cast %get3A_831 : vector<1x16xf32> to vector<16xf32>
        %add3A_833 = arith.addf %add3A_811, %get3A_832 : vector<16xf32>
        %get3A_834 = arith.index_cast %scan3A_828 : i32 to index
        %get3A_835 = arith.constant 16 : index
        %get3A_836 = tpu.vector_load %arg12[%get3A_834, %get3A_835] {strides = array<i32>} : memref<128x64xf32, #tpu.memory_space<vmem>>, vector<1x16xf32>,
        %get3A_837 = vector.shape_cast %get3A_836 : vector<1x16xf32> to vector<16xf32>
        %add3A_838 = arith.addf %add3A_816, %get3A_837 : vector<16xf32>
        %get3A_839 = arith.index_cast %scan3A_828 : i32 to index
        %get3A_840 = arith.constant 32 : index
        %get3A_841 = tpu.vector_load %arg12[%get3A_839, %get3A_840] {strides = array<i32>} : memref<128x64xf32, #tpu.memory_space<vmem>>, vector<1x16xf32>,
        %get3A_842 = vector.shape_cast %get3A_841 : vector<1x16xf32> to vector<16xf32>
        %add3A_843 = arith.addf %add3A_821, %get3A_842 : vector<16xf32>
        %get3A_844 = arith.index_cast %scan3A_828 : i32 to index
        %get3A_845 = arith.constant 48 : index
        %get3A_846 = tpu.vector_load %arg12[%get3A_844, %get3A_845] {strides = array<i32>} : memref<128x64xf32, #tpu.memory_space<vmem>>, vector<1x16xf32>,
        %get3A_847 = vector.shape_cast %get3A_846 : vector<1x16xf32> to vector<16xf32>
        %add3A_848 = arith.addf %add3A_826, %get3A_847 : vector<16xf32>
        scf.yield %add3A_833, %add3A_838, %add3A_843, %add3A_848 : vector<16xf32>, vector<16xf32>, vector<16xf32>, vector<16xf32>
      }
      %scan3A_551 = arith.constant 128 : i32
      %add3A_552 = arith.constant 8 : i32
      %add3A_553 = arith.addi %mul3A_121, %add3A_552 : i32
      %add3A_554 = arith.constant 6 : i32
      %add3A_555 = arith.addi %add3A_553, %add3A_554 : i32
      %min3A_556 = arith.constant 254 : i32
      %min3A_557 = arith.minsi %add3A_555, %min3A_556 : i32
      %jit3A_558 = arith.constant 2 : i32
      %div3A_559 = arith.divsi %min3A_557, %jit3A_558 : i32
      %sign3A_560 = arith.constant 0 : i32
      %sign3A_561 = arith.cmpi sgt, %min3A_557, %sign3A_560 : i32
      %sign3A_562 = arith.extui %sign3A_561 : i1 to i32
      %sign3A_563 = arith.constant 0 : i32
      %sign3A_564 = arith.cmpi slt, %min3A_557, %sign3A_563 : i32
      %sign3A_565 = arith.extui %sign3A_564 : i1 to i32
      %sign3A_566 = arith.subi %sign3A_562, %sign3A_565 : i32
      %sign3A_567 = arith.constant 0 : i32
      %sign3A_568 = arith.cmpi sgt, %jit3A_558, %sign3A_567 : i32
      %sign3A_569 = arith.extui %sign3A_568 : i1 to i32
      %sign3A_570 = arith.constant 0 : i32
      %sign3A_571 = arith.cmpi slt, %jit3A_558, %sign3A_570 : i32
      %sign3A_572 = arith.extui %sign3A_571 : i1 to i32
      %sign3A_573 = arith.subi %sign3A_569, %sign3A_572 : i32
      %ne3A_574 = arith.cmpi ne, %sign3A_566, %sign3A_573 : i32
      %rem3A_575 = arith.remsi %min3A_557, %jit3A_558 : i32
      %ne3A_576 = arith.constant 0 : i32
      %ne3A_577 = arith.cmpi ne, %rem3A_575, %ne3A_576 : i32
      %and3A_578 = arith.andi %ne3A_574, %ne3A_577 : i1
      %sub3A_579 = arith.constant 1 : i32
      %sub3A_580 = arith.subi %div3A_559, %sub3A_579 : i32
      %select_n3A_581 = arith.select %and3A_578, %sub3A_580, %div3A_559 : i32
      %dma_start3A_582 = arith.constant 0 : i32
      %dma_start3A_583 = tpu.memref_slice %arg5[%select_n3A_581, %dma_start3A_582] : memref<128x200xi32, #tpu.memory_space<vmem>> -> memref<1x128xi32, #tpu.memory_space<vmem>>
      %dma_start3A_584 = tpu.memref_squeeze %dma_start3A_583 : memref<1x128xi32, #tpu.memory_space<vmem>> -> memref<128xi32, #tpu.memory_space<vmem>>
      %dma_start3A_585 = arith.constant 0 : i32
      %dma_start3A_586 = arith.constant 0 : i32
      %dma_start3A_587 = tpu.memref_slice %arg3[%dma_start3A_585, %dma_start3A_586] : memref<1015808x64xf32, #tpu.memory_space<hbm>> -> memref<1015808x64xf32, #tpu.memory_space<hbm>>
      tpu.enqueue_indirect_dma source(%dma_start3A_587 : memref<1015808x64xf32, #tpu.memory_space<hbm>>) target(%arg12 : memref<128x64xf32, #tpu.memory_space<vmem>>) offsets(%dma_start3A_584 : memref<128xi32, #tpu.memory_space<vmem>>) semaphore(%arg21 : memref<!tpu.dma_semaphore, #tpu.memory_space<semaphore_mem>>)
      %dma_wait3A_588 = arith.constant 0 : i32
      %dma_wait3A_589 = arith.constant 128 : i32
      %dma_wait3A_590 = tpu.memref_slice %arg5[%dma_wait3A_588, %dma_wait3A_589] : memref<128x200xi32, #tpu.memory_space<vmem>> -> memref<1x72xi32, #tpu.memory_space<vmem>>
      %dma_wait3A_591 = tpu.memref_squeeze %dma_wait3A_590 : memref<1x72xi32, #tpu.memory_space<vmem>> -> memref<72xi32, #tpu.memory_space<vmem>>
      %dma_wait3A_592 = arith.constant 0 : i32
      %dma_wait3A_593 = arith.constant 0 : i32
      %dma_wait3A_594 = tpu.memref_slice %arg3[%dma_wait3A_592, %dma_wait3A_593] : memref<1015808x64xf32, #tpu.memory_space<hbm>> -> memref<1015808x64xf32, #tpu.memory_space<hbm>>
      tpu.wait_indirect_dma semaphore(%arg22 : memref<!tpu.dma_semaphore, #tpu.memory_space<semaphore_mem>>) src(%dma_wait3A_594 : memref<1015808x64xf32, #tpu.memory_space<hbm>>) dst(%arg13 : memref<72x64xf32, #tpu.memory_space<vmem>>)
      %scan3A_595 = arith.constant 0 : i32
      %scan3A_596 = arith.constant 72 : i32
      %scan3A_597 = arith.addi %scan3A_595, %scan3A_596 : i32
      %scan3A_598 = arith.constant 8 : i32
      %scan3A_599:4 = scf.for %scan3A_671 = %scan3A_595 to %scan3A_597 step %scan3A_598 iter_args(%scan3A_672 = %scan3A_550#0, %scan3A_673 = %scan3A_550#1, %scan3A_674 = %scan3A_550#2, %scan3A_675 = %scan3A_550#3) -> (vector<16xf32>, vector<16xf32>, vector<16xf32>, vector<16xf32>)  : i32 {
        %get3A = arith.index_cast %scan3A_671 : i32 to index
        %get3A_676 = arith.constant 0 : index
        %get3A_677 = tpu.vector_load %arg13[%get3A, %get3A_676] {strides = array<i32>} : memref<72x64xf32, #tpu.memory_space<vmem>>, vector<1x16xf32>,
        %get3A_678 = vector.shape_cast %get3A_677 : vector<1x16xf32> to vector<16xf32>
        %add3A_679 = arith.addf %scan3A_672, %get3A_678 : vector<16xf32>
        %get3A_680 = arith.index_cast %scan3A_671 : i32 to index
        %get3A_681 = arith.constant 16 : index
        %get3A_682 = tpu.vector_load %arg13[%get3A_680, %get3A_681] {strides = array<i32>} : memref<72x64xf32, #tpu.memory_space<vmem>>, vector<1x16xf32>,
        %get3A_683 = vector.shape_cast %get3A_682 : vector<1x16xf32> to vector<16xf32>
        %add3A_684 = arith.addf %scan3A_673, %get3A_683 : vector<16xf32>
        %get3A_685 = arith.index_cast %scan3A_671 : i32 to index
        %get3A_686 = arith.constant 32 : index
        %get3A_687 = tpu.vector_load %arg13[%get3A_685, %get3A_686] {strides = array<i32>} : memref<72x64xf32, #tpu.memory_space<vmem>>, vector<1x16xf32>,
        %get3A_688 = vector.shape_cast %get3A_687 : vector<1x16xf32> to vector<16xf32>
        %add3A_689 = arith.addf %scan3A_674, %get3A_688 : vector<16xf32>
        %get3A_690 = arith.index_cast %scan3A_671 : i32 to index
        %get3A_691 = arith.constant 48 : index
        %get3A_692 = tpu.vector_load %arg13[%get3A_690, %get3A_691] {strides = array<i32>} : memref<72x64xf32, #tpu.memory_space<vmem>>, vector<1x16xf32>,
        %get3A_693 = vector.shape_cast %get3A_692 : vector<1x16xf32> to vector<16xf32>
        %add3A_694 = arith.addf %scan3A_675, %get3A_693 : vector<16xf32>
        %scan3A_695 = arith.constant 1 : i32
        %scan3A_696 = arith.addi %scan3A_671, %scan3A_695 : i32
        %get3A_697 = arith.index_cast %scan3A_696 : i32 to index
        %get3A_698 = arith.constant 0 : index
        %get3A_699 = tpu.vector_load %arg13[%get3A_697, %get3A_698] {strides = array<i32>} : memref<72x64xf32, #tpu.memory_space<vmem>>, vector<1x16xf32>,
        %get3A_700 = vector.shape_cast %get3A_699 : vector<1x16xf32> to vector<16xf32>
        %add3A_701 = arith.addf %add3A_679, %get3A_700 : vector<16xf32>
        %get3A_702 = arith.index_cast %scan3A_696 : i32 to index
        %get3A_703 = arith.constant 16 : index
        %get3A_704 = tpu.vector_load %arg13[%get3A_702, %get3A_703] {strides = array<i32>} : memref<72x64xf32, #tpu.memory_space<vmem>>, vector<1x16xf32>,
        %get3A_705 = vector.shape_cast %get3A_704 : vector<1x16xf32> to vector<16xf32>
        %add3A_706 = arith.addf %add3A_684, %get3A_705 : vector<16xf32>
        %get3A_707 = arith.index_cast %scan3A_696 : i32 to index
        %get3A_708 = arith.constant 32 : index
        %get3A_709 = tpu.vector_load %arg13[%get3A_707, %get3A_708] {strides = array<i32>} : memref<72x64xf32, #tpu.memory_space<vmem>>, vector<1x16xf32>,
        %get3A_710 = vector.shape_cast %get3A_709 : vector<1x16xf32> to vector<16xf32>
        %add3A_711 = arith.addf %add3A_689, %get3A_710 : vector<16xf32>
        %get3A_712 = arith.index_cast %scan3A_696 : i32 to index
        %get3A_713 = arith.constant 48 : index
        %get3A_714 = tpu.vector_load %arg13[%get3A_712, %get3A_713] {strides = array<i32>} : memref<72x64xf32, #tpu.memory_space<vmem>>, vector<1x16xf32>,
        %get3A_715 = vector.shape_cast %get3A_714 : vector<1x16xf32> to vector<16xf32>
        %add3A_716 = arith.addf %add3A_694, %get3A_715 : vector<16xf32>
        %scan3A_717 = arith.constant 2 : i32
        %scan3A_718 = arith.addi %scan3A_671, %scan3A_717 : i32
        %get3A_719 = arith.index_cast %scan3A_718 : i32 to index
        %get3A_720 = arith.constant 0 : index
        %get3A_721 = tpu.vector_load %arg13[%get3A_719, %get3A_720] {strides = array<i32>} : memref<72x64xf32, #tpu.memory_space<vmem>>, vector<1x16xf32>,
        %get3A_722 = vector.shape_cast %get3A_721 : vector<1x16xf32> to vector<16xf32>
        %add3A_723 = arith.addf %add3A_701, %get3A_722 : vector<16xf32>
        %get3A_724 = arith.index_cast %scan3A_718 : i32 to index
        %get3A_725 = arith.constant 16 : index
        %get3A_726 = tpu.vector_load %arg13[%get3A_724, %get3A_725] {strides = array<i32>} : memref<72x64xf32, #tpu.memory_space<vmem>>, vector<1x16xf32>,
        %get3A_727 = vector.shape_cast %get3A_726 : vector<1x16xf32> to vector<16xf32>
        %add3A_728 = arith.addf %add3A_706, %get3A_727 : vector<16xf32>
        %get3A_729 = arith.index_cast %scan3A_718 : i32 to index
        %get3A_730 = arith.constant 32 : index
        %get3A_731 = tpu.vector_load %arg13[%get3A_729, %get3A_730] {strides = array<i32>} : memref<72x64xf32, #tpu.memory_space<vmem>>, vector<1x16xf32>,
        %get3A_732 = vector.shape_cast %get3A_731 : vector<1x16xf32> to vector<16xf32>
        %add3A_733 = arith.addf %add3A_711, %get3A_732 : vector<16xf32>
        %get3A_734 = arith.index_cast %scan3A_718 : i32 to index
        %get3A_735 = arith.constant 48 : index
        %get3A_736 = tpu.vector_load %arg13[%get3A_734, %get3A_735] {strides = array<i32>} : memref<72x64xf32, #tpu.memory_space<vmem>>, vector<1x16xf32>,
        %get3A_737 = vector.shape_cast %get3A_736 : vector<1x16xf32> to vector<16xf32>
        %add3A_738 = arith.addf %add3A_716, %get3A_737 : vector<16xf32>
        %scan3A_739 = arith.constant 3 : i32
        %scan3A_740 = arith.addi %scan3A_671, %scan3A_739 : i32
        %get3A_741 = arith.index_cast %scan3A_740 : i32 to index
        %get3A_742 = arith.constant 0 : index
        %get3A_743 = tpu.vector_load %arg13[%get3A_741, %get3A_742] {strides = array<i32>} : memref<72x64xf32, #tpu.memory_space<vmem>>, vector<1x16xf32>,
        %get3A_744 = vector.shape_cast %get3A_743 : vector<1x16xf32> to vector<16xf32>
        %add3A_745 = arith.addf %add3A_723, %get3A_744 : vector<16xf32>
        %get3A_746 = arith.index_cast %scan3A_740 : i32 to index
        %get3A_747 = arith.constant 16 : index
        %get3A_748 = tpu.vector_load %arg13[%get3A_746, %get3A_747] {strides = array<i32>} : memref<72x64xf32, #tpu.memory_space<vmem>>, vector<1x16xf32>,
        %get3A_749 = vector.shape_cast %get3A_748 : vector<1x16xf32> to vector<16xf32>
        %add3A_750 = arith.addf %add3A_728, %get3A_749 : vector<16xf32>
        %get3A_751 = arith.index_cast %scan3A_740 : i32 to index
        %get3A_752 = arith.constant 32 : index
        %get3A_753 = tpu.vector_load %arg13[%get3A_751, %get3A_752] {strides = array<i32>} : memref<72x64xf32, #tpu.memory_space<vmem>>, vector<1x16xf32>,
        %get3A_754 = vector.shape_cast %get3A_753 : vector<1x16xf32> to vector<16xf32>
        %add3A_755 = arith.addf %add3A_733, %get3A_754 : vector<16xf32>
        %get3A_756 = arith.index_cast %scan3A_740 : i32 to index
        %get3A_757 = arith.constant 48 : index
        %get3A_758 = tpu.vector_load %arg13[%get3A_756, %get3A_757] {strides = array<i32>} : memref<72x64xf32, #tpu.memory_space<vmem>>, vector<1x16xf32>,
        %get3A_759 = vector.shape_cast %get3A_758 : vector<1x16xf32> to vector<16xf32>
        %add3A_760 = arith.addf %add3A_738, %get3A_759 : vector<16xf32>
        %scan3A_761 = arith.constant 4 : i32
        %scan3A_762 = arith.addi %scan3A_671, %scan3A_761 : i32
        %get3A_763 = arith.index_cast %scan3A_762 : i32 to index
        %get3A_764 = arith.constant 0 : index
        %get3A_765 = tpu.vector_load %arg13[%get3A_763, %get3A_764] {strides = array<i32>} : memref<72x64xf32, #tpu.memory_space<vmem>>, vector<1x16xf32>,
        %get3A_766 = vector.shape_cast %get3A_765 : vector<1x16xf32> to vector<16xf32>
        %add3A_767 = arith.addf %add3A_745, %get3A_766 : vector<16xf32>
        %get3A_768 = arith.index_cast %scan3A_762 : i32 to index
        %get3A_769 = arith.constant 16 : index
        %get3A_770 = tpu.vector_load %arg13[%get3A_768, %get3A_769] {strides = array<i32>} : memref<72x64xf32, #tpu.memory_space<vmem>>, vector<1x16xf32>,
        %get3A_771 = vector.shape_cast %get3A_770 : vector<1x16xf32> to vector<16xf32>
        %add3A_772 = arith.addf %add3A_750, %get3A_771 : vector<16xf32>
        %get3A_773 = arith.index_cast %scan3A_762 : i32 to index
        %get3A_774 = arith.constant 32 : index
        %get3A_775 = tpu.vector_load %arg13[%get3A_773, %get3A_774] {strides = array<i32>} : memref<72x64xf32, #tpu.memory_space<vmem>>, vector<1x16xf32>,
        %get3A_776 = vector.shape_cast %get3A_775 : vector<1x16xf32> to vector<16xf32>
        %add3A_777 = arith.addf %add3A_755, %get3A_776 : vector<16xf32>
        %get3A_778 = arith.index_cast %scan3A_762 : i32 to index
        %get3A_779 = arith.constant 48 : index
        %get3A_780 = tpu.vector_load %arg13[%get3A_778, %get3A_779] {strides = array<i32>} : memref<72x64xf32, #tpu.memory_space<vmem>>, vector<1x16xf32>,
        %get3A_781 = vector.shape_cast %get3A_780 : vector<1x16xf32> to vector<16xf32>
        %add3A_782 = arith.addf %add3A_760, %get3A_781 : vector<16xf32>
        %scan3A_783 = arith.constant 5 : i32
        %scan3A_784 = arith.addi %scan3A_671, %scan3A_783 : i32
        %get3A_785 = arith.index_cast %scan3A_784 : i32 to index
        %get3A_786 = arith.constant 0 : index
        %get3A_787 = tpu.vector_load %arg13[%get3A_785, %get3A_786] {strides = array<i32>} : memref<72x64xf32, #tpu.memory_space<vmem>>, vector<1x16xf32>,
        %get3A_788 = vector.shape_cast %get3A_787 : vector<1x16xf32> to vector<16xf32>
        %add3A_789 = arith.addf %add3A_767, %get3A_788 : vector<16xf32>
        %get3A_790 = arith.index_cast %scan3A_784 : i32 to index
        %get3A_791 = arith.constant 16 : index
        %get3A_792 = tpu.vector_load %arg13[%get3A_790, %get3A_791] {strides = array<i32>} : memref<72x64xf32, #tpu.memory_space<vmem>>, vector<1x16xf32>,
        %get3A_793 = vector.shape_cast %get3A_792 : vector<1x16xf32> to vector<16xf32>
        %add3A_794 = arith.addf %add3A_772, %get3A_793 : vector<16xf32>
        %get3A_795 = arith.index_cast %scan3A_784 : i32 to index
        %get3A_796 = arith.constant 32 : index
        %get3A_797 = tpu.vector_load %arg13[%get3A_795, %get3A_796] {strides = array<i32>} : memref<72x64xf32, #tpu.memory_space<vmem>>, vector<1x16xf32>,
        %get3A_798 = vector.shape_cast %get3A_797 : vector<1x16xf32> to vector<16xf32>
        %add3A_799 = arith.addf %add3A_777, %get3A_798 : vector<16xf32>
        %get3A_800 = arith.index_cast %scan3A_784 : i32 to index
        %get3A_801 = arith.constant 48 : index
        %get3A_802 = tpu.vector_load %arg13[%get3A_800, %get3A_801] {strides = array<i32>} : memref<72x64xf32, #tpu.memory_space<vmem>>, vector<1x16xf32>,
        %get3A_803 = vector.shape_cast %get3A_802 : vector<1x16xf32> to vector<16xf32>
        %add3A_804 = arith.addf %add3A_782, %get3A_803 : vector<16xf32>
        %scan3A_805 = arith.constant 6 : i32
        %scan3A_806 = arith.addi %scan3A_671, %scan3A_805 : i32
        %get3A_807 = arith.index_cast %scan3A_806 : i32 to index
        %get3A_808 = arith.constant 0 : index
        %get3A_809 = tpu.vector_load %arg13[%get3A_807, %get3A_808] {strides = array<i32>} : memref<72x64xf32, #tpu.memory_space<vmem>>, vector<1x16xf32>,
        %get3A_810 = vector.shape_cast %get3A_809 : vector<1x16xf32> to vector<16xf32>
        %add3A_811 = arith.addf %add3A_789, %get3A_810 : vector<16xf32>
        %get3A_812 = arith.index_cast %scan3A_806 : i32 to index
        %get3A_813 = arith.constant 16 : index
        %get3A_814 = tpu.vector_load %arg13[%get3A_812, %get3A_813] {strides = array<i32>} : memref<72x64xf32, #tpu.memory_space<vmem>>, vector<1x16xf32>,
        %get3A_815 = vector.shape_cast %get3A_814 : vector<1x16xf32> to vector<16xf32>
        %add3A_816 = arith.addf %add3A_794, %get3A_815 : vector<16xf32>
        %get3A_817 = arith.index_cast %scan3A_806 : i32 to index
        %get3A_818 = arith.constant 32 : index
        %get3A_819 = tpu.vector_load %arg13[%get3A_817, %get3A_818] {strides = array<i32>} : memref<72x64xf32, #tpu.memory_space<vmem>>, vector<1x16xf32>,
        %get3A_820 = vector.shape_cast %get3A_819 : vector<1x16xf32> to vector<16xf32>
        %add3A_821 = arith.addf %add3A_799, %get3A_820 : vector<16xf32>
        %get3A_822 = arith.index_cast %scan3A_806 : i32 to index
        %get3A_823 = arith.constant 48 : index
        %get3A_824 = tpu.vector_load %arg13[%get3A_822, %get3A_823] {strides = array<i32>} : memref<72x64xf32, #tpu.memory_space<vmem>>, vector<1x16xf32>,
        %get3A_825 = vector.shape_cast %get3A_824 : vector<1x16xf32> to vector<16xf32>
        %add3A_826 = arith.addf %add3A_804, %get3A_825 : vector<16xf32>
        %scan3A_827 = arith.constant 7 : i32
        %scan3A_828 = arith.addi %scan3A_671, %scan3A_827 : i32
        %get3A_829 = arith.index_cast %scan3A_828 : i32 to index
        %get3A_830 = arith.constant 0 : index
        %get3A_831 = tpu.vector_load %arg13[%get3A_829, %get3A_830] {strides = array<i32>} : memref<72x64xf32, #tpu.memory_space<vmem>>, vector<1x16xf32>,
        %get3A_832 = vector.shape_cast %get3A_831 : vector<1x16xf32> to vector<16xf32>
        %add3A_833 = arith.addf %add3A_811, %get3A_832 : vector<16xf32>
        %get3A_834 = arith.index_cast %scan3A_828 : i32 to index
        %get3A_835 = arith.constant 16 : index
        %get3A_836 = tpu.vector_load %arg13[%get3A_834, %get3A_835] {strides = array<i32>} : memref<72x64xf32, #tpu.memory_space<vmem>>, vector<1x16xf32>,
        %get3A_837 = vector.shape_cast %get3A_836 : vector<1x16xf32> to vector<16xf32>
        %add3A_838 = arith.addf %add3A_816, %get3A_837 : vector<16xf32>
        %get3A_839 = arith.index_cast %scan3A_828 : i32 to index
        %get3A_840 = arith.constant 32 : index
        %get3A_841 = tpu.vector_load %arg13[%get3A_839, %get3A_840] {strides = array<i32>} : memref<72x64xf32, #tpu.memory_space<vmem>>, vector<1x16xf32>,
        %get3A_842 = vector.shape_cast %get3A_841 : vector<1x16xf32> to vector<16xf32>
        %add3A_843 = arith.addf %add3A_821, %get3A_842 : vector<16xf32>
        %get3A_844 = arith.index_cast %scan3A_828 : i32 to index
        %get3A_845 = arith.constant 48 : index
        %get3A_846 = tpu.vector_load %arg13[%get3A_844, %get3A_845] {strides = array<i32>} : memref<72x64xf32, #tpu.memory_space<vmem>>, vector<1x16xf32>,
        %get3A_847 = vector.shape_cast %get3A_846 : vector<1x16xf32> to vector<16xf32>
        %add3A_848 = arith.addf %add3A_826, %get3A_847 : vector<16xf32>
        scf.yield %add3A_833, %add3A_838, %add3A_843, %add3A_848 : vector<16xf32>, vector<16xf32>, vector<16xf32>, vector<16xf32>
      }
      %scan3A_600 = arith.constant 72 : i32
      %mul3A_601 = arith.constant 4 : i32
      %mul3A_602 = arith.muli %mul3A_601, %scan3A_119 : i32
      %add3A_603 = arith.constant 3 : i32
      %add3A_604 = arith.addi %mul3A_602, %add3A_603 : i32
      %mul3A_605 = vector.broadcast %scan3A_58 : f32 to vector<16xf32>
      %mul3A_606 = arith.mulf %scan3A_599#0, %mul3A_605 : vector<16xf32>
      %swap3A_607 = arith.index_cast %add3A_604 : i32 to index
      %swap3A_608 = arith.constant 0 : index
      %swap3A_609 = tpu.vector_load %arg14[%swap3A_607, %swap3A_608] {strides = array<i32>} : memref<128x64xf32, #tpu.memory_space<vmem>>, vector<1x16xf32>,
      %swap3A_610 = vector.shape_cast %swap3A_609 : vector<1x16xf32> to vector<16xf32>
      %swap3A_611 = vector.shape_cast %mul3A_606 : vector<16xf32> to vector<1x16xf32>
      tpu.vector_store %arg14[%swap3A_607, %swap3A_608], %swap3A_611 {strides = array<i32>} : memref<128x64xf32, #tpu.memory_space<vmem>>, vector<1x16xf32>,
      %mul3A_612 = vector.broadcast %scan3A_58 : f32 to vector<16xf32>
      %mul3A_613 = arith.mulf %scan3A_599#1, %mul3A_612 : vector<16xf32>
      %swap3A_614 = arith.index_cast %add3A_604 : i32 to index
      %swap3A_615 = arith.constant 16 : index
      %swap3A_616 = tpu.vector_load %arg14[%swap3A_614, %swap3A_615] {strides = array<i32>} : memref<128x64xf32, #tpu.memory_space<vmem>>, vector<1x16xf32>,
      %swap3A_617 = vector.shape_cast %swap3A_616 : vector<1x16xf32> to vector<16xf32>
      %swap3A_618 = vector.shape_cast %mul3A_613 : vector<16xf32> to vector<1x16xf32>
      tpu.vector_store %arg14[%swap3A_614, %swap3A_615], %swap3A_618 {strides = array<i32>} : memref<128x64xf32, #tpu.memory_space<vmem>>, vector<1x16xf32>,
      %mul3A_619 = vector.broadcast %scan3A_58 : f32 to vector<16xf32>
      %mul3A_620 = arith.mulf %scan3A_599#2, %mul3A_619 : vector<16xf32>
      %swap3A_621 = arith.index_cast %add3A_604 : i32 to index
      %swap3A_622 = arith.constant 32 : index
      %swap3A_623 = tpu.vector_load %arg14[%swap3A_621, %swap3A_622] {strides = array<i32>} : memref<128x64xf32, #tpu.memory_space<vmem>>, vector<1x16xf32>,
      %swap3A_624 = vector.shape_cast %swap3A_623 : vector<1x16xf32> to vector<16xf32>
      %swap3A_625 = vector.shape_cast %mul3A_620 : vector<16xf32> to vector<1x16xf32>
      tpu.vector_store %arg14[%swap3A_621, %swap3A_622], %swap3A_625 {strides = array<i32>} : memref<128x64xf32, #tpu.memory_space<vmem>>, vector<1x16xf32>,
      %mul3A_626 = vector.broadcast %scan3A_58 : f32 to vector<16xf32>
      %mul3A_627 = arith.mulf %scan3A_599#3, %mul3A_626 : vector<16xf32>
      %swap3A_628 = arith.index_cast %add3A_604 : i32 to index
      %swap3A_629 = arith.constant 48 : index
      %swap3A_630 = tpu.vector_load %arg14[%swap3A_628, %swap3A_629] {strides = array<i32>} : memref<128x64xf32, #tpu.memory_space<vmem>>, vector<1x16xf32>,
      %swap3A_631 = vector.shape_cast %swap3A_630 : vector<1x16xf32> to vector<16xf32>
      %swap3A_632 = vector.shape_cast %mul3A_627 : vector<16xf32> to vector<1x16xf32>
      tpu.vector_store %arg14[%swap3A_628, %swap3A_629], %swap3A_632 {strides = array<i32>} : memref<128x64xf32, #tpu.memory_space<vmem>>, vector<1x16xf32>,
      %add3A_633 = arith.constant 8 : i32
      %add3A_634 = arith.addi %mul3A_121, %add3A_633 : i32
      %add3A_635 = arith.constant 6 : i32
      %add3A_636 = arith.addi %add3A_634, %add3A_635 : i32
      %add3A_637 = arith.constant 1 : i32
      %add3A_638 = arith.addi %add3A_636, %add3A_637 : i32
      %min3A_639 = arith.constant 255 : i32
      %min3A_640 = arith.minsi %add3A_638, %min3A_639 : i32
      %jit3A_641 = arith.constant 2 : i32
      %div3A_642 = arith.divsi %min3A_640, %jit3A_641 : i32
      %sign3A_643 = arith.constant 0 : i32
      %sign3A_644 = arith.cmpi sgt, %min3A_640, %sign3A_643 : i32
      %sign3A_645 = arith.extui %sign3A_644 : i1 to i32
      %sign3A_646 = arith.constant 0 : i32
      %sign3A_647 = arith.cmpi slt, %min3A_640, %sign3A_646 : i32
      %sign3A_648 = arith.extui %sign3A_647 : i1 to i32
      %sign3A_649 = arith.subi %sign3A_645, %sign3A_648 : i32
      %sign3A_650 = arith.constant 0 : i32
      %sign3A_651 = arith.cmpi sgt, %jit3A_641, %sign3A_650 : i32
      %sign3A_652 = arith.extui %sign3A_651 : i1 to i32
      %sign3A_653 = arith.constant 0 : i32
      %sign3A_654 = arith.cmpi slt, %jit3A_641, %sign3A_653 : i32
      %sign3A_655 = arith.extui %sign3A_654 : i1 to i32
      %sign3A_656 = arith.subi %sign3A_652, %sign3A_655 : i32
      %ne3A_657 = arith.cmpi ne, %sign3A_649, %sign3A_656 : i32
      %rem3A_658 = arith.remsi %min3A_640, %jit3A_641 : i32
      %ne3A_659 = arith.constant 0 : i32
      %ne3A_660 = arith.cmpi ne, %rem3A_658, %ne3A_659 : i32
      %and3A_661 = arith.andi %ne3A_657, %ne3A_660 : i1
      %sub3A_662 = arith.constant 1 : i32
      %sub3A_663 = arith.subi %div3A_642, %sub3A_662 : i32
      %select_n3A_664 = arith.select %and3A_661, %sub3A_663, %div3A_642 : i32
      %dma_start3A_665 = arith.constant 128 : i32
      %dma_start3A_666 = tpu.memref_slice %arg5[%select_n3A_664, %dma_start3A_665] : memref<128x200xi32, #tpu.memory_space<vmem>> -> memref<1x72xi32, #tpu.memory_space<vmem>>
      %dma_start3A_667 = tpu.memref_squeeze %dma_start3A_666 : memref<1x72xi32, #tpu.memory_space<vmem>> -> memref<72xi32, #tpu.memory_space<vmem>>
      %dma_start3A_668 = arith.constant 0 : i32
      %dma_start3A_669 = arith.constant 0 : i32
      %dma_start3A_670 = tpu.memref_slice %arg3[%dma_start3A_668, %dma_start3A_669] : memref<1015808x64xf32, #tpu.memory_space<hbm>> -> memref<1015808x64xf32, #tpu.memory_space<hbm>>
      tpu.enqueue_indirect_dma source(%dma_start3A_670 : memref<1015808x64xf32, #tpu.memory_space<hbm>>) target(%arg13 : memref<72x64xf32, #tpu.memory_space<vmem>>) offsets(%dma_start3A_667 : memref<72xi32, #tpu.memory_space<vmem>>) semaphore(%arg22 : memref<!tpu.dma_semaphore, #tpu.memory_space<semaphore_mem>>)
    }
    %scan3A_63 = arith.constant 32 : i32
    %dma_wait3A = arith.constant 0 : i32
    %dma_wait3A_64 = arith.constant 0 : i32
    %dma_wait3A_65 = tpu.memref_slice %arg5[%dma_wait3A, %dma_wait3A_64] : memref<128x200xi32, #tpu.memory_space<vmem>> -> memref<1x128xi32, #tpu.memory_space<vmem>>
    %dma_wait3A_66 = tpu.memref_squeeze %dma_wait3A_65 : memref<1x128xi32, #tpu.memory_space<vmem>> -> memref<128xi32, #tpu.memory_space<vmem>>
    %dma_wait3A_67 = arith.constant 0 : i32
    %dma_wait3A_68 = arith.constant 0 : i32
    %dma_wait3A_69 = tpu.memref_slice %arg3[%dma_wait3A_67, %dma_wait3A_68] : memref<1015808x64xf32, #tpu.memory_space<hbm>> -> memref<1015808x64xf32, #tpu.memory_space<hbm>>
    tpu.wait_indirect_dma semaphore(%arg15 : memref<!tpu.dma_semaphore, #tpu.memory_space<semaphore_mem>>) src(%dma_wait3A_69 : memref<1015808x64xf32, #tpu.memory_space<hbm>>) dst(%arg6 : memref<128x64xf32, #tpu.memory_space<vmem>>)
    %dma_wait3A_70 = arith.constant 0 : i32
    %dma_wait3A_71 = arith.constant 128 : i32
    %dma_wait3A_72 = tpu.memref_slice %arg5[%dma_wait3A_70, %dma_wait3A_71] : memref<128x200xi32, #tpu.memory_space<vmem>> -> memref<1x72xi32, #tpu.memory_space<vmem>>
    %dma_wait3A_73 = tpu.memref_squeeze %dma_wait3A_72 : memref<1x72xi32, #tpu.memory_space<vmem>> -> memref<72xi32, #tpu.memory_space<vmem>>
    %dma_wait3A_74 = arith.constant 0 : i32
    %dma_wait3A_75 = arith.constant 0 : i32
    %dma_wait3A_76 = tpu.memref_slice %arg3[%dma_wait3A_74, %dma_wait3A_75] : memref<1015808x64xf32, #tpu.memory_space<hbm>> -> memref<1015808x64xf32, #tpu.memory_space<hbm>>
    tpu.wait_indirect_dma semaphore(%arg16 : memref<!tpu.dma_semaphore, #tpu.memory_space<semaphore_mem>>) src(%dma_wait3A_76 : memref<1015808x64xf32, #tpu.memory_space<hbm>>) dst(%arg7 : memref<72x64xf32, #tpu.memory_space<vmem>>)
    %dma_wait3A_77 = arith.constant 0 : i32
    %dma_wait3A_78 = arith.constant 0 : i32
    %dma_wait3A_79 = tpu.memref_slice %arg5[%dma_wait3A_77, %dma_wait3A_78] : memref<128x200xi32, #tpu.memory_space<vmem>> -> memref<1x128xi32, #tpu.memory_space<vmem>>
    %dma_wait3A_80 = tpu.memref_squeeze %dma_wait3A_79 : memref<1x128xi32, #tpu.memory_space<vmem>> -> memref<128xi32, #tpu.memory_space<vmem>>
    %dma_wait3A_81 = arith.constant 0 : i32
    %dma_wait3A_82 = arith.constant 0 : i32
    %dma_wait3A_83 = tpu.memref_slice %arg3[%dma_wait3A_81, %dma_wait3A_82] : memref<1015808x64xf32, #tpu.memory_space<hbm>> -> memref<1015808x64xf32, #tpu.memory_space<hbm>>
    tpu.wait_indirect_dma semaphore(%arg17 : memref<!tpu.dma_semaphore, #tpu.memory_space<semaphore_mem>>) src(%dma_wait3A_83 : memref<1015808x64xf32, #tpu.memory_space<hbm>>) dst(%arg8 : memref<128x64xf32, #tpu.memory_space<vmem>>)
    %dma_wait3A_84 = arith.constant 0 : i32
    %dma_wait3A_85 = arith.constant 128 : i32
    %dma_wait3A_86 = tpu.memref_slice %arg5[%dma_wait3A_84, %dma_wait3A_85] : memref<128x200xi32, #tpu.memory_space<vmem>> -> memref<1x72xi32, #tpu.memory_space<vmem>>
    %dma_wait3A_87 = tpu.memref_squeeze %dma_wait3A_86 : memref<1x72xi32, #tpu.memory_space<vmem>> -> memref<72xi32, #tpu.memory_space<vmem>>
    %dma_wait3A_88 = arith.constant 0 : i32
    %dma_wait3A_89 = arith.constant 0 : i32
    %dma_wait3A_90 = tpu.memref_slice %arg3[%dma_wait3A_88, %dma_wait3A_89] : memref<1015808x64xf32, #tpu.memory_space<hbm>> -> memref<1015808x64xf32, #tpu.memory_space<hbm>>
    tpu.wait_indirect_dma semaphore(%arg18 : memref<!tpu.dma_semaphore, #tpu.memory_space<semaphore_mem>>) src(%dma_wait3A_90 : memref<1015808x64xf32, #tpu.memory_space<hbm>>) dst(%arg9 : memref<72x64xf32, #tpu.memory_space<vmem>>)
    %dma_wait3A_91 = arith.constant 0 : i32
    %dma_wait3A_92 = arith.constant 0 : i32
    %dma_wait3A_93 = tpu.memref_slice %arg5[%dma_wait3A_91, %dma_wait3A_92] : memref<128x200xi32, #tpu.memory_space<vmem>> -> memref<1x128xi32, #tpu.memory_space<vmem>>
    %dma_wait3A_94 = tpu.memref_squeeze %dma_wait3A_93 : memref<1x128xi32, #tpu.memory_space<vmem>> -> memref<128xi32, #tpu.memory_space<vmem>>
    %dma_wait3A_95 = arith.constant 0 : i32
    %dma_wait3A_96 = arith.constant 0 : i32
    %dma_wait3A_97 = tpu.memref_slice %arg3[%dma_wait3A_95, %dma_wait3A_96] : memref<1015808x64xf32, #tpu.memory_space<hbm>> -> memref<1015808x64xf32, #tpu.memory_space<hbm>>
    tpu.wait_indirect_dma semaphore(%arg19 : memref<!tpu.dma_semaphore, #tpu.memory_space<semaphore_mem>>) src(%dma_wait3A_97 : memref<1015808x64xf32, #tpu.memory_space<hbm>>) dst(%arg10 : memref<128x64xf32, #tpu.memory_space<vmem>>)
    %dma_wait3A_98 = arith.constant 0 : i32
    %dma_wait3A_99 = arith.constant 128 : i32
    %dma_wait3A_100 = tpu.memref_slice %arg5[%dma_wait3A_98, %dma_wait3A_99] : memref<128x200xi32, #tpu.memory_space<vmem>> -> memref<1x72xi32, #tpu.memory_space<vmem>>
    %dma_wait3A_101 = tpu.memref_squeeze %dma_wait3A_100 : memref<1x72xi32, #tpu.memory_space<vmem>> -> memref<72xi32, #tpu.memory_space<vmem>>
    %dma_wait3A_102 = arith.constant 0 : i32
    %dma_wait3A_103 = arith.constant 0 : i32
    %dma_wait3A_104 = tpu.memref_slice %arg3[%dma_wait3A_102, %dma_wait3A_103] : memref<1015808x64xf32, #tpu.memory_space<hbm>> -> memref<1015808x64xf32, #tpu.memory_space<hbm>>
    tpu.wait_indirect_dma semaphore(%arg20 : memref<!tpu.dma_semaphore, #tpu.memory_space<semaphore_mem>>) src(%dma_wait3A_104 : memref<1015808x64xf32, #tpu.memory_space<hbm>>) dst(%arg11 : memref<72x64xf32, #tpu.memory_space<vmem>>)
    %dma_wait3A_105 = arith.constant 0 : i32
    %dma_wait3A_106 = arith.constant 0 : i32
    %dma_wait3A_107 = tpu.memref_slice %arg5[%dma_wait3A_105, %dma_wait3A_106] : memref<128x200xi32, #tpu.memory_space<vmem>> -> memref<1x128xi32, #tpu.memory_space<vmem>>
    %dma_wait3A_108 = tpu.memref_squeeze %dma_wait3A_107 : memref<1x128xi32, #tpu.memory_space<vmem>> -> memref<128xi32, #tpu.memory_space<vmem>>
    %dma_wait3A_109 = arith.constant 0 : i32
    %dma_wait3A_110 = arith.constant 0 : i32
    %dma_wait3A_111 = tpu.memref_slice %arg3[%dma_wait3A_109, %dma_wait3A_110] : memref<1015808x64xf32, #tpu.memory_space<hbm>> -> memref<1015808x64xf32, #tpu.memory_space<hbm>>
    tpu.wait_indirect_dma semaphore(%arg21 : memref<!tpu.dma_semaphore, #tpu.memory_space<semaphore_mem>>) src(%dma_wait3A_111 : memref<1015808x64xf32, #tpu.memory_space<hbm>>) dst(%arg12 : memref<128x64xf32, #tpu.memory_space<vmem>>)
    %dma_wait3A_112 = arith.constant 0 : i32
    %dma_wait3A_113 = arith.constant 128 : i32
    %dma_wait3A_114 = tpu.memref_slice %arg5[%dma_wait3A_112, %dma_wait3A_113] : memref<128x200xi32, #tpu.memory_space<vmem>> -> memref<1x72xi32, #tpu.memory_space<vmem>>
    %dma_wait3A_115 = tpu.memref_squeeze %dma_wait3A_114 : memref<1x72xi32, #tpu.memory_space<vmem>> -> memref<72xi32, #tpu.memory_space<vmem>>
    %dma_wait3A_116 = arith.constant 0 : i32
    %dma_wait3A_117 = arith.constant 0 : i32
    %dma_wait3A_118 = tpu.memref_slice %arg3[%dma_wait3A_116, %dma_wait3A_117] : memref<1015808x64xf32, #tpu.memory_space<hbm>> -> memref<1015808x64xf32, #tpu.memory_space<hbm>>
    tpu.wait_indirect_dma semaphore(%arg22 : memref<!tpu.dma_semaphore, #tpu.memory_space<semaphore_mem>>) src(%dma_wait3A_118 : memref<1015808x64xf32, #tpu.memory_space<hbm>>) dst(%arg13 : memref<72x64xf32, #tpu.memory_space<vmem>>)
    "tpu.region"() ({
      %run_scoped3A = tpu.sem_alloc : memref<!tpu.dma_semaphore, #tpu.memory_space<semaphore_mem>>
      %dma_start3A_119 = arith.constant 0 : i32
      %dma_start3A_120 = tpu.memref_slice %arg4[%mul3A_2, %dma_start3A_119] : memref<4096x64xf32, #tpu.memory_space<hbm>> -> memref<128x64xf32, #tpu.memory_space<hbm>>
      %dma_start3A_121 = arith.constant 0 : i32
      %dma_start3A_122 = tpu.memref_slice %arg4[%mul3A_2, %dma_start3A_121] : memref<4096x64xf32, #tpu.memory_space<hbm>> -> memref<128x64xf32, #tpu.memory_space<hbm>>
      tpu.enqueue_dma source(%arg14 : memref<128x64xf32, #tpu.memory_space<vmem>>) target(%dma_start3A_122 : memref<128x64xf32, #tpu.memory_space<hbm>>) target_semaphore(%run_scoped3A : memref<!tpu.dma_semaphore, #tpu.memory_space<semaphore_mem>>)
      %dma_wait3A_123 = arith.constant 0 : i32
      %dma_wait3A_124 = tpu.memref_slice %arg4[%mul3A_2, %dma_wait3A_123] : memref<4096x64xf32, #tpu.memory_space<hbm>> -> memref<128x64xf32, #tpu.memory_space<hbm>>
      %dma_wait3A_125 = arith.constant 0 : i32
      %dma_wait3A_126 = tpu.memref_slice %arg4[%mul3A_2, %dma_wait3A_125] : memref<4096x64xf32, #tpu.memory_space<hbm>> -> memref<128x64xf32, #tpu.memory_space<hbm>>
      tpu.wait_dma2 semaphore(%run_scoped3A : memref<!tpu.dma_semaphore, #tpu.memory_space<semaphore_mem>>) src(%arg14 : memref<128x64xf32, #tpu.memory_space<vmem>>) dst(%dma_wait3A_126 : memref<128x64xf32, #tpu.memory_space<hbm>>)
      tpu.yield
    }) : () -> ()
    return
  }
}

module attributes {stable_mosaic.version = 14 : i64} {
  func.func @_transpose_body(%arg0: i32, %arg1: memref<64x32768xf32, #tpu.memory_space<vmem>>, %arg2: memref<16384x128xf32, #tpu.memory_space<vmem>>) attributes {dimension_semantics = [#tpu.dimension_semantics<arbitrary>], iteration_bounds = array<i64: 31>, scalar_prefetch = 0 : i64, scratch_operands = 0 : i64, tpu.core_type = #tpu.core_type<tc>, window_params = [{transform_indices = @transform_0, window_bounds = array<i64: 64, 32768>}, {transform_indices = @transform_1, window_bounds = array<i64: 16384, 128>}]} {
    %get3A = arith.constant 0 : index
    %get3A_0 = arith.constant 0 : index
    %get3A_1 = vector.load %arg1[%get3A, %get3A_0] : memref<64x32768xf32, #tpu.memory_space<vmem>>, vector<64x32768xf32>
    %slice3A = vector.extract_strided_slice %get3A_1 {offsets = [0, 0], sizes = [64, 16384], strides = [1, 1]} : vector<64x32768xf32> to vector<64x16384xf32>
    %slice3A_2 = vector.extract_strided_slice %get3A_1 {offsets = [0, 16384], sizes = [64, 16384], strides = [1, 1]} : vector<64x32768xf32> to vector<64x16384xf32>
    %concatenate3A = tpu.concatenate %slice3A, %slice3A_2 in 0 : vector<64x16384xf32>, vector<64x16384xf32> -> vector<128x16384xf32>
    %transpose3A = tpu.transpose %concatenate3A, [1, 0] : vector<128x16384xf32> -> vector<16384x128xf32>
    %swap3A = arith.constant 0 : index
    %swap3A_3 = arith.constant 0 : index
    %swap3A_4 = vector.load %arg2[%swap3A, %swap3A_3] : memref<16384x128xf32, #tpu.memory_space<vmem>>, vector<16384x128xf32>
    tpu.vector_store %arg2[%swap3A, %swap3A_3], %transpose3A {strides = array<i32>} : memref<16384x128xf32, #tpu.memory_space<vmem>>, vector<16384x128xf32>,
    return
  }
  func.func @transform_0(%arg0: i32) -> (i32, i32) {
    %c0_i32 = arith.constant 0 : i32
    %c0_i32_0 = arith.constant 0 : i32
    return %c0_i32, %arg0 : i32, i32
  }
  func.func @transform_1(%arg0: i32) -> (i32, i32) {
    %c0_i32 = arith.constant 0 : i32
    %c0_i32_0 = arith.constant 0 : i32
    return %arg0, %c0_i32 : i32, i32
  }
}

module attributes {stable_mosaic.version = 14 : i64} {
  func.func @_head_body(%arg0: memref<4096x64xf32, #tpu.memory_space<vmem>>, %arg1: memref<4096x1xf32, #tpu.memory_space<vmem>>, %arg2: memref<64x64xf32, #tpu.memory_space<vmem>>, %arg3: memref<1x64xf32, #tpu.memory_space<vmem>>, %arg4: memref<1x64xf32, #tpu.memory_space<vmem>>, %arg5: memref<1x64xf32, #tpu.memory_space<vmem>>, %arg6: memref<64x1xf32, #tpu.memory_space<vmem>>, %arg7: memref<1x1xf32, #tpu.memory_space<vmem>>, %arg8: memref<4096x1xf32, #tpu.memory_space<vmem>>, %arg9: memref<1x1xf32, #tpu.memory_space<vmem>>) attributes {dimension_semantics = [], scalar_prefetch = 0 : i64, scratch_operands = 0 : i64, tpu.core_type = #tpu.core_type<tc>} {
    %get3A = arith.constant 0 : index
    %get3A_0 = arith.constant 0 : index
    %get3A_1 = vector.load %arg0[%get3A, %get3A_0] : memref<4096x64xf32, #tpu.memory_space<vmem>>, vector<4096x64xf32>
    %get3A_2 = arith.constant 0 : index
    %get3A_3 = arith.constant 0 : index
    %get3A_4 = vector.load %arg2[%get3A_2, %get3A_3] : memref<64x64xf32, #tpu.memory_space<vmem>>, vector<64x64xf32>
    %dot_general3A = arith.constant dense<0.000000e+00> : vector<4096x64xf32>
    %dot_general3A_5 = tpu.matmul %get3A_1, %get3A_4, %dot_general3A {dimension_numbers = #tpu.dot_dimension_numbers<[1], [0], [0], [1], [0, 0, 1, 1], [], []>, transpose_lhs_hint = false} : vector<4096x64xf32>, vector<64x64xf32>, vector<4096x64xf32> -> vector<4096x64xf32>
    %get3A_6 = arith.constant 0 : index
    %get3A_7 = arith.constant 0 : index
    %get3A_8 = vector.load %arg3[%get3A_6, %get3A_7] : memref<1x64xf32, #tpu.memory_space<vmem>>, vector<1x64xf32>
    %add3A = vector.broadcast %get3A_8 : vector<1x64xf32> to vector<4096x64xf32>
    %add3A_9 = arith.addf %dot_general3A_5, %add3A : vector<4096x64xf32>
    %reduce_sum3A = arith.constant dense<0.000000e+00> : vector<64xf32>
    %reduce_sum3A_10 = vector.multi_reduction <add>, %add3A_9, %reduce_sum3A [0] : vector<4096x64xf32> to vector<64xf32>
    %broadcast_in_dim3A = vector.shape_cast %reduce_sum3A_10 : vector<64xf32> to vector<1x64xf32>
    %div3A = arith.constant 4.096000e+03 : f32
    %div3A_11 = vector.broadcast %div3A : f32 to vector<1x64xf32>
    %div3A_12 = arith.divf %broadcast_in_dim3A, %div3A_11 : vector<1x64xf32>
    %sub3A = vector.broadcast %div3A_12 : vector<1x64xf32> to vector<4096x64xf32>
    %sub3A_13 = arith.subf %add3A_9, %sub3A : vector<4096x64xf32>
    %mul3A = arith.mulf %sub3A_13, %sub3A_13 : vector<4096x64xf32>
    %reduce_sum3A_14 = arith.constant dense<0.000000e+00> : vector<64xf32>
    %reduce_sum3A_15 = vector.multi_reduction <add>, %mul3A, %reduce_sum3A_14 [0] : vector<4096x64xf32> to vector<64xf32>
    %broadcast_in_dim3A_16 = vector.shape_cast %reduce_sum3A_15 : vector<64xf32> to vector<1x64xf32>
    %div3A_17 = arith.constant 4.096000e+03 : f32
    %div3A_18 = vector.broadcast %div3A_17 : f32 to vector<1x64xf32>
    %div3A_19 = arith.divf %broadcast_in_dim3A_16, %div3A_18 : vector<1x64xf32>
    %add3A_20 = arith.constant 9.99999974E-6 : f32
    %add3A_21 = vector.broadcast %add3A_20 : f32 to vector<1x64xf32>
    %add3A_22 = arith.addf %div3A_19, %add3A_21 : vector<1x64xf32>
    %rsqrt3A = math.rsqrt %add3A_22 : vector<1x64xf32>
    %mul3A_23 = vector.broadcast %rsqrt3A : vector<1x64xf32> to vector<4096x64xf32>
    %mul3A_24 = arith.mulf %sub3A_13, %mul3A_23 : vector<4096x64xf32>
    %get3A_25 = arith.constant 0 : index
    %get3A_26 = arith.constant 0 : index
    %get3A_27 = vector.load %arg4[%get3A_25, %get3A_26] : memref<1x64xf32, #tpu.memory_space<vmem>>, vector<1x64xf32>
    %mul3A_28 = vector.broadcast %get3A_27 : vector<1x64xf32> to vector<4096x64xf32>
    %mul3A_29 = arith.mulf %mul3A_24, %mul3A_28 : vector<4096x64xf32>
    %get3A_30 = arith.constant 0 : index
    %get3A_31 = arith.constant 0 : index
    %get3A_32 = vector.load %arg5[%get3A_30, %get3A_31] : memref<1x64xf32, #tpu.memory_space<vmem>>, vector<1x64xf32>
    %add3A_33 = vector.broadcast %get3A_32 : vector<1x64xf32> to vector<4096x64xf32>
    %add3A_34 = arith.addf %mul3A_29, %add3A_33 : vector<4096x64xf32>
    %max3A = arith.constant 0.000000e+00 : f32
    %max3A_35 = vector.broadcast %max3A : f32 to vector<4096x64xf32>
    %max3A_36 = arith.maximumf %add3A_34, %max3A_35 : vector<4096x64xf32>
    %get3A_37 = arith.constant 0 : index
    %get3A_38 = arith.constant 0 : index
    %get3A_39 = vector.load %arg6[%get3A_37, %get3A_38] : memref<64x1xf32, #tpu.memory_space<vmem>>, vector<64x1xf32>
    %dot_general3A_40 = arith.constant dense<0.000000e+00> : vector<4096x1xf32>
    %dot_general3A_41 = tpu.matmul %max3A_36, %get3A_39, %dot_general3A_40 {dimension_numbers = #tpu.dot_dimension_numbers<[1], [0], [0], [1], [0, 0, 1, 1], [], []>, transpose_lhs_hint = false} : vector<4096x64xf32>, vector<64x1xf32>, vector<4096x1xf32> -> vector<4096x1xf32>
    %get3A_42 = arith.constant 0 : index
    %get3A_43 = arith.constant 0 : index
    %get3A_44 = vector.load %arg7[%get3A_42, %get3A_43] : memref<1x1xf32, #tpu.memory_space<vmem>>, vector<1x1xf32>
    %add3A_45 = vector.broadcast %get3A_44 : vector<1x1xf32> to vector<4096x1xf32>
    %add3A_46 = arith.addf %dot_general3A_41, %add3A_45 : vector<4096x1xf32>
    %swap3A = arith.constant 0 : index
    %swap3A_47 = arith.constant 0 : index
    %swap3A_48 = vector.load %arg8[%swap3A, %swap3A_47] : memref<4096x1xf32, #tpu.memory_space<vmem>>, vector<4096x1xf32>
    tpu.vector_store %arg8[%swap3A, %swap3A_47], %add3A_46 {strides = array<i32>} : memref<4096x1xf32, #tpu.memory_space<vmem>>, vector<4096x1xf32>,
    %get3A_49 = arith.constant 0 : index
    %get3A_50 = arith.constant 0 : index
    %get3A_51 = vector.load %arg1[%get3A_49, %get3A_50] : memref<4096x1xf32, #tpu.memory_space<vmem>>, vector<4096x1xf32>
    %max3A_52 = arith.constant 0.000000e+00 : f32
    %max3A_53 = vector.broadcast %max3A_52 : f32 to vector<4096x1xf32>
    %max3A_54 = arith.maximumf %add3A_46, %max3A_53 : vector<4096x1xf32>
    %mul3A_55 = arith.mulf %add3A_46, %get3A_51 : vector<4096x1xf32>
    %sub3A_56 = arith.subf %max3A_54, %mul3A_55 : vector<4096x1xf32>
    %abs3A = math.absf %add3A_46 : vector<4096x1xf32>
    %neg3A = arith.constant 0.000000e+00 : f32
    %neg3A_57 = vector.broadcast %neg3A : f32 to vector<4096x1xf32>
    %neg3A_58 = arith.subf %neg3A_57, %abs3A : vector<4096x1xf32>
    %exp3A = math.exp %neg3A_58 : vector<4096x1xf32>
    %log1p3A = math.log1p %exp3A : vector<4096x1xf32>
    %add3A_59 = arith.addf %sub3A_56, %log1p3A : vector<4096x1xf32>
    %reduce_sum3A_60 = vector.shape_cast %add3A_59 : vector<4096x1xf32> to vector<1x4096x1xf32>
    %reduce_sum3A_61 = arith.constant dense<0.000000e+00> : vector<1xf32>
    %reduce_sum3A_62 = vector.multi_reduction <add>, %reduce_sum3A_60, %reduce_sum3A_61 [1, 2] : vector<1x4096x1xf32> to vector<1xf32>
    %reduce_sum3A_63 = vector.shape_cast %reduce_sum3A_62 : vector<1xf32> to vector<1x1x1xf32>
    %reduce_sum3A_64 = vector.extract %reduce_sum3A_63[0, 0, 0] : f32 from vector<1x1x1xf32>
    %mul3A_65 = arith.constant 2.44140625E-4 : f32
    %mul3A_66 = arith.mulf %reduce_sum3A_64, %mul3A_65 : f32
    %broadcast_in_dim3A_67 = vector.broadcast %mul3A_66 : f32 to vector<1x1xf32>
    %swap3A_68 = arith.constant 0 : index
    %swap3A_69 = arith.constant 0 : index
    %swap3A_70 = vector.load %arg9[%swap3A_68, %swap3A_69] : memref<1x1xf32, #tpu.memory_space<vmem>>, vector<1x1xf32>
    tpu.vector_store %arg9[%swap3A_68, %swap3A_69], %broadcast_in_dim3A_67 {strides = array<i32>} : memref<1x1xf32, #tpu.memory_space<vmem>>, vector<1x1xf32>,
    return
  }
}

</mosaic_0001>

<sc_bundles>
// kernel: kernel.5.cloned.1.call-start
scs
__scs_entry_jumppad:
0x0: {  	(pc) =	sbr.rel $0x88, $3  }
0x1: {  	(tag) =	ssettag $0x0;
	lr =	simm.s32 $0x1  }
0x2: {  	[smem:$0x3F98] =	sst lr;
	_ =	strace $0xD0000000  }
0x3: {  	_ = 	snop  }
0x4: {  	_ = 	snop  }
0x5: {  	_ = 	snop  }
0x6: {  	_ = 	snop  }
0x7: {  	_ = 	snop  }
__scs_overlays_trampoline_lowered:
0x8: {  	[smem:$0x3FA7] =	sst s0  }
0x9: {  	[smem:$0x3FA8] =	sst s1  }
0xa: {  	[smem:$0x3FA9] =	sst s2  }
0xb: {  	[smem:$0x3FAA] =	sst s3  }
0xc: {  	[smem:$0x3FAB] =	sst s4  }
0xd: {  	[smem:$0x3FAC] =	sst s5  }
0xe: {  	[smem:$0x3FAD] =	sst s6  }
0xf: {  	[smem:$0x3FAE] =	sst s7  }
0x10: {  	[smem:$0x3FAF] =	sst s8  }
0x11: {  	[smem:$0x3FB0] =	sst s9;
	s0 =	simm.s32 @!p0 $0x0  }
0x12: {  	s1 =	sld [smem:$0x3F96];
	s0 =	simm.s32 @p0 $0x1  }
0x13: {  	[smem:$0x3FB1] =	sst s0;
	s0 =	simm.s32 @!p1 $0x0  }
0x14: {  	s2 =	sld [smem:$0x3F95];
	s0 =	simm.s32 @p1 $0x1  }
0x15: {  	[smem:$0x3FB2] =	sst s0;
	s0 =	simm.s32 @!p2 $0x0  }
0x16: {  	s3 =	sld [smem:$0x3FDB];
	s0 =	simm.s32 @p2 $0x1  }
0x17: {  	s4 =	simm.s32 $0x1BF5;
	[smem:$0x3FB4] =	sst s0  }
0x18: {  	s0 =	sld [smem:$0x3F97];
	_ =	swait.ge [sflag:s4], $0x0  }
0x19: {  	s7 =	sld [smem:$0x3F98]  }
0x1a: {  	s8 =	sadd.s32 $0xFFFFE003, lr  }
0x1b: {  	s9 =	sadd.s32 $0xFFFFFEF7, lr;
	s5 =	simm.s32 $0xFFFFFFFF;
	p2 =	slt.u32 s8, $0xFFFFF086  }
0x1c: {  	p1 =	slt.u32 s9, $0xF7A;
	s5 =	simm.s32 @!p2 $0x0  }
0x1d: {  	s5 =	simm.s32 @p1 $0x1;
	p0 =	seq.s32 s7, s2  }
0x1e: {  	s7 =	smul.u32 @!p0 $0xF7A, s2;
	p2 =	seq.s32 @!p0 s5, $0x0  }
0x1f: {  	s9 =	smul.u32 $0xF7A, s1;
	s8 =	simm.s32 @!p0 $0x1BF5;
	p2 =	por !p2, p0  }
0x20: {  	[sflag:s8] =	ssyncset.s32 @!p0 $0xFFFFF086;
	s6 =	sadd.s32 @!p0 s3, s7;
	s7 =	simm.s32 @!p0 $0x108  }
0x21: {  	s3 =	sadd.s32 s3, s9;
	s6 =	sadd.s32 @!p0 $0x88, s6;
	s7 =	simm.s32 @p2 $0x1082  }
0x22: {  	[simem:s7], [sflag:s8] =	dma.local @!p0 [hbm:s6], $0xF7A  }
0x23: {  	s9 =	sor.u32 $0xD0000000, s2;
	s6 =	simm.s32 $0x108;
	_ =	swait.ge @!p0 [sflag:s8], $0x0  }
0x24: {  	s3 =	sadd.s32 $0x88, s3;
	s6 =	simm.s32 @!p1 $0x1082;
	[sflag:s4] =	ssyncset.s32 $0xFFFFF086  }
0x25: {  	[simem:s6], [sflag:s4] =	dma.local [hbm:s3], $0xF7A  }
0x26: {  	[smem:$0x3F98] =	sst s1;
	(tag) =	ssettag s2;
	_ =	strace s9  }
0x27: {  	s1 =	sld [smem:$0x3FA8]  }
0x28: {  	s2 =	sld [smem:$0x3FA9]  }
0x29: {  	s4 =	sld [smem:$0x3FAB]  }
0x2a: {  	p0 =	seq.s32 s5, $0x0;
	s5 =	sld [smem:$0x3FAC]  }
0x2b: {  	s6 =	sld [smem:$0x3FAD]  }
0x2c: {  	s7 =	sld [smem:$0x3FAE]  }
0x2d: {  	s3 =	simm.s32 $0x108;
	s8 =	sld [smem:$0x3FAF]  }
0x2e: {  	s3 =	simm.s32 @!p0 $0x1082;
	s9 =	sld [smem:$0x3FB0]  }
0x2f: {  	lr =	sadd.s32 s0, s3;
	s0 =	sld [smem:$0x3FA7]  }
0x30: {  	s3 =	sld [smem:$0x3FAA]  }
0x31: {  	[smem:$0x3FB3] =	sst s10  }
0x32: {  	s10 =	sld [smem:$0x3FB1];
	_ =	sdelay $0x3  }
0x33: {  	p0 =	seq.s32 s10, $0x1;
	s10 =	sld [smem:$0x3FB3];
	_ =	sdelay $0x3  }
0x34: {  	[smem:$0x3FB3] =	sst s10  }
0x35: {  	s10 =	sld [smem:$0x3FB2];
	_ =	sdelay $0x3  }
0x36: {  	p1 =	seq.s32 s10, $0x1;
	s10 =	sld [smem:$0x3FB3];
	_ =	sdelay $0x3  }
0x37: {  	[smem:$0x3FB3] =	sst s10  }
0x38: {  	s10 =	sld [smem:$0x3FB4]  }
0x39: {  	_ = 	snop;
	(pc) =	sbr.ind lr, $3  }
0x3a: {  	_ = 	snop  }
0x3b: {  	_ = 	snop  }
0x3c: {  	p2 =	seq.s32 s10, $0x1;
	s10 =	sld [smem:$0x3FB3]  }
0x3d: {  	_ =	shalt  }
0x3e: {  	_ =	shalt  }
0x3f: {  	_ =	shalt  }
0x40: {  	_ =	shalt  }
0x41: {  	_ =	shalt  }
0x42: {  	_ =	shalt  }
0x43: {  	_ =	shalt  }
0x44: {  	_ =	shalt  }
0x45: {  	_ =	shalt  }
0x46: {  	_ =	shalt  }
0x47: {  	_ =	shalt  }
0x48: {  	_ =	shalt  }
0x49: {  	_ =	shalt  }
0x4a: {  	_ =	shalt  }
0x4b: {  	_ =	shalt  }
0x4c: {  	_ =	shalt  }
0x4d: {  	_ =	shalt  }
0x4e: {  	_ =	shalt  }
0x4f: {  	_ =	shalt  }
0x50: {  	_ =	shalt  }
0x51: {  	_ =	shalt  }
0x52: {  	_ =	shalt  }
0x53: {  	_ =	shalt  }
0x54: {  	_ =	shalt  }
0x55: {  	_ =	shalt  }
0x56: {  	_ =	shalt  }
0x57: {  	_ =	shalt  }
0x58: {  	_ =	shalt  }
0x59: {  	_ =	shalt  }
0x5a: {  	_ =	shalt  }
0x5b: {  	_ =	shalt  }
0x5c: {  	_ =	shalt  }
0x5d: {  	_ =	shalt  }
0x5e: {  	_ =	shalt  }
0x5f: {  	_ =	shalt  }
0x60: {  	_ =	shalt  }
0x61: {  	_ =	shalt  }
0x62: {  	_ =	shalt  }
0x63: {  	_ =	shalt  }
0x64: {  	_ =	shalt  }
0x65: {  	_ =	shalt  }
0x66: {  	_ =	shalt  }
0x67: {  	_ =	shalt  }
0x68: {  	_ =	shalt  }
0x69: {  	_ =	shalt  }
0x6a: {  	_ =	shalt  }
0x6b: {  	_ =	shalt  }
0x6c: {  	_ =	shalt  }
0x6d: {  	_ =	shalt  }
0x6e: {  	_ =	shalt  }
0x6f: {  	_ =	shalt  }
0x70: {  	_ =	shalt  }
0x71: {  	_ =	shalt  }
0x72: {  	_ =	shalt  }
0x73: {  	_ =	shalt  }
0x74: {  	_ =	shalt  }
0x75: {  	_ =	shalt  }
0x76: {  	_ =	shalt  }
0x77: {  	_ =	shalt  }
0x78: {  	_ =	shalt  }
0x79: {  	_ =	shalt  }
0x7a: {  	_ =	shalt  }
0x7b: {  	_ =	shalt  }
0x7c: {  	_ =	shalt  }
0x7d: {  	_ =	shalt  }
0x7e: {  	_ =	shalt  }
0x7f: {  	_ =	shalt  }
0x80: {  	_ =	shalt  }
0x81: {  	_ =	shalt  }
0x82: {  	_ =	shalt  }
0x83: {  	_ =	shalt  }
0x84: {  	_ =	shalt  }
0x85: {  	_ =	shalt  }
0x86: {  	_ =	shalt  }
0x87: {  	_ =	shalt  }
.Lfunc_end0:
.L_simem_size_0:
called_computation_lowered:
.L_overlay_start_0:
0x88: {  	s2 =	sld [smem:$0x3FD9]  }
0x89: {  	s3 =	sld [smem:$0x3FFE];
	_ =	sdelay $0x1  }
0x8a: {  	s1 =	srdreg.scid  }
0x8b: {  	s0 =	sand.u32 $0x1, s1  }
0x8c: {  	s16 =	sshll.u32 s0, $0xA;
	s2 =	sadd.s32 s3, s2  }
0x8d: {  	s2 =	sadd.s32 s2, s16  }
0x8e: {  	[smem:$0x3FBF] =	sst s2  }
0x8f: {  	_ = 	snop  }
0x90: {  	(tm) =	ssettm $0x1  }
0x91: {  	s17 =	sld [smem:$0x3FFB];
	_ =	sdelay $0x3  }
0x92: {  	_ =	strace s17  }
0x93: {  	s2 =	sld [smem:$0x3FFC];
	_ =	sdelay $0x3  }
0x94: {  	_ =	strace s2  }
0x95: {  	s2 =	sld [smem:$0x3FFD];
	_ =	sdelay $0x3  }
0x96: {  	_ =	strace s2  }
0x97: {  	_ =	strace $0x8FFFFFFF  }
0x98: {  	s18 =	sld [smem:$0x3FDB];
	_ =	sdelay $0x1  }
0x99: {  	s19 =	simm.s32 $_scs_section_size  }
0x9a: {  	s4 =	simm.s32 $_size__tile_overlayer_lowered;
	s5 =	simm.s32 $_tile_overlayer_lowered  }
0x9b: {  	s22 =	simm.s32 $0x1BFF;
	s21 =	sshll.u32 s5, $0x1;
	s2 =	sadd.s32 s19, s18  }
0x9c: {  	s6 =	simm.s32 $0x0;
	s20 =	sshll.u32 s4, $0x1;
	s4 =	sadd.s32 s21, s2  }
0x9d: {  	[timem:s6], [sflag:s22] =	dma.local [hbm:s4], s20  }
0x9e: {  	_ =	swait.ge [sflag:s22], s20  }
0x9f: {  	s3 =	ssub.s32 $0x0, s20;
	[sflag:s22] =	ssyncset.done $0x0  }
0xa0: {  	[sflag:s22] =	ssyncadd.s32 s3;
	_ =	sdelay $0x1  }
0xa1: {  	s23 =	simm.s32 $0x1B8B  }
0xa2: {  	_ =	swait.ge [sflag:s23], $0x1  }
0xa3: {  	[sflag:s23] =	ssyncset.done $0x0  }
0xa4: {  	s25 =	simm.s32 $0x1B8E;
	s24 =	sld [smem:$0x3FFE];
	[sflag:s23] =	ssyncadd.s32 $0xFFFFFFFF  }
0xa5: {  	s26 =	simm.s32 $execute0_lowered;
	[smem:$0x3FD2] =	sst s25  }
0xa6: {  	s4 =	sshll.u32 s26, $0x1;
	_ =	strace $0x80000046;
	[dreg:$0x1] =	wrdreg $0xFFFFFFFF  }
0xa7: {  	s28 =	simm.s32 $_size_execute0_lowered;
	s2 =	sadd.s32 s2, s4;
	[dreg:$0x0] =	wrdreg $0x0  }
0xa8: {  	s4 =	sshll.u32 s28, $0x1;
	[dreg:$0x2] =	wrdreg s2  }
0xa9: {  	[dreg:$0x3] =	wrdreg s4  }
0xaa: {  	[dreg:$0x4] =	wrdreg $0xC0  }
0xab: {  	_ =	task [dreg:s6], $0x5FFFF  }
0xac: {  	[dreg:$0x1] =	wrdreg $0xFFFFFFFF  }
0xad: {  	[dreg:$0x0] =	wrdreg $0x60  }
0xae: {  	[dreg:$0x2] =	wrdreg s24  }
0xaf: {  	[dreg:$0x3] =	wrdreg $0x9  }
0xb0: {  	_ =	task.clear_ibuf [dreg:s6], $0x4FFFF;
	_ =	strace $0x90000046  }
0xb1: {  	s29 =	simm.s32 $0x9;
	_ =	strace $0x80000048  }
0xb2: {  	_ =	swait.ge [sflag:s29], $0x1  }
0xb3: {  	[sflag:s29] =	ssyncadd.s32 $0xFFFFFFFF  }
0xb4: {  	_ =	strace $0x90000048  }
0xb5: {  	_ =	sfence  }
0xb6: {  	s30 =	sld [smem:$0x0];
	_ =	sdelay $0x2  }
0xb7: {  	s31 =	sshll.u32 s1, $0xD;
	s1 =	sshrl.u32 s1, $0x2  }
0xb8: {  	s3 =	sand.u32 $0x4000, s31;
	s1 =	sadd.s32 s1, s30  }
0xb9: {  	s0 =	sor.u32 s3, s0;
	s1 =	sshll.u32 s1, $0x11  }
0xba: {  	s0 =	sor.u32 s1, s0  }
0xbb: {  	s0 =	sadd.s32 $0x8F2B, s0  }
0xbc: {  	[sflag:s0] =	ssyncadd.remote.s32 $0x1  }
0xbd: {  	_ =	sfence.sel $0xFFFF  }
0xbe: {  	[dreg:$0x0] =	wrdreg $0xFFFFFFFF;
	(pc) =	sbr.abs _section_cstart, $3  }
0xbf: {  	[dreg:$0x1] =	wrdreg $0xFFFFFFFF  }
0xc0: {  	_ =	task.clear_ibuf [dreg:s6], $0x2FFFF;
	_ =	strace $0x9FFFFFFF  }
0xc1: {  	(tm) =	ssettm $0x7FFFFFFF  }
tec
execute0_lowered:
.L_overlay_start_1:
0x0: {  	(tag) =	ssettag $0x1  }
0x1: {  	s0 =	srdreg.scid;
	s2 =	stileid.u32  }
0x2: {  	s1 =	rddreg [dreg:$0x0];
	s7 =	simm.s32 $0x9;
	s8 =	simm.s32 $0x80  }
0x3: {  	s9 =	simm.s32 $0x6400;
	s10 =	simm.s32 $0x48;
	s11 =	simm.s32 $0x8400  }
0x4: {  	s13 =	simm.s32 $0x9600;
	s15 =	simm.s32 $0xB600;
	s17 =	simm.s32 $0xC800  }
0x5: {  	s19 =	simm.s32 $0xE800;
	s21 =	simm.s32 $0xFA00;
	s23 =	simm.s32 $0x11A00  }
0x6: {  	s24 =	simm.s32 $0x1;
	s25 =	simm.s32 $0x2;
	s26 =	simm.s32 $0x3  }
0x7: {  	s28 =	simm.s32 $0x4;
	s29 =	simm.s32 $0x5;
	s30 =	simm.s32 $0x6  }
0x8: {  	s31 =	simm.s32 $0x7;
	s12 =	simm.s32 $0x0;
	s0 =	sand.u32 $0x1, s0  }
0x9: {  	s3 =	sshll.u32 s2, $0x8;
	s2 =	simm.s32 $0x0;
	s4 =	sshll.u32 s0, $0x7  }
0xa: {  	[smem:$0x7FF] =	sst s2;
	s0 =	ssub.s32 $0x2, s0;
	s3 =	sor.u32 s4, s3  }
0xb: {  	_ =	strace $0x80000047;
	s6 =	sshrl.u32 s0, $0x1;
	s4 =	smul.u32 $0x19, s3  }
0xc: {  	s5 =	sshll.u32 s3, $0x3;
	s3 =	sadd.s32 $0x19E00, s1;
	s0 =	ssub.s32 s0, s6  }
0xd: {  	s6 =	smax.u32 s0, $0x1;
	s4 =	sadd.s32 s4, s1;
	s1 =	sadd.s32 s5, s1  }
0xe: {  	s4 =	sadd.s32 $0xE00, s4;
	s5 =	sadd.s32 $0x7D9E00, s1;
	s1 =	simm.s32 $0x8  }
.LBB2_1:
0xf: {  	[tilespmem:s2], [sflag:$0x9] =	stream.linear.gather [hbm4b:s4+s2], $0x6400, $0x38;
	[tilespmem:$0x14C00] =	vst v63  }
0x10: {  	_ =	swait.ge [sflag:s7], $0x6400  }
0x11: {  	[sflag:s7] =	ssyncset.done $0x0  }
0x12: {  	[sflag:s7] =	ssyncadd.s32 $0xFFFF9C00  }
0x13: {  	[tilespmem:s9], [sflag:$0x1] =	stream.indirect.gather [hbm4b:s3+s8], $0x40, s2, s8, $0xb8;
	[tilespmem:$0x14C00] =	vst v63  }
0x14: {  	_ = 	snop  }
0x15: {  	[tilespmem:s11], [sflag:$0x2] =	stream.indirect.gather [hbm4b:s3+s10], $0x40, s8, s10, $0xb8;
	[tilespmem:$0x14C00] =	vst v63  }
0x16: {  	s0 =	simm.s32 $0xC8  }
0x17: {  	[tilespmem:s13], [sflag:$0x3] =	stream.indirect.gather [hbm4b:s3+s8], $0x40, s0, s8, $0xb8;
	[tilespmem:$0x14C00] =	vst v63  }
0x18: {  	s14 =	simm.s32 $0x148  }
0x19: {  	[tilespmem:s15], [sflag:$0x4] =	stream.indirect.gather [hbm4b:s3+s10], $0x40, s14, s10, $0xb8;
	[tilespmem:$0x14C00] =	vst v63  }
0x1a: {  	s16 =	simm.s32 $0x190  }
0x1b: {  	[tilespmem:s17], [sflag:$0x5] =	stream.indirect.gather [hbm4b:s3+s8], $0x40, s16, s8, $0xb8;
	[tilespmem:$0x14C00] =	vst v63  }
0x1c: {  	s18 =	simm.s32 $0x210  }
0x1d: {  	[tilespmem:s19], [sflag:$0x6] =	stream.indirect.gather [hbm4b:s3+s10], $0x40, s18, s10, $0xb8;
	[tilespmem:$0x14C00] =	vst v63  }
0x1e: {  	s20 =	simm.s32 $0x258  }
0x1f: {  	[tilespmem:s21], [sflag:$0x7] =	stream.indirect.gather [hbm4b:s3+s8], $0x40, s20, s8, $0xb8;
	[tilespmem:$0x14C00] =	vst v63  }
0x20: {  	s22 =	simm.s32 $0x2D8;
	s14 =	simm.s32 $0x0  }
0x21: {  	[tilespmem:s23], [sflag:$0x8] =	stream.indirect.gather [hbm4b:s3+s10], $0x40, s22, s10, $0xb8;
	[tilespmem:$0x14C00] =	vst v63  }
.LBB2_2:
0x22: {  	_ =	swait.ge [sflag:s24], $0x2000  }
0x23: {  	[sflag:s24] =	ssyncset.done $0x0  }
0x24: {  	s0 =	simm.s32 $0x6500;
	[sflag:s24] =	ssyncadd.s32 $0xFFFFE000  }
0x25: {  	v0 =	vld [tilespmem:s0+$0xC0]  }
0x26: {  	v1 =	vld [tilespmem:s0+$0xD0]  }
0x27: {  	v2 =	vld [tilespmem:s0+$0x80]  }
0x28: {  	v3 =	vld [tilespmem:s0+$0x90]  }
0x29: {  	v4 =	vld [tilespmem:s0+$0x40]  }
0x2a: {  	v5 =	vld [tilespmem:s0+$0x50]  }
0x2b: {  	v6 =	vld [tilespmem:s0+$0x0]  }
0x2c: {  	v7 =	vld [tilespmem:s0+$0x10]  }
0x2d: {  	v9 =	vld [tilespmem:s0+$0xFFFFFFC0]  }
0x2e: {  	v10 =	vld [tilespmem:s0+$0xFFFFFFD0]  }
0x2f: {  	v8 =	vld [tilespmem:s0+$0xFFFFFF80]  }
0x30: {  	v11 =	vld [tilespmem:s0+$0xFFFFFF90]  }
0x31: {  	v12 =	vld [tilespmem:s0+$0xFFFFFF40]  }
0x32: {  	v13 =	vld [tilespmem:s0+$0xFFFFFF50]  }
0x33: {  	v14 =	vld [tilespmem:s0+$0xFFFFFF00]  }
0x34: {  	v15 =	vld [tilespmem:s0+$0xFFFFFF10]  }
0x35: {  	v16 =	vld [tilespmem:s0+$0xFFFFFF20]  }
0x36: {  	v17 =	vld [tilespmem:s0+$0xFFFFFF30]  }
0x37: {  	v18 =	vld [tilespmem:s0+$0xFFFFFF60]  }
0x38: {  	v19 =	vld [tilespmem:s0+$0xFFFFFF70]  }
0x39: {  	v20 =	vimm.f32 $0.0e+00;
	v21 =	vld [tilespmem:s0+$0xFFFFFFA0]  }
0x3a: {  	v22 =	vld [tilespmem:s0+$0xFFFFFFB0];
	v14 =	vadd.f32 v14, v20;
	v15 =	vadd.f32 v15, v20  }
0x3b: {  	v63 =	vld [tilespmem:s0+$0xFFFFFFE0];
	v16 =	vadd.f32 v16, v20;
	v17 =	vadd.f32 v17, v20  }
0x3c: {  	v12 =	vadd.f32 v12, v14;
	v13 =	vadd.f32 v13, v15;
	v14 =	vld [tilespmem:s0+$0xFFFFFFF0]  }
0x3d: {  	v15 =	vadd.f32 v18, v16;
	v16 =	vadd.f32 v19, v17;
	v17 =	vld [tilespmem:s0+$0x20]  }
0x3e: {  	v12 =	vadd.f32 v8, v12;
	v11 =	vadd.f32 v11, v13;
	v13 =	vld [tilespmem:s0+$0x30]  }
0x3f: {  	v15 =	vadd.f32 v21, v15;
	v16 =	vadd.f32 v22, v16;
	v8 =	vld [tilespmem:s0+$0x60]  }
0x40: {  	v12 =	vadd.f32 v9, v12;
	v10 =	vadd.f32 v10, v11;
	v11 =	vld [tilespmem:s0+$0x70]  }
0x41: {  	v15 =	vadd.f32 v63, v15;
	v9 =	vld [tilespmem:s0+$0xA0];
	v16 =	vadd.f32 v14, v16  }
0x42: {  	v6 =	vadd.f32 v6, v12;
	v7 =	vadd.f32 v7, v10;
	v12 =	vld [tilespmem:s0+$0xB0]  }
0x43: {  	v14 =	vadd.f32 v17, v15;
	v10 =	vld [tilespmem:s0+$0xE0];
	v15 =	vadd.f32 v13, v16  }
0x44: {  	s16 =	simm.s32 $0x0;
	s18 =	simm.s32 $0x6700;
	v13 =	vld [tilespmem:s0+$0xF0];
	v16 =	vadd.f32 v4, v6;
	v17 =	vadd.f32 v5, v7  }
.LBB2_3:
0x45: {  	v4 =	vld [tilespmem:s18+$0xC0];
	v5 =	vadd.f32 v8, v14;
	v6 =	vadd.f32 v11, v15  }
0x46: {  	v7 =	vld [tilespmem:s18+$0xD0];
	v8 =	vadd.f32 v2, v16;
	v11 =	vadd.f32 v3, v17  }
0x47: {  	v2 =	vld [tilespmem:s18+$0x80];
	v5 =	vadd.f32 v9, v5;
	v6 =	vadd.f32 v12, v6  }
0x48: {  	v3 =	vld [tilespmem:s18+$0x90];
	v8 =	vadd.f32 v0, v8;
	v9 =	vadd.f32 v1, v11  }
0x49: {  	v16 =	vld [tilespmem:s18+$0x40];
	v5 =	vadd.f32 v10, v5;
	v6 =	vadd.f32 v13, v6  }
0x4a: {  	v13 =	vld [tilespmem:s18+$0x50];
	v0 =	vmov v4  }
0x4b: {  	v4 =	vld [tilespmem:s18+$0x0];
	v1 =	vmov v7  }
0x4c: {  	v7 =	vld [tilespmem:s18+$0x10]  }
0x4d: {  	v10 =	vld [tilespmem:s18+$0xFFFFFFC0]  }
0x4e: {  	v11 =	vld [tilespmem:s18+$0xFFFFFFD0]  }
0x4f: {  	v12 =	vld [tilespmem:s18+$0xFFFFFF80]  }
0x50: {  	v14 =	vld [tilespmem:s18+$0xFFFFFF90]  }
0x51: {  	v15 =	vld [tilespmem:s18+$0xFFFFFF40]  }
0x52: {  	v17 =	vld [tilespmem:s18+$0xFFFFFF50]  }
0x53: {  	v18 =	vld [tilespmem:s18+$0xFFFFFF00]  }
0x54: {  	v19 =	vld [tilespmem:s18+$0xFFFFFF10]  }
0x55: {  	v20 =	vld [tilespmem:s18+$0xFFFFFF20]  }
0x56: {  	s16 =	sadd.s32 $0x8, s16;
	v21 =	vld [tilespmem:s18+$0xFFFFFF30]  }
0x57: {  	p0 =	slt.u32 s16, $0x78;
	v22 =	vld [tilespmem:s18+$0xFFFFFF60]  }
0x58: {  	v23 =	vld [tilespmem:s18+$0xFFFFFF70]  }
0x59: {  	v24 =	vld [tilespmem:s18+$0xFFFFFFA0]  }
0x5a: {  	v8 =	vadd.f32 v18, v8;
	v9 =	vadd.f32 v19, v9;
	v18 =	vld [tilespmem:s18+$0xFFFFFFB0]  }
0x5b: {  	v5 =	vadd.f32 v20, v5;
	v6 =	vadd.f32 v21, v6;
	v19 =	vld [tilespmem:s18+$0xFFFFFFE0]  }
0x5c: {  	v8 =	vadd.f32 v15, v8;
	v9 =	vadd.f32 v17, v9;
	v15 =	vld [tilespmem:s18+$0xFFFFFFF0]  }
0x5d: {  	v5 =	vadd.f32 v22, v5;
	v6 =	vadd.f32 v23, v6;
	v17 =	vld [tilespmem:s18+$0x20]  }
0x5e: {  	v12 =	vadd.f32 v12, v8;
	v9 =	vadd.f32 v14, v9;
	v20 =	vld [tilespmem:s18+$0x30]  }
0x5f: {  	v5 =	vadd.f32 v24, v5;
	v6 =	vadd.f32 v18, v6;
	v8 =	vld [tilespmem:s18+$0x60]  }
.Ltmp0:
0x60: {  	v10 =	vadd.f32 v10, v12;
	v12 =	vadd.f32 v11, v9;
	v11 =	vld [tilespmem:s18+$0x70];
	(pc) =	sbr.rel @p0 .LBB2_3-.Ltmp0, $4  }
0x61: {  	v5 =	vadd.f32 v19, v5;
	v6 =	vadd.f32 v15, v6;
	v9 =	vld [tilespmem:s18+$0xA0]  }
0x62: {  	v4 =	vadd.f32 v4, v10;
	v7 =	vadd.f32 v7, v12;
	v12 =	vld [tilespmem:s18+$0xB0]  }
0x63: {  	v14 =	vadd.f32 v17, v5;
	v15 =	vadd.f32 v20, v6;
	v10 =	vld [tilespmem:s18+$0xE0]  }
0x64: {  	v16 =	vadd.f32 v16, v4;
	v17 =	vadd.f32 v13, v7;
	v13 =	vld [tilespmem:s18+$0xF0];
	s18 =	sadd.s32 $0x200, s18  }
0x65: {  	s18 =	sshll.u32 s14, $0x3  }
0x66: {  	s0 =	smin.u32 s18, $0xF6  }
0x67: {  	s0 =	sshrl.u32 s0, $0x1  }
0x68: {  	s0 =	smul.u32 $0x320, s0;
	_ =	sdelay $0x1  }
0x69: {  	s0 =	sadd.s32 $0xC80, s0  }
0x6a: {  	s20 =	sshrl.u32 s0, $0x2  }
0x6b: {  	[tilespmem:s9], [sflag:$0x1] =	stream.indirect.gather [hbm4b:s3+s8], $0x40, s20, s8, $0xb8;
	[tilespmem:$0x14C00] =	vst v63  }
0x6c: {  	_ =	swait.ge [sflag:s25], $0x1200  }
0x6d: {  	[sflag:s25] =	ssyncset.done $0x0  }
0x6e: {  	s22 =	simm.s32 $0x8500;
	[sflag:s25] =	ssyncadd.s32 $0xFFFFEE00  }
0x6f: {  	v4 =	vld [tilespmem:s22+$0xC0]  }
0x70: {  	v5 =	vld [tilespmem:s22+$0xD0]  }
0x71: {  	v6 =	vld [tilespmem:s22+$0x80]  }
0x72: {  	v7 =	vld [tilespmem:s22+$0x90]  }
0x73: {  	v18 =	vld [tilespmem:s22+$0x40]  }
0x74: {  	v19 =	vld [tilespmem:s22+$0x50]  }
0x75: {  	v20 =	vld [tilespmem:s22+$0x0]  }
0x76: {  	v21 =	vld [tilespmem:s22+$0x10]  }
0x77: {  	v22 =	vld [tilespmem:s22+$0xFFFFFFC0]  }
0x78: {  	v23 =	vld [tilespmem:s22+$0xFFFFFFD0]  }
0x79: {  	v24 =	vld [tilespmem:s22+$0xFFFFFF80]  }
0x7a: {  	v25 =	vld [tilespmem:s22+$0xFFFFFF90]  }
0x7b: {  	v26 =	vld [tilespmem:s22+$0xFFFFFF40]  }
0x7c: {  	v27 =	vld [tilespmem:s22+$0xFFFFFF50]  }
0x7d: {  	v28 =	vld [tilespmem:s22+$0xFFFFFF00]  }
0x7e: {  	v29 =	vld [tilespmem:s22+$0xFFFFFF10]  }
0x7f: {  	v8 =	vadd.f32 v8, v14;
	v11 =	vadd.f32 v11, v15;
	v14 =	vld [tilespmem:s22+$0xFFFFFF20]  }
0x80: {  	v2 =	vadd.f32 v2, v16;
	v3 =	vadd.f32 v3, v17;
	v15 =	vld [tilespmem:s22+$0xFFFFFF30]  }
0x81: {  	v8 =	vadd.f32 v9, v8;
	v9 =	vadd.f32 v12, v11;
	v11 =	vld [tilespmem:s22+$0xFFFFFF60]  }
0x82: {  	v0 =	vadd.f32 v0, v2;
	v1 =	vadd.f32 v1, v3;
	v2 =	vld [tilespmem:s22+$0xFFFFFF70]  }
0x83: {  	v3 =	vadd.f32 v10, v8;
	v8 =	vadd.f32 v13, v9;
	v9 =	vld [tilespmem:s22+$0xFFFFFFA0]  }
0x84: {  	v10 =	vld [tilespmem:s22+$0xFFFFFFB0];
	v0 =	vadd.f32 v28, v0;
	v1 =	vadd.f32 v29, v1  }
0x85: {  	v12 =	vld [tilespmem:s22+$0xFFFFFFE0];
	v3 =	vadd.f32 v14, v3;
	v8 =	vadd.f32 v15, v8  }
0x86: {  	v13 =	vld [tilespmem:s22+$0xFFFFFFF0];
	v0 =	vadd.f32 v26, v0;
	v1 =	vadd.f32 v27, v1  }
0x87: {  	v14 =	vld [tilespmem:s22+$0x30];
	v3 =	vadd.f32 v11, v3;
	v2 =	vadd.f32 v2, v8  }
0x88: {  	v11 =	vld [tilespmem:s22+$0x20];
	v8 =	vadd.f32 v24, v0;
	v1 =	vadd.f32 v25, v1  }
0x89: {  	v3 =	vadd.f32 v9, v3;
	v9 =	vadd.f32 v10, v2;
	v0 =	vld [tilespmem:s22+$0x60]  }
0x8a: {  	v2 =	vld [tilespmem:s22+$0x70];
	v8 =	vadd.f32 v22, v8;
	v10 =	vadd.f32 v23, v1  }
0x8b: {  	v3 =	vadd.f32 v12, v3;
	v9 =	vadd.f32 v13, v9;
	v1 =	vld [tilespmem:s22+$0xA0]  }
0x8c: {  	v12 =	vadd.f32 v20, v8;
	v15 =	vadd.f32 v21, v10;
	v8 =	vld [tilespmem:s22+$0xB0]  }
0x8d: {  	v11 =	vadd.f32 v11, v3;
	v10 =	vadd.f32 v14, v9;
	v3 =	vld [tilespmem:s22+$0xE0]  }
0x8e: {  	s16 =	simm.s32 $0x0;
	v9 =	vld [tilespmem:s22+$0xF0];
	s22 =	simm.s32 $0x8700;
	v13 =	vadd.f32 v18, v12;
	v12 =	vadd.f32 v19, v15  }
.LBB2_5:
0x8f: {  	v14 =	vld [tilespmem:s22+$0xC0];
	v0 =	vadd.f32 v0, v11;
	v2 =	vadd.f32 v2, v10  }
0x90: {  	v10 =	vld [tilespmem:s22+$0xD0];
	v11 =	vadd.f32 v6, v13;
	v12 =	vadd.f32 v7, v12  }
0x91: {  	v6 =	vld [tilespmem:s22+$0x80];
	v0 =	vadd.f32 v1, v0;
	v1 =	vadd.f32 v8, v2  }
0x92: {  	v7 =	vld [tilespmem:s22+$0x90];
	v2 =	vadd.f32 v4, v11;
	v8 =	vadd.f32 v5, v12  }
0x93: {  	v12 =	vld [tilespmem:s22+$0x40];
	v0 =	vadd.f32 v3, v0;
	v1 =	vadd.f32 v9, v1  }
0x94: {  	v9 =	vld [tilespmem:s22+$0x50];
	v4 =	vmov v14  }
0x95: {  	v3 =	vld [tilespmem:s22+$0x0];
	v5 =	vmov v10  }
0x96: {  	v10 =	vld [tilespmem:s22+$0x10]  }
0x97: {  	v11 =	vld [tilespmem:s22+$0xFFFFFFC0]  }
0x98: {  	v13 =	vld [tilespmem:s22+$0xFFFFFFD0]  }
0x99: {  	v14 =	vld [tilespmem:s22+$0xFFFFFF80]  }
0x9a: {  	v15 =	vld [tilespmem:s22+$0xFFFFFF90]  }
0x9b: {  	v16 =	vld [tilespmem:s22+$0xFFFFFF40]  }
0x9c: {  	v17 =	vld [tilespmem:s22+$0xFFFFFF50]  }
0x9d: {  	v18 =	vld [tilespmem:s22+$0xFFFFFF00]  }
0x9e: {  	v19 =	vld [tilespmem:s22+$0xFFFFFF10]  }
0x9f: {  	v20 =	vld [tilespmem:s22+$0xFFFFFF20]  }
0xa0: {  	s16 =	sadd.s32 $0x8, s16;
	v21 =	vld [tilespmem:s22+$0xFFFFFF30]  }
0xa1: {  	p0 =	slt.u32 s16, $0x40;
	v22 =	vld [tilespmem:s22+$0xFFFFFF60]  }
0xa2: {  	v23 =	vld [tilespmem:s22+$0xFFFFFF70]  }
0xa3: {  	v24 =	vld [tilespmem:s22+$0xFFFFFFA0]  }
0xa4: {  	v2 =	vadd.f32 v18, v2;
	v8 =	vadd.f32 v19, v8;
	v18 =	vld [tilespmem:s22+$0xFFFFFFB0]  }
0xa5: {  	v0 =	vadd.f32 v20, v0;
	v1 =	vadd.f32 v21, v1;
	v19 =	vld [tilespmem:s22+$0xFFFFFFE0]  }
0xa6: {  	v2 =	vadd.f32 v16, v2;
	v8 =	vadd.f32 v17, v8;
	v16 =	vld [tilespmem:s22+$0xFFFFFFF0]  }
0xa7: {  	v0 =	vadd.f32 v22, v0;
	v1 =	vadd.f32 v23, v1;
	v17 =	vld [tilespmem:s22+$0x20]  }
0xa8: {  	v2 =	vadd.f32 v14, v2;
	v8 =	vadd.f32 v15, v8;
	v14 =	vld [tilespmem:s22+$0x30]  }
0xa9: {  	v15 =	vadd.f32 v24, v0;
	v1 =	vadd.f32 v18, v1;
	v0 =	vld [tilespmem:s22+$0x60]  }
.Ltmp1:
0xaa: {  	v11 =	vadd.f32 v11, v2;
	v8 =	vadd.f32 v13, v8;
	v2 =	vld [tilespmem:s22+$0x70];
	(pc) =	sbr.rel @p0 .LBB2_5-.Ltmp1, $4  }
0xab: {  	v13 =	vadd.f32 v19, v15;
	v15 =	vadd.f32 v16, v1;
	v1 =	vld [tilespmem:s22+$0xA0]  }
0xac: {  	v16 =	vadd.f32 v3, v11;
	v18 =	vadd.f32 v10, v8;
	v8 =	vld [tilespmem:s22+$0xB0]  }
0xad: {  	v11 =	vadd.f32 v17, v13;
	v10 =	vadd.f32 v14, v15;
	v3 =	vld [tilespmem:s22+$0xE0]  }
0xae: {  	v13 =	vadd.f32 v12, v16;
	v12 =	vadd.f32 v9, v18;
	v9 =	vld [tilespmem:s22+$0xF0];
	s22 =	sadd.s32 $0x200, s22  }
0xaf: {  	_ = 	snop  }
0xb0: {  	v0 =	vadd.f32 v0, v11;
	v6 =	vadd.f32 v6, v13  }
0xb1: {  	v2 =	vadd.f32 v2, v10;
	v7 =	vadd.f32 v7, v12  }
0xb2: {  	v0 =	vadd.f32 v1, v0;
	v1 =	vadd.f32 v4, v6  }
0xb3: {  	v2 =	vadd.f32 v8, v2;
	v4 =	vadd.f32 v5, v7  }
0xb4: {  	s0 =	sshll.u32 s14, $0x8;
	v0 =	vadd.f32 v3, v0;
	v1 =	vmul.f32 $4.999999890e-03, v1  }
0xb5: {  	s16 =	sand.u32 $0x3FFFFF00, s0;
	v2 =	vadd.f32 v9, v2;
	v3 =	vmul.f32 $4.999999890e-03, v4  }
0xb6: {  	v0 =	vmul.f32 $4.999999890e-03, v0;
	[tilespmem:s16+$0x12C00] =	vst v1  }
0xb7: {  	[tilespmem:s16+$0x12C10] =	vst v3;
	v1 =	vmul.f32 $4.999999890e-03, v2  }
0xb8: {  	[tilespmem:s16+$0x12C20] =	vst v0  }
0xb9: {  	s20 =	sadd.s32 $0x80, s20;
	[tilespmem:s16+$0x12C30] =	vst v1  }
0xba: {  	[tilespmem:s11], [sflag:$0x2] =	stream.indirect.gather [hbm4b:s3+s10], $0x40, s20, s10, $0xb8;
	[tilespmem:$0x14C00] =	vst v63  }
0xbb: {  	_ =	swait.ge [sflag:s26], $0x2000  }
0xbc: {  	[sflag:s26] =	ssyncset.done $0x0  }
0xbd: {  	s22 =	simm.s32 $0x9700;
	[sflag:s26] =	ssyncadd.s32 $0xFFFFE000  }
0xbe: {  	v0 =	vld [tilespmem:s22+$0xC0]  }
0xbf: {  	v1 =	vld [tilespmem:s22+$0xD0]  }
0xc0: {  	v2 =	vld [tilespmem:s22+$0x80]  }
0xc1: {  	v3 =	vld [tilespmem:s22+$0x90]  }
0xc2: {  	v4 =	vld [tilespmem:s22+$0x40]  }
0xc3: {  	v5 =	vld [tilespmem:s22+$0x50]  }
0xc4: {  	v6 =	vld [tilespmem:s22+$0x0]  }
0xc5: {  	v7 =	vld [tilespmem:s22+$0x10]  }
0xc6: {  	v9 =	vld [tilespmem:s22+$0xFFFFFFC0]  }
0xc7: {  	v10 =	vld [tilespmem:s22+$0xFFFFFFD0]  }
0xc8: {  	v8 =	vld [tilespmem:s22+$0xFFFFFF80]  }
0xc9: {  	v11 =	vld [tilespmem:s22+$0xFFFFFF90]  }
0xca: {  	v12 =	vld [tilespmem:s22+$0xFFFFFF40]  }
0xcb: {  	v13 =	vld [tilespmem:s22+$0xFFFFFF50]  }
0xcc: {  	v14 =	vld [tilespmem:s22+$0xFFFFFF00]  }
0xcd: {  	v15 =	vld [tilespmem:s22+$0xFFFFFF10]  }
0xce: {  	v16 =	vld [tilespmem:s22+$0xFFFFFF20]  }
0xcf: {  	v17 =	vld [tilespmem:s22+$0xFFFFFF30]  }
0xd0: {  	v18 =	vld [tilespmem:s22+$0xFFFFFF60]  }
0xd1: {  	v19 =	vld [tilespmem:s22+$0xFFFFFF70]  }
0xd2: {  	v20 =	vimm.f32 $0.0e+00;
	v21 =	vld [tilespmem:s22+$0xFFFFFFA0]  }
0xd3: {  	v22 =	vld [tilespmem:s22+$0xFFFFFFB0];
	v14 =	vadd.f32 v14, v20;
	v15 =	vadd.f32 v15, v20  }
0xd4: {  	v63 =	vld [tilespmem:s22+$0xFFFFFFE0];
	v16 =	vadd.f32 v16, v20;
	v17 =	vadd.f32 v17, v20  }
0xd5: {  	v12 =	vadd.f32 v12, v14;
	v13 =	vadd.f32 v13, v15;
	v14 =	vld [tilespmem:s22+$0xFFFFFFF0]  }
0xd6: {  	v15 =	vadd.f32 v18, v16;
	v16 =	vadd.f32 v19, v17;
	v17 =	vld [tilespmem:s22+$0x20]  }
0xd7: {  	v12 =	vadd.f32 v8, v12;
	v11 =	vadd.f32 v11, v13;
	v13 =	vld [tilespmem:s22+$0x30]  }
0xd8: {  	v15 =	vadd.f32 v21, v15;
	v16 =	vadd.f32 v22, v16;
	v8 =	vld [tilespmem:s22+$0x60]  }
0xd9: {  	v12 =	vadd.f32 v9, v12;
	v10 =	vadd.f32 v10, v11;
	v11 =	vld [tilespmem:s22+$0x70]  }
0xda: {  	v15 =	vadd.f32 v63, v15;
	v9 =	vld [tilespmem:s22+$0xA0];
	v16 =	vadd.f32 v14, v16  }
0xdb: {  	v6 =	vadd.f32 v6, v12;
	v7 =	vadd.f32 v7, v10;
	v12 =	vld [tilespmem:s22+$0xB0]  }
0xdc: {  	v14 =	vadd.f32 v17, v15;
	v10 =	vld [tilespmem:s22+$0xE0];
	v15 =	vadd.f32 v13, v16  }
0xdd: {  	s20 =	simm.s32 $0x0;
	v13 =	vld [tilespmem:s22+$0xF0];
	s22 =	simm.s32 $0x9900;
	v16 =	vadd.f32 v4, v6;
	v17 =	vadd.f32 v5, v7  }
.LBB2_7:
0xde: {  	v4 =	vld [tilespmem:s22+$0xC0];
	v5 =	vadd.f32 v8, v14;
	v6 =	vadd.f32 v11, v15  }
0xdf: {  	v7 =	vld [tilespmem:s22+$0xD0];
	v8 =	vadd.f32 v2, v16;
	v11 =	vadd.f32 v3, v17  }
0xe0: {  	v2 =	vld [tilespmem:s22+$0x80];
	v5 =	vadd.f32 v9, v5;
	v6 =	vadd.f32 v12, v6  }
0xe1: {  	v3 =	vld [tilespmem:s22+$0x90];
	v8 =	vadd.f32 v0, v8;
	v9 =	vadd.f32 v1, v11  }
0xe2: {  	v16 =	vld [tilespmem:s22+$0x40];
	v5 =	vadd.f32 v10, v5;
	v6 =	vadd.f32 v13, v6  }
0xe3: {  	v13 =	vld [tilespmem:s22+$0x50];
	v0 =	vmov v4  }
0xe4: {  	v4 =	vld [tilespmem:s22+$0x0];
	v1 =	vmov v7  }
0xe5: {  	v7 =	vld [tilespmem:s22+$0x10]  }
0xe6: {  	v10 =	vld [tilespmem:s22+$0xFFFFFFC0]  }
0xe7: {  	v11 =	vld [tilespmem:s22+$0xFFFFFFD0]  }
0xe8: {  	v12 =	vld [tilespmem:s22+$0xFFFFFF80]  }
0xe9: {  	v14 =	vld [tilespmem:s22+$0xFFFFFF90]  }
0xea: {  	v15 =	vld [tilespmem:s22+$0xFFFFFF40]  }
0xeb: {  	v17 =	vld [tilespmem:s22+$0xFFFFFF50]  }
0xec: {  	v18 =	vld [tilespmem:s22+$0xFFFFFF00]  }
0xed: {  	v19 =	vld [tilespmem:s22+$0xFFFFFF10]  }
0xee: {  	v20 =	vld [tilespmem:s22+$0xFFFFFF20]  }
0xef: {  	s20 =	sadd.s32 $0x8, s20;
	v21 =	vld [tilespmem:s22+$0xFFFFFF30]  }
0xf0: {  	p0 =	slt.u32 s20, $0x78;
	v22 =	vld [tilespmem:s22+$0xFFFFFF60]  }
0xf1: {  	v23 =	vld [tilespmem:s22+$0xFFFFFF70]  }
0xf2: {  	v24 =	vld [tilespmem:s22+$0xFFFFFFA0]  }
0xf3: {  	v8 =	vadd.f32 v18, v8;
	v9 =	vadd.f32 v19, v9;
	v18 =	vld [tilespmem:s22+$0xFFFFFFB0]  }
0xf4: {  	v5 =	vadd.f32 v20, v5;
	v6 =	vadd.f32 v21, v6;
	v19 =	vld [tilespmem:s22+$0xFFFFFFE0]  }
0xf5: {  	v8 =	vadd.f32 v15, v8;
	v9 =	vadd.f32 v17, v9;
	v15 =	vld [tilespmem:s22+$0xFFFFFFF0]  }
0xf6: {  	v5 =	vadd.f32 v22, v5;
	v6 =	vadd.f32 v23, v6;
	v17 =	vld [tilespmem:s22+$0x20]  }
0xf7: {  	v12 =	vadd.f32 v12, v8;
	v9 =	vadd.f32 v14, v9;
	v20 =	vld [tilespmem:s22+$0x30]  }
0xf8: {  	v5 =	vadd.f32 v24, v5;
	v6 =	vadd.f32 v18, v6;
	v8 =	vld [tilespmem:s22+$0x60]  }
.Ltmp2:
0xf9: {  	v10 =	vadd.f32 v10, v12;
	v12 =	vadd.f32 v11, v9;
	v11 =	vld [tilespmem:s22+$0x70];
	(pc) =	sbr.rel @p0 .LBB2_7-.Ltmp2, $4  }
0xfa: {  	v5 =	vadd.f32 v19, v5;
	v6 =	vadd.f32 v15, v6;
	v9 =	vld [tilespmem:s22+$0xA0]  }
0xfb: {  	v4 =	vadd.f32 v4, v10;
	v7 =	vadd.f32 v7, v12;
	v12 =	vld [tilespmem:s22+$0xB0]  }
0xfc: {  	v14 =	vadd.f32 v17, v5;
	v15 =	vadd.f32 v20, v6;
	v10 =	vld [tilespmem:s22+$0xE0]  }
0xfd: {  	v16 =	vadd.f32 v16, v4;
	v17 =	vadd.f32 v13, v7;
	v13 =	vld [tilespmem:s22+$0xF0];
	s22 =	sadd.s32 $0x200, s22  }
0xfe: {  	s0 =	smin.u32 s18, $0xF4  }
0xff: {  	s0 =	sadd.s32 $0xA, s0  }
0x100: {  	s0 =	sshrl.u32 s0, $0x1  }
0x101: {  	s0 =	smul.u32 $0x320, s0;
	_ =	sdelay $0x1  }
0x102: {  	s20 =	sshrl.u32 s0, $0x2  }
0x103: {  	[tilespmem:s13], [sflag:$0x3] =	stream.indirect.gather [hbm4b:s3+s8], $0x40, s20, s8, $0xb8;
	[tilespmem:$0x14C00] =	vst v63  }
0x104: {  	_ =	swait.ge [sflag:s28], $0x1200  }
0x105: {  	[sflag:s28] =	ssyncset.done $0x0  }
0x106: {  	s0 =	simm.s32 $0xB700;
	[sflag:s28] =	ssyncadd.s32 $0xFFFFEE00  }
0x107: {  	v4 =	vld [tilespmem:s0+$0xC0]  }
0x108: {  	v5 =	vld [tilespmem:s0+$0xD0]  }
0x109: {  	v6 =	vld [tilespmem:s0+$0x80]  }
0x10a: {  	v7 =	vld [tilespmem:s0+$0x90]  }
0x10b: {  	v18 =	vld [tilespmem:s0+$0x40]  }
0x10c: {  	v19 =	vld [tilespmem:s0+$0x50]  }
0x10d: {  	v20 =	vld [tilespmem:s0+$0x0]  }
0x10e: {  	v21 =	vld [tilespmem:s0+$0x10]  }
0x10f: {  	v22 =	vld [tilespmem:s0+$0xFFFFFFC0]  }
0x110: {  	v23 =	vld [tilespmem:s0+$0xFFFFFFD0]  }
0x111: {  	v24 =	vld [tilespmem:s0+$0xFFFFFF80]  }
0x112: {  	v25 =	vld [tilespmem:s0+$0xFFFFFF90]  }
0x113: {  	v26 =	vld [tilespmem:s0+$0xFFFFFF40]  }
0x114: {  	v27 =	vld [tilespmem:s0+$0xFFFFFF50]  }
0x115: {  	v28 =	vld [tilespmem:s0+$0xFFFFFF00]  }
0x116: {  	v29 =	vld [tilespmem:s0+$0xFFFFFF10]  }
0x117: {  	v8 =	vadd.f32 v8, v14;
	v11 =	vadd.f32 v11, v15;
	v14 =	vld [tilespmem:s0+$0xFFFFFF20]  }
0x118: {  	v2 =	vadd.f32 v2, v16;
	v3 =	vadd.f32 v3, v17;
	v15 =	vld [tilespmem:s0+$0xFFFFFF30]  }
0x119: {  	v8 =	vadd.f32 v9, v8;
	v9 =	vadd.f32 v12, v11;
	v11 =	vld [tilespmem:s0+$0xFFFFFF60]  }
0x11a: {  	v0 =	vadd.f32 v0, v2;
	v1 =	vadd.f32 v1, v3;
	v2 =	vld [tilespmem:s0+$0xFFFFFF70]  }
0x11b: {  	v3 =	vadd.f32 v10, v8;
	v8 =	vadd.f32 v13, v9;
	v9 =	vld [tilespmem:s0+$0xFFFFFFA0]  }
0x11c: {  	v10 =	vld [tilespmem:s0+$0xFFFFFFB0];
	v0 =	vadd.f32 v28, v0;
	v1 =	vadd.f32 v29, v1  }
0x11d: {  	v12 =	vld [tilespmem:s0+$0xFFFFFFE0];
	v3 =	vadd.f32 v14, v3;
	v8 =	vadd.f32 v15, v8  }
0x11e: {  	v13 =	vld [tilespmem:s0+$0xFFFFFFF0];
	v0 =	vadd.f32 v26, v0;
	v1 =	vadd.f32 v27, v1  }
0x11f: {  	v14 =	vld [tilespmem:s0+$0x30];
	v3 =	vadd.f32 v11, v3;
	v2 =	vadd.f32 v2, v8  }
0x120: {  	v11 =	vld [tilespmem:s0+$0x20];
	v8 =	vadd.f32 v24, v0;
	v1 =	vadd.f32 v25, v1  }
0x121: {  	v3 =	vadd.f32 v9, v3;
	v9 =	vadd.f32 v10, v2;
	v0 =	vld [tilespmem:s0+$0x60]  }
0x122: {  	v2 =	vld [tilespmem:s0+$0x70];
	v8 =	vadd.f32 v22, v8;
	v10 =	vadd.f32 v23, v1  }
0x123: {  	v3 =	vadd.f32 v12, v3;
	v9 =	vadd.f32 v13, v9;
	v1 =	vld [tilespmem:s0+$0xA0]  }
0x124: {  	v12 =	vadd.f32 v20, v8;
	v15 =	vadd.f32 v21, v10;
	v8 =	vld [tilespmem:s0+$0xB0]  }
0x125: {  	v11 =	vadd.f32 v11, v3;
	v10 =	vadd.f32 v14, v9;
	v3 =	vld [tilespmem:s0+$0xE0]  }
0x126: {  	s22 =	simm.s32 $0x0;
	v9 =	vld [tilespmem:s0+$0xF0];
	s0 =	simm.s32 $0xB900;
	v13 =	vadd.f32 v18, v12;
	v12 =	vadd.f32 v19, v15  }
.LBB2_9:
0x127: {  	v14 =	vld [tilespmem:s0+$0xC0];
	v0 =	vadd.f32 v0, v11;
	v2 =	vadd.f32 v2, v10  }
0x128: {  	v10 =	vld [tilespmem:s0+$0xD0];
	v11 =	vadd.f32 v6, v13;
	v12 =	vadd.f32 v7, v12  }
0x129: {  	v6 =	vld [tilespmem:s0+$0x80];
	v0 =	vadd.f32 v1, v0;
	v1 =	vadd.f32 v8, v2  }
0x12a: {  	v7 =	vld [tilespmem:s0+$0x90];
	v2 =	vadd.f32 v4, v11;
	v8 =	vadd.f32 v5, v12  }
0x12b: {  	v12 =	vld [tilespmem:s0+$0x40];
	v0 =	vadd.f32 v3, v0;
	v1 =	vadd.f32 v9, v1  }
0x12c: {  	v9 =	vld [tilespmem:s0+$0x50];
	v4 =	vmov v14  }
0x12d: {  	v3 =	vld [tilespmem:s0+$0x0];
	v5 =	vmov v10  }
0x12e: {  	v10 =	vld [tilespmem:s0+$0x10]  }
0x12f: {  	v11 =	vld [tilespmem:s0+$0xFFFFFFC0]  }
0x130: {  	v13 =	vld [tilespmem:s0+$0xFFFFFFD0]  }
0x131: {  	v14 =	vld [tilespmem:s0+$0xFFFFFF80]  }
0x132: {  	v15 =	vld [tilespmem:s0+$0xFFFFFF90]  }
0x133: {  	v16 =	vld [tilespmem:s0+$0xFFFFFF40]  }
0x134: {  	v17 =	vld [tilespmem:s0+$0xFFFFFF50]  }
0x135: {  	v18 =	vld [tilespmem:s0+$0xFFFFFF00]  }
0x136: {  	v19 =	vld [tilespmem:s0+$0xFFFFFF10]  }
0x137: {  	v20 =	vld [tilespmem:s0+$0xFFFFFF20]  }
0x138: {  	s22 =	sadd.s32 $0x8, s22;
	v21 =	vld [tilespmem:s0+$0xFFFFFF30]  }
0x139: {  	p0 =	slt.u32 s22, $0x40;
	v22 =	vld [tilespmem:s0+$0xFFFFFF60]  }
0x13a: {  	v23 =	vld [tilespmem:s0+$0xFFFFFF70]  }
0x13b: {  	v24 =	vld [tilespmem:s0+$0xFFFFFFA0]  }
0x13c: {  	v2 =	vadd.f32 v18, v2;
	v8 =	vadd.f32 v19, v8;
	v18 =	vld [tilespmem:s0+$0xFFFFFFB0]  }
0x13d: {  	v0 =	vadd.f32 v20, v0;
	v1 =	vadd.f32 v21, v1;
	v19 =	vld [tilespmem:s0+$0xFFFFFFE0]  }
0x13e: {  	v2 =	vadd.f32 v16, v2;
	v8 =	vadd.f32 v17, v8;
	v16 =	vld [tilespmem:s0+$0xFFFFFFF0]  }
0x13f: {  	v0 =	vadd.f32 v22, v0;
	v1 =	vadd.f32 v23, v1;
	v17 =	vld [tilespmem:s0+$0x20]  }
0x140: {  	v2 =	vadd.f32 v14, v2;
	v8 =	vadd.f32 v15, v8;
	v14 =	vld [tilespmem:s0+$0x30]  }
0x141: {  	v15 =	vadd.f32 v24, v0;
	v1 =	vadd.f32 v18, v1;
	v0 =	vld [tilespmem:s0+$0x60]  }
.Ltmp3:
0x142: {  	v11 =	vadd.f32 v11, v2;
	v8 =	vadd.f32 v13, v8;
	v2 =	vld [tilespmem:s0+$0x70];
	(pc) =	sbr.rel @p0 .LBB2_9-.Ltmp3, $4  }
0x143: {  	v13 =	vadd.f32 v19, v15;
	v15 =	vadd.f32 v16, v1;
	v1 =	vld [tilespmem:s0+$0xA0]  }
0x144: {  	v16 =	vadd.f32 v3, v11;
	v18 =	vadd.f32 v10, v8;
	v8 =	vld [tilespmem:s0+$0xB0]  }
0x145: {  	v11 =	vadd.f32 v17, v13;
	v10 =	vadd.f32 v14, v15;
	v3 =	vld [tilespmem:s0+$0xE0]  }
0x146: {  	v13 =	vadd.f32 v12, v16;
	v12 =	vadd.f32 v9, v18;
	v9 =	vld [tilespmem:s0+$0xF0];
	s0 =	sadd.s32 $0x200, s0  }
0x147: {  	_ = 	snop  }
0x148: {  	v0 =	vadd.f32 v0, v11;
	v6 =	vadd.f32 v6, v13  }
0x149: {  	v2 =	vadd.f32 v2, v10;
	v7 =	vadd.f32 v7, v12  }
0x14a: {  	v0 =	vadd.f32 v1, v0;
	v1 =	vadd.f32 v4, v6  }
0x14b: {  	v2 =	vadd.f32 v8, v2;
	v4 =	vadd.f32 v5, v7  }
0x14c: {  	v0 =	vadd.f32 v3, v0;
	v1 =	vmul.f32 $4.999999890e-03, v1  }
0x14d: {  	v2 =	vadd.f32 v9, v2;
	v3 =	vmul.f32 $4.999999890e-03, v4  }
0x14e: {  	v0 =	vmul.f32 $4.999999890e-03, v0;
	[tilespmem:s16+$0x12C40] =	vst v1  }
0x14f: {  	[tilespmem:s16+$0x12C50] =	vst v3;
	v1 =	vmul.f32 $4.999999890e-03, v2  }
0x150: {  	[tilespmem:s16+$0x12C60] =	vst v0  }
0x151: {  	s0 =	sadd.s32 $0x80, s20;
	[tilespmem:s16+$0x12C70] =	vst v1  }
0x152: {  	[tilespmem:s15], [sflag:$0x4] =	stream.indirect.gather [hbm4b:s3+s10], $0x40, s0, s10, $0xb8;
	[tilespmem:$0x14C00] =	vst v63  }
0x153: {  	_ =	swait.ge [sflag:s29], $0x2000  }
0x154: {  	[sflag:s29] =	ssyncset.done $0x0  }
0x155: {  	s22 =	simm.s32 $0xC900;
	[sflag:s29] =	ssyncadd.s32 $0xFFFFE000  }
0x156: {  	v0 =	vld [tilespmem:s22+$0xC0]  }
0x157: {  	v1 =	vld [tilespmem:s22+$0xD0]  }
0x158: {  	v2 =	vld [tilespmem:s22+$0x80]  }
0x159: {  	v3 =	vld [tilespmem:s22+$0x90]  }
0x15a: {  	v4 =	vld [tilespmem:s22+$0x40]  }
0x15b: {  	v5 =	vld [tilespmem:s22+$0x50]  }
0x15c: {  	v6 =	vld [tilespmem:s22+$0x0]  }
0x15d: {  	v7 =	vld [tilespmem:s22+$0x10]  }
0x15e: {  	v9 =	vld [tilespmem:s22+$0xFFFFFFC0]  }
0x15f: {  	v10 =	vld [tilespmem:s22+$0xFFFFFFD0]  }
0x160: {  	v8 =	vld [tilespmem:s22+$0xFFFFFF80]  }
0x161: {  	v11 =	vld [tilespmem:s22+$0xFFFFFF90]  }
0x162: {  	v12 =	vld [tilespmem:s22+$0xFFFFFF40]  }
0x163: {  	v13 =	vld [tilespmem:s22+$0xFFFFFF50]  }
0x164: {  	v14 =	vld [tilespmem:s22+$0xFFFFFF00]  }
0x165: {  	v15 =	vld [tilespmem:s22+$0xFFFFFF10]  }
0x166: {  	v16 =	vld [tilespmem:s22+$0xFFFFFF20]  }
0x167: {  	v17 =	vld [tilespmem:s22+$0xFFFFFF30]  }
0x168: {  	v18 =	vld [tilespmem:s22+$0xFFFFFF60]  }
0x169: {  	v19 =	vld [tilespmem:s22+$0xFFFFFF70]  }
0x16a: {  	v20 =	vimm.f32 $0.0e+00;
	v21 =	vld [tilespmem:s22+$0xFFFFFFA0]  }
0x16b: {  	v22 =	vld [tilespmem:s22+$0xFFFFFFB0];
	v14 =	vadd.f32 v14, v20;
	v15 =	vadd.f32 v15, v20  }
0x16c: {  	v63 =	vld [tilespmem:s22+$0xFFFFFFE0];
	v16 =	vadd.f32 v16, v20;
	v17 =	vadd.f32 v17, v20  }
0x16d: {  	v12 =	vadd.f32 v12, v14;
	v13 =	vadd.f32 v13, v15;
	v14 =	vld [tilespmem:s22+$0xFFFFFFF0]  }
0x16e: {  	v15 =	vadd.f32 v18, v16;
	v16 =	vadd.f32 v19, v17;
	v17 =	vld [tilespmem:s22+$0x20]  }
0x16f: {  	v12 =	vadd.f32 v8, v12;
	v11 =	vadd.f32 v11, v13;
	v13 =	vld [tilespmem:s22+$0x30]  }
0x170: {  	v15 =	vadd.f32 v21, v15;
	v16 =	vadd.f32 v22, v16;
	v8 =	vld [tilespmem:s22+$0x60]  }
0x171: {  	v12 =	vadd.f32 v9, v12;
	v10 =	vadd.f32 v10, v11;
	v11 =	vld [tilespmem:s22+$0x70]  }
0x172: {  	v15 =	vadd.f32 v63, v15;
	v9 =	vld [tilespmem:s22+$0xA0];
	v16 =	vadd.f32 v14, v16  }
0x173: {  	v6 =	vadd.f32 v6, v12;
	v7 =	vadd.f32 v7, v10;
	v12 =	vld [tilespmem:s22+$0xB0]  }
0x174: {  	v14 =	vadd.f32 v17, v15;
	v10 =	vld [tilespmem:s22+$0xE0];
	v15 =	vadd.f32 v13, v16  }
0x175: {  	s20 =	simm.s32 $0x0;
	s0 =	simm.s32 $0xCB00;
	v13 =	vld [tilespmem:s22+$0xF0];
	v16 =	vadd.f32 v4, v6;
	v17 =	vadd.f32 v5, v7  }
.LBB2_11:
0x176: {  	v4 =	vld [tilespmem:s0+$0xC0];
	v5 =	vadd.f32 v8, v14;
	v6 =	vadd.f32 v11, v15  }
0x177: {  	v7 =	vld [tilespmem:s0+$0xD0];
	v8 =	vadd.f32 v2, v16;
	v11 =	vadd.f32 v3, v17  }
0x178: {  	v2 =	vld [tilespmem:s0+$0x80];
	v5 =	vadd.f32 v9, v5;
	v6 =	vadd.f32 v12, v6  }
0x179: {  	v3 =	vld [tilespmem:s0+$0x90];
	v8 =	vadd.f32 v0, v8;
	v9 =	vadd.f32 v1, v11  }
0x17a: {  	v16 =	vld [tilespmem:s0+$0x40];
	v5 =	vadd.f32 v10, v5;
	v6 =	vadd.f32 v13, v6  }
0x17b: {  	v13 =	vld [tilespmem:s0+$0x50];
	v0 =	vmov v4  }
0x17c: {  	v4 =	vld [tilespmem:s0+$0x0];
	v1 =	vmov v7  }
0x17d: {  	v7 =	vld [tilespmem:s0+$0x10]  }
0x17e: {  	v10 =	vld [tilespmem:s0+$0xFFFFFFC0]  }
0x17f: {  	v11 =	vld [tilespmem:s0+$0xFFFFFFD0]  }
0x180: {  	v12 =	vld [tilespmem:s0+$0xFFFFFF80]  }
0x181: {  	v14 =	vld [tilespmem:s0+$0xFFFFFF90]  }
0x182: {  	v15 =	vld [tilespmem:s0+$0xFFFFFF40]  }
0x183: {  	v17 =	vld [tilespmem:s0+$0xFFFFFF50]  }
0x184: {  	v18 =	vld [tilespmem:s0+$0xFFFFFF00]  }
0x185: {  	v19 =	vld [tilespmem:s0+$0xFFFFFF10]  }
0x186: {  	v20 =	vld [tilespmem:s0+$0xFFFFFF20]  }
0x187: {  	s20 =	sadd.s32 $0x8, s20;
	v21 =	vld [tilespmem:s0+$0xFFFFFF30]  }
0x188: {  	p0 =	slt.u32 s20, $0x78;
	v22 =	vld [tilespmem:s0+$0xFFFFFF60]  }
0x189: {  	v23 =	vld [tilespmem:s0+$0xFFFFFF70]  }
0x18a: {  	v24 =	vld [tilespmem:s0+$0xFFFFFFA0]  }
0x18b: {  	v8 =	vadd.f32 v18, v8;
	v9 =	vadd.f32 v19, v9;
	v18 =	vld [tilespmem:s0+$0xFFFFFFB0]  }
0x18c: {  	v5 =	vadd.f32 v20, v5;
	v6 =	vadd.f32 v21, v6;
	v19 =	vld [tilespmem:s0+$0xFFFFFFE0]  }
0x18d: {  	v8 =	vadd.f32 v15, v8;
	v9 =	vadd.f32 v17, v9;
	v15 =	vld [tilespmem:s0+$0xFFFFFFF0]  }
0x18e: {  	v5 =	vadd.f32 v22, v5;
	v6 =	vadd.f32 v23, v6;
	v17 =	vld [tilespmem:s0+$0x20]  }
0x18f: {  	v12 =	vadd.f32 v12, v8;
	v9 =	vadd.f32 v14, v9;
	v20 =	vld [tilespmem:s0+$0x30]  }
0x190: {  	v5 =	vadd.f32 v24, v5;
	v6 =	vadd.f32 v18, v6;
	v8 =	vld [tilespmem:s0+$0x60]  }
.Ltmp4:
0x191: {  	v10 =	vadd.f32 v10, v12;
	v12 =	vadd.f32 v11, v9;
	v11 =	vld [tilespmem:s0+$0x70];
	(pc) =	sbr.rel @p0 .LBB2_11-.Ltmp4, $4  }
0x192: {  	v5 =	vadd.f32 v19, v5;
	v6 =	vadd.f32 v15, v6;
	v9 =	vld [tilespmem:s0+$0xA0]  }
0x193: {  	v4 =	vadd.f32 v4, v10;
	v7 =	vadd.f32 v7, v12;
	v12 =	vld [tilespmem:s0+$0xB0]  }
0x194: {  	v14 =	vadd.f32 v17, v5;
	v15 =	vadd.f32 v20, v6;
	v10 =	vld [tilespmem:s0+$0xE0]  }
0x195: {  	v16 =	vadd.f32 v16, v4;
	v17 =	vadd.f32 v13, v7;
	v13 =	vld [tilespmem:s0+$0xF0];
	s0 =	sadd.s32 $0x200, s0  }
0x196: {  	s0 =	smin.u32 s18, $0xF2  }
0x197: {  	s0 =	sshrl.u32 s0, $0x1  }
0x198: {  	s0 =	smul.u32 $0x320, s0;
	_ =	sdelay $0x1  }
0x199: {  	s0 =	sadd.s32 $0x12C0, s0  }
0x19a: {  	s20 =	sshrl.u32 s0, $0x2  }
0x19b: {  	[tilespmem:s17], [sflag:$0x5] =	stream.indirect.gather [hbm4b:s3+s8], $0x40, s20, s8, $0xb8;
	[tilespmem:$0x14C00] =	vst v63  }
0x19c: {  	_ =	swait.ge [sflag:s30], $0x1200  }
0x19d: {  	[sflag:s30] =	ssyncset.done $0x0  }
0x19e: {  	s0 =	simm.s32 $0xE900;
	[sflag:s30] =	ssyncadd.s32 $0xFFFFEE00  }
0x19f: {  	v4 =	vld [tilespmem:s0+$0xC0]  }
0x1a0: {  	v5 =	vld [tilespmem:s0+$0xD0]  }
0x1a1: {  	v6 =	vld [tilespmem:s0+$0x80]  }
0x1a2: {  	v7 =	vld [tilespmem:s0+$0x90]  }
0x1a3: {  	v18 =	vld [tilespmem:s0+$0x40]  }
0x1a4: {  	v19 =	vld [tilespmem:s0+$0x50]  }
0x1a5: {  	v20 =	vld [tilespmem:s0+$0x0]  }
0x1a6: {  	v21 =	vld [tilespmem:s0+$0x10]  }
0x1a7: {  	v22 =	vld [tilespmem:s0+$0xFFFFFFC0]  }
0x1a8: {  	v23 =	vld [tilespmem:s0+$0xFFFFFFD0]  }
0x1a9: {  	v24 =	vld [tilespmem:s0+$0xFFFFFF80]  }
0x1aa: {  	v25 =	vld [tilespmem:s0+$0xFFFFFF90]  }
0x1ab: {  	v26 =	vld [tilespmem:s0+$0xFFFFFF40]  }
0x1ac: {  	v27 =	vld [tilespmem:s0+$0xFFFFFF50]  }
0x1ad: {  	v28 =	vld [tilespmem:s0+$0xFFFFFF00]  }
0x1ae: {  	v29 =	vld [tilespmem:s0+$0xFFFFFF10]  }
0x1af: {  	v8 =	vadd.f32 v8, v14;
	v11 =	vadd.f32 v11, v15;
	v14 =	vld [tilespmem:s0+$0xFFFFFF20]  }
0x1b0: {  	v2 =	vadd.f32 v2, v16;
	v3 =	vadd.f32 v3, v17;
	v15 =	vld [tilespmem:s0+$0xFFFFFF30]  }
0x1b1: {  	v8 =	vadd.f32 v9, v8;
	v9 =	vadd.f32 v12, v11;
	v11 =	vld [tilespmem:s0+$0xFFFFFF60]  }
0x1b2: {  	v0 =	vadd.f32 v0, v2;
	v1 =	vadd.f32 v1, v3;
	v2 =	vld [tilespmem:s0+$0xFFFFFF70]  }
0x1b3: {  	v3 =	vadd.f32 v10, v8;
	v8 =	vadd.f32 v13, v9;
	v9 =	vld [tilespmem:s0+$0xFFFFFFA0]  }
0x1b4: {  	v10 =	vld [tilespmem:s0+$0xFFFFFFB0];
	v0 =	vadd.f32 v28, v0;
	v1 =	vadd.f32 v29, v1  }
0x1b5: {  	v12 =	vld [tilespmem:s0+$0xFFFFFFE0];
	v3 =	vadd.f32 v14, v3;
	v8 =	vadd.f32 v15, v8  }
0x1b6: {  	v13 =	vld [tilespmem:s0+$0xFFFFFFF0];
	v0 =	vadd.f32 v26, v0;
	v1 =	vadd.f32 v27, v1  }
0x1b7: {  	v14 =	vld [tilespmem:s0+$0x30];
	v3 =	vadd.f32 v11, v3;
	v2 =	vadd.f32 v2, v8  }
0x1b8: {  	v11 =	vld [tilespmem:s0+$0x20];
	v8 =	vadd.f32 v24, v0;
	v1 =	vadd.f32 v25, v1  }
0x1b9: {  	v3 =	vadd.f32 v9, v3;
	v9 =	vadd.f32 v10, v2;
	v0 =	vld [tilespmem:s0+$0x60]  }
0x1ba: {  	v2 =	vld [tilespmem:s0+$0x70];
	v8 =	vadd.f32 v22, v8;
	v10 =	vadd.f32 v23, v1  }
0x1bb: {  	v3 =	vadd.f32 v12, v3;
	v9 =	vadd.f32 v13, v9;
	v1 =	vld [tilespmem:s0+$0xA0]  }
0x1bc: {  	v12 =	vadd.f32 v20, v8;
	v15 =	vadd.f32 v21, v10;
	v8 =	vld [tilespmem:s0+$0xB0]  }
0x1bd: {  	v11 =	vadd.f32 v11, v3;
	v10 =	vadd.f32 v14, v9;
	v3 =	vld [tilespmem:s0+$0xE0]  }
0x1be: {  	s22 =	simm.s32 $0x0;
	v9 =	vld [tilespmem:s0+$0xF0];
	s0 =	simm.s32 $0xEB00;
	v13 =	vadd.f32 v18, v12;
	v12 =	vadd.f32 v19, v15  }
.LBB2_13:
0x1bf: {  	v14 =	vld [tilespmem:s0+$0xC0];
	v0 =	vadd.f32 v0, v11;
	v2 =	vadd.f32 v2, v10  }
0x1c0: {  	v10 =	vld [tilespmem:s0+$0xD0];
	v11 =	vadd.f32 v6, v13;
	v12 =	vadd.f32 v7, v12  }
0x1c1: {  	v6 =	vld [tilespmem:s0+$0x80];
	v0 =	vadd.f32 v1, v0;
	v1 =	vadd.f32 v8, v2  }
0x1c2: {  	v7 =	vld [tilespmem:s0+$0x90];
	v2 =	vadd.f32 v4, v11;
	v8 =	vadd.f32 v5, v12  }
0x1c3: {  	v12 =	vld [tilespmem:s0+$0x40];
	v0 =	vadd.f32 v3, v0;
	v1 =	vadd.f32 v9, v1  }
0x1c4: {  	v9 =	vld [tilespmem:s0+$0x50];
	v4 =	vmov v14  }
0x1c5: {  	v3 =	vld [tilespmem:s0+$0x0];
	v5 =	vmov v10  }
0x1c6: {  	v10 =	vld [tilespmem:s0+$0x10]  }
0x1c7: {  	v11 =	vld [tilespmem:s0+$0xFFFFFFC0]  }
0x1c8: {  	v13 =	vld [tilespmem:s0+$0xFFFFFFD0]  }
0x1c9: {  	v14 =	vld [tilespmem:s0+$0xFFFFFF80]  }
0x1ca: {  	v15 =	vld [tilespmem:s0+$0xFFFFFF90]  }
0x1cb: {  	v16 =	vld [tilespmem:s0+$0xFFFFFF40]  }
0x1cc: {  	v17 =	vld [tilespmem:s0+$0xFFFFFF50]  }
0x1cd: {  	v18 =	vld [tilespmem:s0+$0xFFFFFF00]  }
0x1ce: {  	v19 =	vld [tilespmem:s0+$0xFFFFFF10]  }
0x1cf: {  	v20 =	vld [tilespmem:s0+$0xFFFFFF20]  }
0x1d0: {  	s22 =	sadd.s32 $0x8, s22;
	v21 =	vld [tilespmem:s0+$0xFFFFFF30]  }
0x1d1: {  	p0 =	slt.u32 s22, $0x40;
	v22 =	vld [tilespmem:s0+$0xFFFFFF60]  }
0x1d2: {  	v23 =	vld [tilespmem:s0+$0xFFFFFF70]  }
0x1d3: {  	v24 =	vld [tilespmem:s0+$0xFFFFFFA0]  }
0x1d4: {  	v2 =	vadd.f32 v18, v2;
	v8 =	vadd.f32 v19, v8;
	v18 =	vld [tilespmem:s0+$0xFFFFFFB0]  }
0x1d5: {  	v0 =	vadd.f32 v20, v0;
	v1 =	vadd.f32 v21, v1;
	v19 =	vld [tilespmem:s0+$0xFFFFFFE0]  }
0x1d6: {  	v2 =	vadd.f32 v16, v2;
	v8 =	vadd.f32 v17, v8;
	v16 =	vld [tilespmem:s0+$0xFFFFFFF0]  }
0x1d7: {  	v0 =	vadd.f32 v22, v0;
	v1 =	vadd.f32 v23, v1;
	v17 =	vld [tilespmem:s0+$0x20]  }
0x1d8: {  	v2 =	vadd.f32 v14, v2;
	v8 =	vadd.f32 v15, v8;
	v14 =	vld [tilespmem:s0+$0x30]  }
0x1d9: {  	v15 =	vadd.f32 v24, v0;
	v1 =	vadd.f32 v18, v1;
	v0 =	vld [tilespmem:s0+$0x60]  }
.Ltmp5:
0x1da: {  	v11 =	vadd.f32 v11, v2;
	v8 =	vadd.f32 v13, v8;
	v2 =	vld [tilespmem:s0+$0x70];
	(pc) =	sbr.rel @p0 .LBB2_13-.Ltmp5, $4  }
0x1db: {  	v13 =	vadd.f32 v19, v15;
	v15 =	vadd.f32 v16, v1;
	v1 =	vld [tilespmem:s0+$0xA0]  }
0x1dc: {  	v16 =	vadd.f32 v3, v11;
	v18 =	vadd.f32 v10, v8;
	v8 =	vld [tilespmem:s0+$0xB0]  }
0x1dd: {  	v11 =	vadd.f32 v17, v13;
	v10 =	vadd.f32 v14, v15;
	v3 =	vld [tilespmem:s0+$0xE0]  }
0x1de: {  	v13 =	vadd.f32 v12, v16;
	v12 =	vadd.f32 v9, v18;
	v9 =	vld [tilespmem:s0+$0xF0];
	s0 =	sadd.s32 $0x200, s0  }
0x1df: {  	_ = 	snop  }
0x1e0: {  	v0 =	vadd.f32 v0, v11;
	v6 =	vadd.f32 v6, v13  }
0x1e1: {  	v2 =	vadd.f32 v2, v10;
	v7 =	vadd.f32 v7, v12  }
0x1e2: {  	v0 =	vadd.f32 v1, v0;
	v1 =	vadd.f32 v4, v6  }
0x1e3: {  	v2 =	vadd.f32 v8, v2;
	v4 =	vadd.f32 v5, v7  }
0x1e4: {  	v0 =	vadd.f32 v3, v0;
	v1 =	vmul.f32 $4.999999890e-03, v1  }
0x1e5: {  	v2 =	vadd.f32 v9, v2;
	v3 =	vmul.f32 $4.999999890e-03, v4  }
0x1e6: {  	v0 =	vmul.f32 $4.999999890e-03, v0;
	[tilespmem:s16+$0x12C80] =	vst v1  }
0x1e7: {  	[tilespmem:s16+$0x12C90] =	vst v3;
	v1 =	vmul.f32 $4.999999890e-03, v2  }
0x1e8: {  	[tilespmem:s16+$0x12CA0] =	vst v0  }
0x1e9: {  	s0 =	sadd.s32 $0x80, s20;
	[tilespmem:s16+$0x12CB0] =	vst v1  }
0x1ea: {  	[tilespmem:s19], [sflag:$0x6] =	stream.indirect.gather [hbm4b:s3+s10], $0x40, s0, s10, $0xb8;
	[tilespmem:$0x14C00] =	vst v63  }
0x1eb: {  	_ =	swait.ge [sflag:s31], $0x2000  }
0x1ec: {  	[sflag:s31] =	ssyncset.done $0x0  }
0x1ed: {  	s22 =	simm.s32 $0xFB00;
	[sflag:s31] =	ssyncadd.s32 $0xFFFFE000  }
0x1ee: {  	v0 =	vld [tilespmem:s22+$0xC0]  }
0x1ef: {  	v1 =	vld [tilespmem:s22+$0xD0]  }
0x1f0: {  	v2 =	vld [tilespmem:s22+$0x80]  }
0x1f1: {  	v3 =	vld [tilespmem:s22+$0x90]  }
0x1f2: {  	v4 =	vld [tilespmem:s22+$0x40]  }
0x1f3: {  	v5 =	vld [tilespmem:s22+$0x50]  }
0x1f4: {  	v6 =	vld [tilespmem:s22+$0x0]  }
0x1f5: {  	v7 =	vld [tilespmem:s22+$0x10]  }
0x1f6: {  	v9 =	vld [tilespmem:s22+$0xFFFFFFC0]  }
0x1f7: {  	v10 =	vld [tilespmem:s22+$0xFFFFFFD0]  }
0x1f8: {  	v8 =	vld [tilespmem:s22+$0xFFFFFF80]  }
0x1f9: {  	v11 =	vld [tilespmem:s22+$0xFFFFFF90]  }
0x1fa: {  	v12 =	vld [tilespmem:s22+$0xFFFFFF40]  }
0x1fb: {  	v13 =	vld [tilespmem:s22+$0xFFFFFF50]  }
0x1fc: {  	v14 =	vld [tilespmem:s22+$0xFFFFFF00]  }
0x1fd: {  	v15 =	vld [tilespmem:s22+$0xFFFFFF10]  }
0x1fe: {  	v16 =	vld [tilespmem:s22+$0xFFFFFF20]  }
0x1ff: {  	v17 =	vld [tilespmem:s22+$0xFFFFFF30]  }
0x200: {  	v18 =	vld [tilespmem:s22+$0xFFFFFF60]  }
0x201: {  	v19 =	vld [tilespmem:s22+$0xFFFFFF70]  }
0x202: {  	v20 =	vimm.f32 $0.0e+00;
	v21 =	vld [tilespmem:s22+$0xFFFFFFA0]  }
0x203: {  	v22 =	vld [tilespmem:s22+$0xFFFFFFB0];
	v14 =	vadd.f32 v14, v20;
	v15 =	vadd.f32 v15, v20  }
0x204: {  	v63 =	vld [tilespmem:s22+$0xFFFFFFE0];
	v16 =	vadd.f32 v16, v20;
	v17 =	vadd.f32 v17, v20  }
0x205: {  	v12 =	vadd.f32 v12, v14;
	v13 =	vadd.f32 v13, v15;
	v14 =	vld [tilespmem:s22+$0xFFFFFFF0]  }
0x206: {  	v15 =	vadd.f32 v18, v16;
	v16 =	vadd.f32 v19, v17;
	v17 =	vld [tilespmem:s22+$0x20]  }
0x207: {  	v12 =	vadd.f32 v8, v12;
	v11 =	vadd.f32 v11, v13;
	v13 =	vld [tilespmem:s22+$0x30]  }
0x208: {  	v15 =	vadd.f32 v21, v15;
	v16 =	vadd.f32 v22, v16;
	v8 =	vld [tilespmem:s22+$0x60]  }
0x209: {  	v12 =	vadd.f32 v9, v12;
	v10 =	vadd.f32 v10, v11;
	v11 =	vld [tilespmem:s22+$0x70]  }
0x20a: {  	v15 =	vadd.f32 v63, v15;
	v9 =	vld [tilespmem:s22+$0xA0];
	v16 =	vadd.f32 v14, v16  }
0x20b: {  	v6 =	vadd.f32 v6, v12;
	v7 =	vadd.f32 v7, v10;
	v12 =	vld [tilespmem:s22+$0xB0]  }
0x20c: {  	v14 =	vadd.f32 v17, v15;
	v10 =	vld [tilespmem:s22+$0xE0];
	v15 =	vadd.f32 v13, v16  }
0x20d: {  	s20 =	simm.s32 $0x0;
	s0 =	simm.s32 $0xFD00;
	v13 =	vld [tilespmem:s22+$0xF0];
	v16 =	vadd.f32 v4, v6;
	v17 =	vadd.f32 v5, v7  }
.LBB2_15:
0x20e: {  	v4 =	vld [tilespmem:s0+$0xC0];
	v5 =	vadd.f32 v8, v14;
	v6 =	vadd.f32 v11, v15  }
0x20f: {  	v7 =	vld [tilespmem:s0+$0xD0];
	v8 =	vadd.f32 v2, v16;
	v11 =	vadd.f32 v3, v17  }
0x210: {  	v2 =	vld [tilespmem:s0+$0x80];
	v5 =	vadd.f32 v9, v5;
	v6 =	vadd.f32 v12, v6  }
0x211: {  	v3 =	vld [tilespmem:s0+$0x90];
	v8 =	vadd.f32 v0, v8;
	v9 =	vadd.f32 v1, v11  }
0x212: {  	v16 =	vld [tilespmem:s0+$0x40];
	v5 =	vadd.f32 v10, v5;
	v6 =	vadd.f32 v13, v6  }
0x213: {  	v13 =	vld [tilespmem:s0+$0x50];
	v0 =	vmov v4  }
0x214: {  	v4 =	vld [tilespmem:s0+$0x0];
	v1 =	vmov v7  }
0x215: {  	v7 =	vld [tilespmem:s0+$0x10]  }
0x216: {  	v10 =	vld [tilespmem:s0+$0xFFFFFFC0]  }
0x217: {  	v11 =	vld [tilespmem:s0+$0xFFFFFFD0]  }
0x218: {  	v12 =	vld [tilespmem:s0+$0xFFFFFF80]  }
0x219: {  	v14 =	vld [tilespmem:s0+$0xFFFFFF90]  }
0x21a: {  	v15 =	vld [tilespmem:s0+$0xFFFFFF40]  }
0x21b: {  	v17 =	vld [tilespmem:s0+$0xFFFFFF50]  }
0x21c: {  	v18 =	vld [tilespmem:s0+$0xFFFFFF00]  }
0x21d: {  	v19 =	vld [tilespmem:s0+$0xFFFFFF10]  }
0x21e: {  	v20 =	vld [tilespmem:s0+$0xFFFFFF20]  }
0x21f: {  	s20 =	sadd.s32 $0x8, s20;
	v21 =	vld [tilespmem:s0+$0xFFFFFF30]  }
0x220: {  	p0 =	slt.u32 s20, $0x78;
	v22 =	vld [tilespmem:s0+$0xFFFFFF60]  }
0x221: {  	v23 =	vld [tilespmem:s0+$0xFFFFFF70]  }
0x222: {  	v24 =	vld [tilespmem:s0+$0xFFFFFFA0]  }
0x223: {  	v8 =	vadd.f32 v18, v8;
	v9 =	vadd.f32 v19, v9;
	v18 =	vld [tilespmem:s0+$0xFFFFFFB0]  }
0x224: {  	v5 =	vadd.f32 v20, v5;
	v6 =	vadd.f32 v21, v6;
	v19 =	vld [tilespmem:s0+$0xFFFFFFE0]  }
0x225: {  	v8 =	vadd.f32 v15, v8;
	v9 =	vadd.f32 v17, v9;
	v15 =	vld [tilespmem:s0+$0xFFFFFFF0]  }
0x226: {  	v5 =	vadd.f32 v22, v5;
	v6 =	vadd.f32 v23, v6;
	v17 =	vld [tilespmem:s0+$0x20]  }
0x227: {  	v12 =	vadd.f32 v12, v8;
	v9 =	vadd.f32 v14, v9;
	v20 =	vld [tilespmem:s0+$0x30]  }
0x228: {  	v5 =	vadd.f32 v24, v5;
	v6 =	vadd.f32 v18, v6;
	v8 =	vld [tilespmem:s0+$0x60]  }
.Ltmp6:
0x229: {  	v10 =	vadd.f32 v10, v12;
	v12 =	vadd.f32 v11, v9;
	v11 =	vld [tilespmem:s0+$0x70];
	(pc) =	sbr.rel @p0 .LBB2_15-.Ltmp6, $4  }
0x22a: {  	v5 =	vadd.f32 v19, v5;
	v6 =	vadd.f32 v15, v6;
	v9 =	vld [tilespmem:s0+$0xA0]  }
0x22b: {  	v4 =	vadd.f32 v4, v10;
	v7 =	vadd.f32 v7, v12;
	v12 =	vld [tilespmem:s0+$0xB0]  }
0x22c: {  	v14 =	vadd.f32 v17, v5;
	v15 =	vadd.f32 v20, v6;
	v10 =	vld [tilespmem:s0+$0xE0]  }
0x22d: {  	v16 =	vadd.f32 v16, v4;
	v17 =	vadd.f32 v13, v7;
	v13 =	vld [tilespmem:s0+$0xF0];
	s0 =	sadd.s32 $0x200, s0  }
0x22e: {  	s0 =	smin.u32 s18, $0xF0  }
0x22f: {  	s0 =	sadd.s32 $0xE, s0  }
0x230: {  	s0 =	sshrl.u32 s0, $0x1  }
0x231: {  	s0 =	smul.u32 $0x320, s0;
	_ =	sdelay $0x1  }
0x232: {  	s18 =	sshrl.u32 s0, $0x2  }
0x233: {  	[tilespmem:s21], [sflag:$0x7] =	stream.indirect.gather [hbm4b:s3+s8], $0x40, s18, s8, $0xb8;
	[tilespmem:$0x14C00] =	vst v63  }
0x234: {  	_ =	swait.ge [sflag:s1], $0x1200  }
0x235: {  	[sflag:s1] =	ssyncset.done $0x0  }
0x236: {  	s22 =	simm.s32 $0x11B00;
	[sflag:s1] =	ssyncadd.s32 $0xFFFFEE00  }
0x237: {  	v4 =	vld [tilespmem:s22+$0xC0]  }
0x238: {  	v5 =	vld [tilespmem:s22+$0xD0]  }
0x239: {  	v6 =	vld [tilespmem:s22+$0x80]  }
0x23a: {  	v7 =	vld [tilespmem:s22+$0x90]  }
0x23b: {  	v18 =	vld [tilespmem:s22+$0x40]  }
0x23c: {  	v19 =	vld [tilespmem:s22+$0x50]  }
0x23d: {  	v20 =	vld [tilespmem:s22+$0x0]  }
0x23e: {  	v21 =	vld [tilespmem:s22+$0x10]  }
0x23f: {  	v22 =	vld [tilespmem:s22+$0xFFFFFFC0]  }
0x240: {  	v23 =	vld [tilespmem:s22+$0xFFFFFFD0]  }
0x241: {  	v24 =	vld [tilespmem:s22+$0xFFFFFF80]  }
0x242: {  	v25 =	vld [tilespmem:s22+$0xFFFFFF90]  }
0x243: {  	v26 =	vld [tilespmem:s22+$0xFFFFFF40]  }
0x244: {  	v27 =	vld [tilespmem:s22+$0xFFFFFF50]  }
0x245: {  	v28 =	vld [tilespmem:s22+$0xFFFFFF00]  }
0x246: {  	v29 =	vld [tilespmem:s22+$0xFFFFFF10]  }
0x247: {  	v8 =	vadd.f32 v8, v14;
	v11 =	vadd.f32 v11, v15;
	v14 =	vld [tilespmem:s22+$0xFFFFFF20]  }
0x248: {  	v2 =	vadd.f32 v2, v16;
	v3 =	vadd.f32 v3, v17;
	v15 =	vld [tilespmem:s22+$0xFFFFFF30]  }
0x249: {  	v8 =	vadd.f32 v9, v8;
	v9 =	vadd.f32 v12, v11;
	v11 =	vld [tilespmem:s22+$0xFFFFFF60]  }
0x24a: {  	v0 =	vadd.f32 v0, v2;
	v1 =	vadd.f32 v1, v3;
	v2 =	vld [tilespmem:s22+$0xFFFFFF70]  }
0x24b: {  	v3 =	vadd.f32 v10, v8;
	v8 =	vadd.f32 v13, v9;
	v9 =	vld [tilespmem:s22+$0xFFFFFFA0]  }
0x24c: {  	v10 =	vld [tilespmem:s22+$0xFFFFFFB0];
	v0 =	vadd.f32 v28, v0;
	v1 =	vadd.f32 v29, v1  }
0x24d: {  	v12 =	vld [tilespmem:s22+$0xFFFFFFE0];
	v3 =	vadd.f32 v14, v3;
	v8 =	vadd.f32 v15, v8  }
0x24e: {  	v13 =	vld [tilespmem:s22+$0xFFFFFFF0];
	v0 =	vadd.f32 v26, v0;
	v1 =	vadd.f32 v27, v1  }
0x24f: {  	v14 =	vld [tilespmem:s22+$0x30];
	v3 =	vadd.f32 v11, v3;
	v2 =	vadd.f32 v2, v8  }
0x250: {  	v11 =	vld [tilespmem:s22+$0x20];
	v8 =	vadd.f32 v24, v0;
	v1 =	vadd.f32 v25, v1  }
0x251: {  	v3 =	vadd.f32 v9, v3;
	v9 =	vadd.f32 v10, v2;
	v0 =	vld [tilespmem:s22+$0x60]  }
0x252: {  	v2 =	vld [tilespmem:s22+$0x70];
	v8 =	vadd.f32 v22, v8;
	v10 =	vadd.f32 v23, v1  }
0x253: {  	v3 =	vadd.f32 v12, v3;
	v9 =	vadd.f32 v13, v9;
	v1 =	vld [tilespmem:s22+$0xA0]  }
0x254: {  	v12 =	vadd.f32 v20, v8;
	v15 =	vadd.f32 v21, v10;
	v8 =	vld [tilespmem:s22+$0xB0]  }
0x255: {  	v11 =	vadd.f32 v11, v3;
	v10 =	vadd.f32 v14, v9;
	v3 =	vld [tilespmem:s22+$0xE0]  }
0x256: {  	s20 =	simm.s32 $0x0;
	s0 =	simm.s32 $0x11D00;
	v9 =	vld [tilespmem:s22+$0xF0];
	v13 =	vadd.f32 v18, v12;
	v12 =	vadd.f32 v19, v15  }
.LBB2_17:
0x257: {  	v14 =	vld [tilespmem:s0+$0xC0];
	v0 =	vadd.f32 v0, v11;
	v2 =	vadd.f32 v2, v10  }
0x258: {  	v10 =	vld [tilespmem:s0+$0xD0];
	v11 =	vadd.f32 v6, v13;
	v12 =	vadd.f32 v7, v12  }
0x259: {  	v6 =	vld [tilespmem:s0+$0x80];
	v0 =	vadd.f32 v1, v0;
	v1 =	vadd.f32 v8, v2  }
0x25a: {  	v7 =	vld [tilespmem:s0+$0x90];
	v2 =	vadd.f32 v4, v11;
	v8 =	vadd.f32 v5, v12  }
0x25b: {  	v12 =	vld [tilespmem:s0+$0x40];
	v0 =	vadd.f32 v3, v0;
	v1 =	vadd.f32 v9, v1  }
0x25c: {  	v9 =	vld [tilespmem:s0+$0x50];
	v4 =	vmov v14  }
0x25d: {  	v3 =	vld [tilespmem:s0+$0x0];
	v5 =	vmov v10  }
0x25e: {  	v10 =	vld [tilespmem:s0+$0x10]  }
0x25f: {  	v11 =	vld [tilespmem:s0+$0xFFFFFFC0]  }
0x260: {  	v13 =	vld [tilespmem:s0+$0xFFFFFFD0]  }
0x261: {  	v14 =	vld [tilespmem:s0+$0xFFFFFF80]  }
0x262: {  	v15 =	vld [tilespmem:s0+$0xFFFFFF90]  }
0x263: {  	v16 =	vld [tilespmem:s0+$0xFFFFFF40]  }
0x264: {  	v17 =	vld [tilespmem:s0+$0xFFFFFF50]  }
0x265: {  	v18 =	vld [tilespmem:s0+$0xFFFFFF00]  }
0x266: {  	v19 =	vld [tilespmem:s0+$0xFFFFFF10]  }
0x267: {  	v20 =	vld [tilespmem:s0+$0xFFFFFF20]  }
0x268: {  	s20 =	sadd.s32 $0x8, s20;
	v21 =	vld [tilespmem:s0+$0xFFFFFF30]  }
0x269: {  	p0 =	slt.u32 s20, $0x40;
	v22 =	vld [tilespmem:s0+$0xFFFFFF60]  }
0x26a: {  	v23 =	vld [tilespmem:s0+$0xFFFFFF70]  }
0x26b: {  	v24 =	vld [tilespmem:s0+$0xFFFFFFA0]  }
0x26c: {  	v2 =	vadd.f32 v18, v2;
	v8 =	vadd.f32 v19, v8;
	v18 =	vld [tilespmem:s0+$0xFFFFFFB0]  }
0x26d: {  	v0 =	vadd.f32 v20, v0;
	v1 =	vadd.f32 v21, v1;
	v19 =	vld [tilespmem:s0+$0xFFFFFFE0]  }
0x26e: {  	v2 =	vadd.f32 v16, v2;
	v8 =	vadd.f32 v17, v8;
	v16 =	vld [tilespmem:s0+$0xFFFFFFF0]  }
0x26f: {  	v0 =	vadd.f32 v22, v0;
	v1 =	vadd.f32 v23, v1;
	v17 =	vld [tilespmem:s0+$0x20]  }
0x270: {  	v2 =	vadd.f32 v14, v2;
	v8 =	vadd.f32 v15, v8;
	v14 =	vld [tilespmem:s0+$0x30]  }
0x271: {  	v15 =	vadd.f32 v24, v0;
	v1 =	vadd.f32 v18, v1;
	v0 =	vld [tilespmem:s0+$0x60]  }
.Ltmp7:
0x272: {  	v11 =	vadd.f32 v11, v2;
	v8 =	vadd.f32 v13, v8;
	v2 =	vld [tilespmem:s0+$0x70];
	(pc) =	sbr.rel @p0 .LBB2_17-.Ltmp7, $4  }
0x273: {  	v13 =	vadd.f32 v19, v15;
	v15 =	vadd.f32 v16, v1;
	v1 =	vld [tilespmem:s0+$0xA0]  }
0x274: {  	v16 =	vadd.f32 v3, v11;
	v18 =	vadd.f32 v10, v8;
	v8 =	vld [tilespmem:s0+$0xB0]  }
0x275: {  	v11 =	vadd.f32 v17, v13;
	v10 =	vadd.f32 v14, v15;
	v3 =	vld [tilespmem:s0+$0xE0]  }
0x276: {  	v13 =	vadd.f32 v12, v16;
	v12 =	vadd.f32 v9, v18;
	v9 =	vld [tilespmem:s0+$0xF0];
	s0 =	sadd.s32 $0x200, s0  }
0x277: {  	_ = 	snop  }
0x278: {  	v0 =	vadd.f32 v0, v11;
	v6 =	vadd.f32 v6, v13  }
0x279: {  	v2 =	vadd.f32 v2, v10;
	v7 =	vadd.f32 v7, v12  }
0x27a: {  	v0 =	vadd.f32 v1, v0;
	v60 =	vadd.f32 v4, v6  }
0x27b: {  	v2 =	vadd.f32 v8, v2;
	v61 =	vadd.f32 v5, v7  }
0x27c: {  	s14 =	sadd.s32 $0x1, s14;
	v0 =	vadd.f32 v3, v0;
	v1 =	vmul.f32 $4.999999890e-03, v60  }
0x27d: {  	p0 =	sne.s32 s14, $0x20;
	v2 =	vadd.f32 v9, v2;
	v62 =	vmul.f32 $4.999999890e-03, v61  }
.Ltmp8:
0x27e: {  	v0 =	vmul.f32 $4.999999890e-03, v0;
	[tilespmem:s16+$0x12CC0] =	vst v1;
	(pc) =	sbr.rel @p0 .LBB2_2-.Ltmp8, $4  }
0x27f: {  	v63 =	vmul.f32 $4.999999890e-03, v2;
	[tilespmem:s16+$0x12CD0] =	vst v62  }
0x280: {  	[tilespmem:s16+$0x12CE0] =	vst v0  }
0x281: {  	s0 =	sadd.s32 $0x80, s18;
	[tilespmem:s16+$0x12CF0] =	vst v63  }
0x282: {  	[tilespmem:s23], [sflag:$0x8] =	stream.indirect.gather [hbm4b:s3+s10], $0x40, s0, s10, $0xb8;
	[tilespmem:$0x14C00] =	vst v63  }
0x283: {  	_ =	swait.ge [sflag:s24], $0x2000  }
0x284: {  	[sflag:s24] =	ssyncset.done $0x0  }
0x285: {  	[sflag:s24] =	ssyncadd.s32 $0xFFFFE000  }
0x286: {  	_ =	swait.ge [sflag:s25], $0x1200  }
0x287: {  	[sflag:s25] =	ssyncset.done $0x0  }
0x288: {  	[sflag:s25] =	ssyncadd.s32 $0xFFFFEE00  }
0x289: {  	_ =	swait.ge [sflag:s26], $0x2000  }
0x28a: {  	[sflag:s26] =	ssyncset.done $0x0  }
0x28b: {  	[sflag:s26] =	ssyncadd.s32 $0xFFFFE000  }
0x28c: {  	_ =	swait.ge [sflag:s28], $0x1200  }
0x28d: {  	[sflag:s28] =	ssyncset.done $0x0  }
0x28e: {  	[sflag:s28] =	ssyncadd.s32 $0xFFFFEE00  }
0x28f: {  	_ =	swait.ge [sflag:s29], $0x2000  }
0x290: {  	[sflag:s29] =	ssyncset.done $0x0  }
0x291: {  	[sflag:s29] =	ssyncadd.s32 $0xFFFFE000  }
0x292: {  	_ =	swait.ge [sflag:s30], $0x1200  }
0x293: {  	[sflag:s30] =	ssyncset.done $0x0  }
0x294: {  	[sflag:s30] =	ssyncadd.s32 $0xFFFFEE00  }
0x295: {  	_ =	swait.ge [sflag:s31], $0x2000  }
0x296: {  	[sflag:s31] =	ssyncset.done $0x0  }
0x297: {  	[sflag:s31] =	ssyncadd.s32 $0xFFFFE000  }
0x298: {  	s12 =	sadd.s32 $0x1, s12;
	_ =	swait.ge [sflag:s1], $0x1200  }
0x299: {  	p0 =	sne.s32 s12, s6;
	[sflag:s1] =	ssyncset.done $0x0  }
.Ltmp9:
0x29a: {  	s0 =	simm.s32 $0x12C00;
	[sflag:s1] =	ssyncadd.s32 $0xFFFFEE00;
	(pc) =	sbr.rel @p0 .LBB2_1-.Ltmp9, $4  }
0x29b: {  	[hbm4b:s5+s2] =	stream.linear.scatter [tilespmem:s0], [sflag:$0x9], $0x2000, $0x38;
	[tilespmem:$0x14C00] =	vst v63  }
0x29c: {  	_ =	swait.ge [sflag:s7], $0x2000  }
0x29d: {  	[sflag:s7] =	ssyncset.done $0x0  }
0x29e: {  	[sflag:s7] =	ssyncadd.s32 $0xFFFFE000  }
0x29f: {  	_ =	sfence.sel $0x180000  }
0x2a0: {  	[bflag:$0x0] =	sbarrier.arrive $0xFFFF  }
0x2a1: {  	_ =	strace $0x90000047  }
0x2a2: {  	s0 =	stileid.u32;
	[bflag:$0x2] =	sbarrier.arrive $0xFFFF  }
0x2a3: {  	p0 =	sne.s32 s0, $0x0;
	s0 =	rddreg [dreg:$0x1]  }
0x2a4: {  	s0 =	sadd.s32 @!p0 $0x100000, s0  }
0x2a5: {  	[sflag:s0] =	ssyncadd.tile.s32 @!p0 $0x1;
	_ =	shalt  }
.Lfunc_end2:
_tile_overlayer_lowered:
.L_overlay_start_2:
0x2a6: {  	(tag) =	ssettag $0x2  }
0x2a7: {  	s0 =	rddreg [dreg:$0x0];
	s2 =	stileid.u32  }
0x2a8: {  	s1 =	rddreg [dreg:$0x1];
	p0 =	sne.s32 s2, $0x0  }
0x2a9: {  	s3 =	rddreg [dreg:$0x2];
	[bflag:$0x3] =	sbarrier.arrive $0xFFFF;
	s2 =	simm.s32 @!p0 $0x1C09  }
0x2aa: {  	[timem:s3], [sflag:s2] =	dma.local @!p0 [hbm:s0], s1  }
0x2ab: {  	s0 =	simm.s32 @!p0 $0x9  }
0x2ac: {  	_ =	swait.ge @!p0 [sflag:s0], s1  }
0x2ad: {  	s1 =	ssub.s32 @!p0 $0x0, s1;
	[sflag:s0] =	ssyncset.done @!p0 $0x0  }
0x2ae: {  	[sflag:s0] =	ssyncadd.s32 @!p0 s1  }
0x2af: {  	[bflag:$0x3] =	sbarrier.arrive $0xFFFF  }
0x2b0: {  	_ =	shalt  }

</sc_bundles>
